<compile_context>
chip_gen: v7x
topology: tpu7x:2x2x1
jax: 0.10.2.dev20260603
libtpu: 0.0.44.dev20260713+nightly
codegen_flags: <defaults>
</compile_context>

<pallas_src>
import functools

import jax
import jax.numpy as jnp
from jax import lax
from jax.experimental import pallas as pl
from jax.experimental.pallas import tpu as pltpu
from jax.experimental.pallas import tpu_sc as plsc

ED = 768
CD = 256
OUT = 800
K = 8192
NH = 12
HD = ED // NH
MLP = 4 * ED
B = 16
N = 256
IN = 800
M = B * N
BM = 256
NRB = M // BM
BK = 256
NKB = K // BK

_f32 = jnp.float32


def _ln_block(a, g, b):
    m = jnp.mean(a, axis=1, keepdims=True)
    v = jnp.mean((a - m) ** 2, axis=1, keepdims=True)
    return g * (a - m) / jnp.sqrt(v + 1e-5) + b





_bf16 = jnp.bfloat16


def _dot(a, b):
    return jnp.dot(a.astype(_bf16), b, preferred_element_type=_f32)


def _block_body(x, refs):
    (in_W, in_b, ln1_g, ln1_b, qkv_W, qkv_b, o_W, o_b,
     ln2_g, ln2_b, fc1_W, fc1_b, fc2_W, fc2_b) = [r[...] for r in refs]
    h = _dot(x, in_W) + in_b
    qkv = _dot(_ln_block(h, ln1_g, ln1_b), qkv_W) + qkv_b
    scale = 1.0 / (HD ** 0.5)
    parts = []
    qkv16 = qkv.astype(_bf16)
    for hh in range(NH):
        q = qkv16[:, hh * HD:(hh + 1) * HD]
        k = qkv16[:, ED + hh * HD:ED + (hh + 1) * HD]
        v = qkv16[:, 2 * ED + hh * HD:2 * ED + (hh + 1) * HD]
        s = lax.dot_general(q, k, (((1,), (1,)), ((), ())),
                            preferred_element_type=_f32) * scale
        mx = jnp.max(s, axis=1, keepdims=True)
        e = jnp.exp(s - mx)
        r = 1.0 / jnp.sum(e, axis=1, keepdims=True)
        parts.append(_dot(e, v) * r)
    o = jnp.concatenate(parts, axis=1)
    h = h + _dot(o, o_W) + o_b
    g = jax.nn.gelu((_dot(_ln_block(h, ln2_g, ln2_b), fc1_W)
                     + fc1_b).astype(_bf16))
    return h + _dot(g, fc2_W) + fc2_b


def _block_weights(P, pre):
    names = ["in_W", "in_b", "ln1_g", "ln1_b", "qkv_W", "qkv_b", "o_W",
             "o_b", "ln2_g", "ln2_b", "fc1_W", "fc1_b", "fc2_W", "fc2_b"]
    ws = []
    for n in names:
        w = P[pre + n]
        ws.append(w.reshape(1, -1) if w.ndim == 1 else w.astype(_bf16))
    return ws


def _const_specs(arrs):
    return [pl.BlockSpec(a.shape, lambda i, nd=a.ndim: (0,) * nd)
            for a in arrs]


def _enc_mega(x2d, P):
    ws = _block_weights(P, "enc_") + [
        P["ep1_W"], P["ep1_b"].reshape(1, ED),
        P["ep2_W"], P["ep2_b"].reshape(1, CD)]

    def body(x_ref, *refs):
        emb_ref, zn_ref, idx_ref, et_ref = refs[-4], refs[-3], refs[-2], refs[-1]

        @pl.when(pl.program_id(0) == 0)
        def _stage_codebook():
            for c in range(NKB):
                sl = pl.ds(c * BK, BK)
                et_ref[sl, :] = emb_ref[sl, :].astype(_bf16)

        h = _block_body(x_ref[...], refs[:14])
        ep1_W, ep1_b, ep2_W, ep2_b = [r[...] for r in refs[14:18]]
        t = jnp.tanh((_dot(h, ep1_W) + ep1_b).astype(_bf16))
        z = _dot(t, ep2_W) + ep2_b
        n = jnp.sqrt(jnp.sum(z * z, axis=1, keepdims=True))
        zn = z / jnp.maximum(n, 1e-12)
        zn_ref[...] = zn
        zn16 = zn.astype(_bf16)
        bv = jnp.full((BM, 1), jnp.inf, _f32)
        bi = jnp.zeros((BM, 1), _f32)
        iota = lax.broadcasted_iota(jnp.int32, (BM, BK), 1).astype(_f32)
        ones_cd = jnp.ones((1, CD), _f32).astype(_bf16)
        for c in range(NKB):
            e = et_ref[c * BK:(c + 1) * BK, :]
            scores = lax.dot_general(zn16, e, (((1,), (1,)), ((), ())),
                                     preferred_element_type=_f32)
            esq = lax.dot_general(ones_cd, e * e, (((1,), (1,)), ((), ())),
                                  preferred_element_type=_f32)
            val = esq - 2.0 * scores
            mn = jnp.min(val, axis=1, keepdims=True)
            am = jnp.min(jnp.where(val == mn, iota, float(K)), axis=1,
                         keepdims=True)
            gidx = am + float(BK) * c
            better = mn < bv
            bi = jnp.where(better, gidx, bi)
            bv = jnp.where(better, mn, bv)
        idx_ref[...] = bi.astype(jnp.int32)

    return pl.pallas_call(
        body,
        grid=(NRB,),
        in_specs=([pl.BlockSpec((BM, IN), lambda i: (i, 0))]
                  + _const_specs(ws)
                  + [pl.BlockSpec((K, CD), lambda i: (0, 0))]),
        out_specs=[pl.BlockSpec((BM, CD), lambda i: (i, 0)),
                   pl.BlockSpec((BM, 1), lambda i: (i, 0))],
        out_shape=[jax.ShapeDtypeStruct((M, CD), _f32),
                   jax.ShapeDtypeStruct((M, 1), jnp.int32)],
        scratch_shapes=[pltpu.VMEM((K, CD), _bf16)],
    )(x2d, *ws, P["emb"])


def _dec_mega(zq, P, x2d, zn):
    ws = _block_weights(P, "dec_") + [
        P["dp1_W"], P["dp1_b"].reshape(1, ED),
        P["dp2_W"], P["dp2_b"].reshape(1, OUT)]

    def body(z_ref, *refs):
        x_ref, zn_ref, loss_ref = refs[-3], refs[-2], refs[-1]

        @pl.when(pl.program_id(0) == 0)
        def _init():
            loss_ref[...] = jnp.zeros((1, 1), _f32)

        zq_blk = z_ref[...]
        n = jnp.sqrt(jnp.sum(zq_blk * zq_blk, axis=1, keepdims=True))
        vn = zq_blk / jnp.maximum(n, 1e-12)
        dv = zn_ref[...] - vn
        vq_part = jnp.sum(dv * dv)

        h = _block_body(zq_blk, refs[:14])
        dp1_W, dp1_b, dp2_W, dp2_b = [r[...] for r in refs[14:18]]
        t = jnp.tanh((_dot(h, dp1_W) + dp1_b).astype(_bf16))
        xr = _dot(t, dp2_W) + dp2_b
        d = xr - x_ref[...]
        rec_part = jnp.sum(d * d)
        loss_ref[...] += (rec_part * (1.0 / (M * IN))
                          + vq_part * (1.25 / (M * CD))).reshape(1, 1)

    return pl.pallas_call(
        body,
        grid=(NRB,),
        in_specs=([pl.BlockSpec((BM, CD), lambda i: (i, 0))]
                  + _const_specs(ws)
                  + [pl.BlockSpec((BM, OUT), lambda i: (i, 0)),
                     pl.BlockSpec((BM, CD), lambda i: (i, 0))]),
        out_specs=pl.BlockSpec((1, 1), lambda i: (0, 0)),
        out_shape=jax.ShapeDtypeStruct((1, 1), _f32),
    )(zq, *ws, x2d, zn)




def _sc_gather(table, idx):
    info = plsc.get_sparse_core_info()
    nw = info.num_cores * info.num_subcores
    b_per_w = M // nw
    mesh = plsc.VectorSubcoreMesh(core_axis_name="c", subcore_axis_name="s")

    @functools.partial(
        pl.kernel,
        mesh=mesh,
        out_type=jax.ShapeDtypeStruct((M, CD), _f32),
        scratch_types=[
            pltpu.VMEM((b_per_w,), jnp.int32),
            pltpu.VMEM((b_per_w, CD), _f32),
            pltpu.SemaphoreType.DMA,
        ],
    )
    def gather_kernel(table_hbm, idx_hbm, out_hbm, idx_v, rows_v, sem):
        wid = lax.axis_index("s") * info.num_cores + lax.axis_index("c")
        base = wid * b_per_w
        pltpu.sync_copy(idx_hbm.at[pl.ds(base, b_per_w)], idx_v)
        pltpu.async_copy(table_hbm.at[idx_v], rows_v, sem).wait()
        pltpu.sync_copy(rows_v, out_hbm.at[pl.ds(base, b_per_w)])

    return gather_kernel(table, idx)




def kernel(x, params):
    P = params
    x2d = x.reshape(M, IN)
    zn, idx = _enc_mega(x2d, P)
    zq = _sc_gather(P["emb"], idx.reshape(M))
    return _dec_mega(zq, P, x2d, zn)[0, 0]

# --- scband reference (transcript-rebuilt; emitter-appended) ---
"""Pipeline reference for scband-vqaemg-28278064677185 (READ-ONLY COPY).

The authoritative reference and input builder live on the scoring server;
editing this copy changes nothing except your own understanding.
"""

import jax, jax.numpy as jnp
import numpy as np

ED = 768
CD = 256
OUT = 800
K = 8192
NH = 12
HD = ED // NH
MLP = 4 * ED
B = 16
N = 256
IN = 800

def setup_inputs(seed: int = 0):
    key = jax.random.key(seed)
    ks = iter(jax.random.split(key, 64))
    def p(shape, std=0.02):
        return (std * jax.random.normal(next(ks), shape)).astype(jnp.float32)
    params = {}
    for pre, ind in (("enc_", IN), ("dec_", CD)):
        params[pre + "in_W"] = p((ind, ED)); params[pre + "in_b"] = jnp.zeros((ED,), jnp.float32)
        params[pre + "ln1_g"] = jnp.ones((ED,), jnp.float32); params[pre + "ln1_b"] = jnp.zeros((ED,), jnp.float32)
        params[pre + "qkv_W"] = p((ED, 3 * ED)); params[pre + "qkv_b"] = jnp.zeros((3 * ED,), jnp.float32)
        params[pre + "o_W"] = p((ED, ED)); params[pre + "o_b"] = jnp.zeros((ED,), jnp.float32)
        params[pre + "ln2_g"] = jnp.ones((ED,), jnp.float32); params[pre + "ln2_b"] = jnp.zeros((ED,), jnp.float32)
        params[pre + "fc1_W"] = p((ED, MLP)); params[pre + "fc1_b"] = jnp.zeros((MLP,), jnp.float32)
        params[pre + "fc2_W"] = p((MLP, ED)); params[pre + "fc2_b"] = jnp.zeros((ED,), jnp.float32)
    params["emb"] = jax.random.uniform(next(ks), (K, CD), jnp.float32, -1.0 / K, 1.0 / K)
    params["ep1_W"] = p((ED, ED)); params["ep1_b"] = jnp.zeros((ED,), jnp.float32)
    params["ep2_W"] = p((ED, CD)); params["ep2_b"] = jnp.zeros((CD,), jnp.float32)
    params["dp1_W"] = p((ED, ED)); params["dp1_b"] = jnp.zeros((ED,), jnp.float32)
    params["dp2_W"] = p((ED, OUT)); params["dp2_b"] = jnp.zeros((OUT,), jnp.float32)
    x = jax.random.normal(next(ks), (B, N, IN), jnp.float32)
    return {"x": x, "params": params}

def _ln(x, g, b):
    m = jnp.mean(x, -1, keepdims=True)
    v = jnp.var(x, -1, keepdims=True)
    return g * (x - m) / jnp.sqrt(v + 1e-5) + b

def _l2norm(t):
    return t / jnp.maximum(jnp.linalg.norm(t, axis=-1, keepdims=True), 1e-12)

def _backbone(x, P, pre):
    h = x @ P[pre + "in_W"] + P[pre + "in_b"]
    b, n, d = h.shape
    a = _ln(h, P[pre + "ln1_g"], P[pre + "ln1_b"])
    qkv = a @ P[pre + "qkv_W"] + P[pre + "qkv_b"]
    q, k, v = jnp.split(qkv, 3, axis=-1)
    sp = lambda t: t.reshape(b, n, NH, HD).transpose(0, 2, 1, 3)
    q, k, v = sp(q), sp(k), sp(v)
    att = jax.nn.softmax(q @ k.transpose(0, 1, 3, 2) / np.sqrt(HD), axis=-1)
    o = (att @ v).transpose(0, 2, 1, 3).reshape(b, n, d)
    h = h + o @ P[pre + "o_W"] + P[pre + "o_b"]
    a = _ln(h, P[pre + "ln2_g"], P[pre + "ln2_b"])
    h = h + jax.nn.gelu(a @ P[pre + "fc1_W"] + P[pre + "fc1_b"]) @ P[pre + "fc2_W"] + P[pre + "fc2_b"]
    return h

def _forward(x, P):
    h = _backbone(x, P, "enc_")
    z = jnp.tanh(h @ P["ep1_W"] + P["ep1_b"]) @ P["ep2_W"] + P["ep2_b"]
    z_norm = _l2norm(z)
    E = P["emb"]
    d = jnp.sum(z_norm ** 2, -1, keepdims=True) + jnp.sum(E ** 2, 1) - 2.0 * jnp.einsum("bnd,kd->bnk", z_norm, E)
    idx = jnp.argmin(d, -1)
    z_q = jnp.take(E, idx, axis=0)
    hd = _backbone(z_q, P, "dec_")
    x_rec = jnp.tanh(hd @ P["dp1_W"] + P["dp1_b"]) @ P["dp2_W"] + P["dp2_b"]
    mse = lambda a, b2: jnp.mean((a - b2) ** 2)
    L_rec = mse(x_rec, x)
    v_sel = jnp.take(E, idx, axis=0)
    L_vocab = mse(jax.lax.stop_gradient(z_norm), _l2norm(v_sel))
    L_commit = mse(z_norm, jax.lax.stop_gradient(_l2norm(v_sel)))
    return L_rec + L_vocab + 0.25 * L_commit

def reference(x, params):
    return _forward(x, params)

if __name__ == "__main__":
    import jax
    _d = setup_inputs()
    print(jax.jit(kernel)(*tuple(_d.values())))

</pallas_src>

<mosaic_0001>
#map = affine_map<(d0, d1) -> (0, 0)>
#map1 = affine_map<(d0, d1) -> (0)>
module attributes {stable_mosaic.version = 14 : i64} {
  func.func @gather_kernel(%arg0: i32, %arg1: i32, %arg2: memref<8192x256xf32, #tpu.memory_space<hbm>>, %arg3: memref<4096xi32, #tpu.memory_space<hbm>>, %arg4: memref<4096x256xf32, #tpu.memory_space<hbm>>, %arg5: memref<128xi32, #tpu.memory_space<vmem>>, %arg6: memref<128x256xf32, #tpu.memory_space<vmem>>, %arg7: memref<!tpu.dma_semaphore, #tpu.memory_space<semaphore_mem>>) attributes {dimension_semantics = [#tpu.dimension_semantics<core_parallel>, #tpu.dimension_semantics<subcore_parallel>], iteration_bounds = array<i64: 2, 16>, scalar_prefetch = 0 : i64, scratch_operands = 3 : i64, tpu.core_type = #tpu.core_type<sc_vector_subcore>, window_params = [{transform_indices = #map}, {transform_indices = #map1}, {transform_indices = #map}]} {
    %mul3A = arith.constant 2 : i32
    %mul3A_0 = arith.muli %arg1, %mul3A : i32
    %add3A = arith.addi %mul3A_0, %arg0 : i32
    %mul3A_1 = arith.constant 128 : i32
    %mul3A_2 = arith.muli %add3A, %mul3A_1 : i32
    "tpu.region"() ({
      %run_scoped3A = tpu.sem_alloc : memref<!tpu.dma_semaphore, #tpu.memory_space<semaphore_mem>>
      %dma_start3A_7 = tpu.memref_slice %arg3[%mul3A_2] : memref<4096xi32, #tpu.memory_space<hbm>> -> memref<128xi32, #tpu.memory_space<hbm>>
      %dma_start3A_8 = tpu.memref_slice %arg3[%mul3A_2] : memref<4096xi32, #tpu.memory_space<hbm>> -> memref<128xi32, #tpu.memory_space<hbm>>
      tpu.enqueue_dma source(%dma_start3A_8 : memref<128xi32, #tpu.memory_space<hbm>>) target(%arg5 : memref<128xi32, #tpu.memory_space<vmem>>) target_semaphore(%run_scoped3A : memref<!tpu.dma_semaphore, #tpu.memory_space<semaphore_mem>>)
      %dma_wait3A_9 = tpu.memref_slice %arg3[%mul3A_2] : memref<4096xi32, #tpu.memory_space<hbm>> -> memref<128xi32, #tpu.memory_space<hbm>>
      %dma_wait3A_10 = tpu.memref_slice %arg3[%mul3A_2] : memref<4096xi32, #tpu.memory_space<hbm>> -> memref<128xi32, #tpu.memory_space<hbm>>
      tpu.wait_dma2 semaphore(%run_scoped3A : memref<!tpu.dma_semaphore, #tpu.memory_space<semaphore_mem>>) src(%dma_wait3A_10 : memref<128xi32, #tpu.memory_space<hbm>>) dst(%arg5 : memref<128xi32, #tpu.memory_space<vmem>>)
      tpu.yield
    }) : () -> ()
    %dma_start3A = arith.constant 0 : i32
    %dma_start3A_3 = arith.constant 0 : i32
    %dma_start3A_4 = tpu.memref_slice %arg2[%dma_start3A, %dma_start3A_3] : memref<8192x256xf32, #tpu.memory_space<hbm>> -> memref<8192x256xf32, #tpu.memory_space<hbm>>
    tpu.enqueue_indirect_dma source(%dma_start3A_4 : memref<8192x256xf32, #tpu.memory_space<hbm>>) target(%arg6 : memref<128x256xf32, #tpu.memory_space<vmem>>) offsets(%arg5 : memref<128xi32, #tpu.memory_space<vmem>>) semaphore(%arg7 : memref<!tpu.dma_semaphore, #tpu.memory_space<semaphore_mem>>)
    %dma_wait3A = arith.constant 0 : i32
    %dma_wait3A_5 = arith.constant 0 : i32
    %dma_wait3A_6 = tpu.memref_slice %arg2[%dma_wait3A, %dma_wait3A_5] : memref<8192x256xf32, #tpu.memory_space<hbm>> -> memref<8192x256xf32, #tpu.memory_space<hbm>>
    tpu.wait_indirect_dma semaphore(%arg7 : memref<!tpu.dma_semaphore, #tpu.memory_space<semaphore_mem>>) src(%dma_wait3A_6 : memref<8192x256xf32, #tpu.memory_space<hbm>>) dst(%arg6 : memref<128x256xf32, #tpu.memory_space<vmem>>)
    "tpu.region"() ({
      %run_scoped3A = tpu.sem_alloc : memref<!tpu.dma_semaphore, #tpu.memory_space<semaphore_mem>>
      %dma_start3A_7 = arith.constant 0 : i32
      %dma_start3A_8 = tpu.memref_slice %arg4[%mul3A_2, %dma_start3A_7] : memref<4096x256xf32, #tpu.memory_space<hbm>> -> memref<128x256xf32, #tpu.memory_space<hbm>>
      %dma_start3A_9 = arith.constant 0 : i32
      %dma_start3A_10 = tpu.memref_slice %arg4[%mul3A_2, %dma_start3A_9] : memref<4096x256xf32, #tpu.memory_space<hbm>> -> memref<128x256xf32, #tpu.memory_space<hbm>>
      tpu.enqueue_dma source(%arg6 : memref<128x256xf32, #tpu.memory_space<vmem>>) target(%dma_start3A_10 : memref<128x256xf32, #tpu.memory_space<hbm>>) target_semaphore(%run_scoped3A : memref<!tpu.dma_semaphore, #tpu.memory_space<semaphore_mem>>)
      %dma_wait3A_11 = arith.constant 0 : i32
      %dma_wait3A_12 = tpu.memref_slice %arg4[%mul3A_2, %dma_wait3A_11] : memref<4096x256xf32, #tpu.memory_space<hbm>> -> memref<128x256xf32, #tpu.memory_space<hbm>>
      %dma_wait3A_13 = arith.constant 0 : i32
      %dma_wait3A_14 = tpu.memref_slice %arg4[%mul3A_2, %dma_wait3A_13] : memref<4096x256xf32, #tpu.memory_space<hbm>> -> memref<128x256xf32, #tpu.memory_space<hbm>>
      tpu.wait_dma2 semaphore(%run_scoped3A : memref<!tpu.dma_semaphore, #tpu.memory_space<semaphore_mem>>) src(%arg6 : memref<128x256xf32, #tpu.memory_space<vmem>>) dst(%dma_wait3A_14 : memref<128x256xf32, #tpu.memory_space<hbm>>)
      tpu.yield
    }) : () -> ()
    return
  }
}

module attributes {stable_mosaic.version = 14 : i64} {
  func.func @body(%arg0: i32, %arg1: memref<256x800xf32, #tpu.memory_space<vmem>>, %arg2: memref<800x768xbf16, #tpu.memory_space<vmem>>, %arg3: memref<1x768xf32, #tpu.memory_space<vmem>>, %arg4: memref<1x768xf32, #tpu.memory_space<vmem>>, %arg5: memref<1x768xf32, #tpu.memory_space<vmem>>, %arg6: memref<768x2304xbf16, #tpu.memory_space<vmem>>, %arg7: memref<1x2304xf32, #tpu.memory_space<vmem>>, %arg8: memref<768x768xbf16, #tpu.memory_space<vmem>>, %arg9: memref<1x768xf32, #tpu.memory_space<vmem>>, %arg10: memref<1x768xf32, #tpu.memory_space<vmem>>, %arg11: memref<1x768xf32, #tpu.memory_space<vmem>>, %arg12: memref<768x3072xbf16, #tpu.memory_space<vmem>>, %arg13: memref<1x3072xf32, #tpu.memory_space<vmem>>, %arg14: memref<3072x768xbf16, #tpu.memory_space<vmem>>, %arg15: memref<1x768xf32, #tpu.memory_space<vmem>>, %arg16: memref<768x768xf32, #tpu.memory_space<vmem>>, %arg17: memref<1x768xf32, #tpu.memory_space<vmem>>, %arg18: memref<768x256xf32, #tpu.memory_space<vmem>>, %arg19: memref<1x256xf32, #tpu.memory_space<vmem>>, %arg20: memref<8192x256xf32, #tpu.memory_space<vmem>>, %arg21: memref<256x256xf32, #tpu.memory_space<vmem>>, %arg22: memref<256x1xi32, #tpu.memory_space<vmem>>, %arg23: memref<8192x256xbf16, #tpu.memory_space<vmem>>) attributes {dimension_semantics = [#tpu.dimension_semantics<arbitrary>], iteration_bounds = array<i64: 16>, scalar_prefetch = 0 : i64, scratch_operands = 1 : i64, tpu.core_type = #tpu.core_type<tc>, window_params = [{transform_indices = @transform_0, window_bounds = array<i64: 256, 800>}, {pipeline_mode = #tpu.pipeline_mode<synchronous>, transform_indices = @transform_1, window_bounds = array<i64: 800, 768>}, {pipeline_mode = #tpu.pipeline_mode<synchronous>, transform_indices = @transform_2, window_bounds = array<i64: 1, 768>}, {pipeline_mode = #tpu.pipeline_mode<synchronous>, transform_indices = @transform_3, window_bounds = array<i64: 1, 768>}, {pipeline_mode = #tpu.pipeline_mode<synchronous>, transform_indices = @transform_4, window_bounds = array<i64: 1, 768>}, {pipeline_mode = #tpu.pipeline_mode<synchronous>, transform_indices = @transform_5, window_bounds = array<i64: 768, 2304>}, {pipeline_mode = #tpu.pipeline_mode<synchronous>, transform_indices = @transform_6, window_bounds = array<i64: 1, 2304>}, {pipeline_mode = #tpu.pipeline_mode<synchronous>, transform_indices = @transform_7, window_bounds = array<i64: 768, 768>}, {pipeline_mode = #tpu.pipeline_mode<synchronous>, transform_indices = @transform_8, window_bounds = array<i64: 1, 768>}, {pipeline_mode = #tpu.pipeline_mode<synchronous>, transform_indices = @transform_9, window_bounds = array<i64: 1, 768>}, {pipeline_mode = #tpu.pipeline_mode<synchronous>, transform_indices = @transform_10, window_bounds = array<i64: 1, 768>}, {pipeline_mode = #tpu.pipeline_mode<synchronous>, transform_indices = @transform_11, window_bounds = array<i64: 768, 3072>}, {pipeline_mode = #tpu.pipeline_mode<synchronous>, transform_indices = @transform_12, window_bounds = array<i64: 1, 3072>}, {pipeline_mode = #tpu.pipeline_mode<synchronous>, transform_indices = @transform_13, window_bounds = array<i64: 3072, 768>}, {pipeline_mode = #tpu.pipeline_mode<synchronous>, transform_indices = @transform_14, window_bounds = array<i64: 1, 768>}, {pipeline_mode = #tpu.pipeline_mode<synchronous>, transform_indices = @transform_15, window_bounds = array<i64: 768, 768>}, {pipeline_mode = #tpu.pipeline_mode<synchronous>, transform_indices = @transform_16, window_bounds = array<i64: 1, 768>}, {pipeline_mode = #tpu.pipeline_mode<synchronous>, transform_indices = @transform_17, window_bounds = array<i64: 768, 256>}, {pipeline_mode = #tpu.pipeline_mode<synchronous>, transform_indices = @transform_18, window_bounds = array<i64: 1, 256>}, {pipeline_mode = #tpu.pipeline_mode<synchronous>, transform_indices = @transform_19, window_bounds = array<i64: 8192, 256>}, {transform_indices = @transform_20, window_bounds = array<i64: 256, 256>}, {transform_indices = @transform_21, window_bounds = array<i64: 256, 1>}]} {
    %eq3A = arith.constant 0 : i32
    %eq3A_0 = arith.cmpi eq, %arg0, %eq3A : i32
    %convert_element_type3A = arith.extui %eq3A_0 : i1 to i32
    %cond3A = arith.constant 0 : i32
    %cond3A_1 = arith.cmpi ne, %convert_element_type3A, %cond3A : i32
    scf.if %cond3A_1 {
      %get3A_1434 = arith.constant 0 : index
      %get3A_1435 = arith.constant 0 : index
      %get3A_1436 = vector.load %arg20[%get3A_1434, %get3A_1435] : memref<8192x256xf32, #tpu.memory_space<vmem>>, vector<256x256xf32>
      %convert_element_type3A_1437 = arith.truncf %get3A_1436 : vector<256x256xf32> to vector<256x256xbf16>
      %swap3A_1438 = arith.constant 0 : index
      %swap3A_1439 = arith.constant 0 : index
      %swap3A_1440 = vector.load %arg23[%swap3A_1438, %swap3A_1439] : memref<8192x256xbf16, #tpu.memory_space<vmem>>, vector<256x256xbf16>
      tpu.vector_store %arg23[%swap3A_1438, %swap3A_1439], %convert_element_type3A_1437 {strides = array<i32>} : memref<8192x256xbf16, #tpu.memory_space<vmem>>, vector<256x256xbf16>,
      %get3A_1441 = arith.constant 256 : index
      %get3A_1442 = arith.constant 0 : index
      %get3A_1443 = vector.load %arg20[%get3A_1441, %get3A_1442] : memref<8192x256xf32, #tpu.memory_space<vmem>>, vector<256x256xf32>
      %convert_element_type3A_1444 = arith.truncf %get3A_1443 : vector<256x256xf32> to vector<256x256xbf16>
      %swap3A_1445 = arith.constant 256 : index
      %swap3A_1446 = arith.constant 0 : index
      %swap3A_1447 = vector.load %arg23[%swap3A_1445, %swap3A_1446] : memref<8192x256xbf16, #tpu.memory_space<vmem>>, vector<256x256xbf16>
      tpu.vector_store %arg23[%swap3A_1445, %swap3A_1446], %convert_element_type3A_1444 {strides = array<i32>} : memref<8192x256xbf16, #tpu.memory_space<vmem>>, vector<256x256xbf16>,
      %get3A_1448 = arith.constant 512 : index
      %get3A_1449 = arith.constant 0 : index
      %get3A_1450 = vector.load %arg20[%get3A_1448, %get3A_1449] : memref<8192x256xf32, #tpu.memory_space<vmem>>, vector<256x256xf32>
      %convert_element_type3A_1451 = arith.truncf %get3A_1450 : vector<256x256xf32> to vector<256x256xbf16>
      %swap3A_1452 = arith.constant 512 : index
      %swap3A_1453 = arith.constant 0 : index
      %swap3A_1454 = vector.load %arg23[%swap3A_1452, %swap3A_1453] : memref<8192x256xbf16, #tpu.memory_space<vmem>>, vector<256x256xbf16>
      tpu.vector_store %arg23[%swap3A_1452, %swap3A_1453], %convert_element_type3A_1451 {strides = array<i32>} : memref<8192x256xbf16, #tpu.memory_space<vmem>>, vector<256x256xbf16>,
      %get3A_1455 = arith.constant 768 : index
      %get3A_1456 = arith.constant 0 : index
      %get3A_1457 = vector.load %arg20[%get3A_1455, %get3A_1456] : memref<8192x256xf32, #tpu.memory_space<vmem>>, vector<256x256xf32>
      %convert_element_type3A_1458 = arith.truncf %get3A_1457 : vector<256x256xf32> to vector<256x256xbf16>
      %swap3A_1459 = arith.constant 768 : index
      %swap3A_1460 = arith.constant 0 : index
      %swap3A_1461 = vector.load %arg23[%swap3A_1459, %swap3A_1460] : memref<8192x256xbf16, #tpu.memory_space<vmem>>, vector<256x256xbf16>
      tpu.vector_store %arg23[%swap3A_1459, %swap3A_1460], %convert_element_type3A_1458 {strides = array<i32>} : memref<8192x256xbf16, #tpu.memory_space<vmem>>, vector<256x256xbf16>,
      %get3A_1462 = arith.constant 1024 : index
      %get3A_1463 = arith.constant 0 : index
      %get3A_1464 = vector.load %arg20[%get3A_1462, %get3A_1463] : memref<8192x256xf32, #tpu.memory_space<vmem>>, vector<256x256xf32>
      %convert_element_type3A_1465 = arith.truncf %get3A_1464 : vector<256x256xf32> to vector<256x256xbf16>
      %swap3A_1466 = arith.constant 1024 : index
      %swap3A_1467 = arith.constant 0 : index
      %swap3A_1468 = vector.load %arg23[%swap3A_1466, %swap3A_1467] : memref<8192x256xbf16, #tpu.memory_space<vmem>>, vector<256x256xbf16>
      tpu.vector_store %arg23[%swap3A_1466, %swap3A_1467], %convert_element_type3A_1465 {strides = array<i32>} : memref<8192x256xbf16, #tpu.memory_space<vmem>>, vector<256x256xbf16>,
      %get3A_1469 = arith.constant 1280 : index
      %get3A_1470 = arith.constant 0 : index
      %get3A_1471 = vector.load %arg20[%get3A_1469, %get3A_1470] : memref<8192x256xf32, #tpu.memory_space<vmem>>, vector<256x256xf32>
      %convert_element_type3A_1472 = arith.truncf %get3A_1471 : vector<256x256xf32> to vector<256x256xbf16>
      %swap3A_1473 = arith.constant 1280 : index
      %swap3A_1474 = arith.constant 0 : index
      %swap3A_1475 = vector.load %arg23[%swap3A_1473, %swap3A_1474] : memref<8192x256xbf16, #tpu.memory_space<vmem>>, vector<256x256xbf16>
      tpu.vector_store %arg23[%swap3A_1473, %swap3A_1474], %convert_element_type3A_1472 {strides = array<i32>} : memref<8192x256xbf16, #tpu.memory_space<vmem>>, vector<256x256xbf16>,
      %get3A_1476 = arith.constant 1536 : index
      %get3A_1477 = arith.constant 0 : index
      %get3A_1478 = vector.load %arg20[%get3A_1476, %get3A_1477] : memref<8192x256xf32, #tpu.memory_space<vmem>>, vector<256x256xf32>
      %convert_element_type3A_1479 = arith.truncf %get3A_1478 : vector<256x256xf32> to vector<256x256xbf16>
      %swap3A_1480 = arith.constant 1536 : index
      %swap3A_1481 = arith.constant 0 : index
      %swap3A_1482 = vector.load %arg23[%swap3A_1480, %swap3A_1481] : memref<8192x256xbf16, #tpu.memory_space<vmem>>, vector<256x256xbf16>
      tpu.vector_store %arg23[%swap3A_1480, %swap3A_1481], %convert_element_type3A_1479 {strides = array<i32>} : memref<8192x256xbf16, #tpu.memory_space<vmem>>, vector<256x256xbf16>,
      %get3A_1483 = arith.constant 1792 : index
      %get3A_1484 = arith.constant 0 : index
      %get3A_1485 = vector.load %arg20[%get3A_1483, %get3A_1484] : memref<8192x256xf32, #tpu.memory_space<vmem>>, vector<256x256xf32>
      %convert_element_type3A_1486 = arith.truncf %get3A_1485 : vector<256x256xf32> to vector<256x256xbf16>
      %swap3A_1487 = arith.constant 1792 : index
      %swap3A_1488 = arith.constant 0 : index
      %swap3A_1489 = vector.load %arg23[%swap3A_1487, %swap3A_1488] : memref<8192x256xbf16, #tpu.memory_space<vmem>>, vector<256x256xbf16>
      tpu.vector_store %arg23[%swap3A_1487, %swap3A_1488], %convert_element_type3A_1486 {strides = array<i32>} : memref<8192x256xbf16, #tpu.memory_space<vmem>>, vector<256x256xbf16>,
      %get3A_1490 = arith.constant 2048 : index
      %get3A_1491 = arith.constant 0 : index
      %get3A_1492 = vector.load %arg20[%get3A_1490, %get3A_1491] : memref<8192x256xf32, #tpu.memory_space<vmem>>, vector<256x256xf32>
      %convert_element_type3A_1493 = arith.truncf %get3A_1492 : vector<256x256xf32> to vector<256x256xbf16>
      %swap3A_1494 = arith.constant 2048 : index
      %swap3A_1495 = arith.constant 0 : index
      %swap3A_1496 = vector.load %arg23[%swap3A_1494, %swap3A_1495] : memref<8192x256xbf16, #tpu.memory_space<vmem>>, vector<256x256xbf16>
      tpu.vector_store %arg23[%swap3A_1494, %swap3A_1495], %convert_element_type3A_1493 {strides = array<i32>} : memref<8192x256xbf16, #tpu.memory_space<vmem>>, vector<256x256xbf16>,
      %get3A_1497 = arith.constant 2304 : index
      %get3A_1498 = arith.constant 0 : index
      %get3A_1499 = vector.load %arg20[%get3A_1497, %get3A_1498] : memref<8192x256xf32, #tpu.memory_space<vmem>>, vector<256x256xf32>
      %convert_element_type3A_1500 = arith.truncf %get3A_1499 : vector<256x256xf32> to vector<256x256xbf16>
      %swap3A_1501 = arith.constant 2304 : index
      %swap3A_1502 = arith.constant 0 : index
      %swap3A_1503 = vector.load %arg23[%swap3A_1501, %swap3A_1502] : memref<8192x256xbf16, #tpu.memory_space<vmem>>, vector<256x256xbf16>
      tpu.vector_store %arg23[%swap3A_1501, %swap3A_1502], %convert_element_type3A_1500 {strides = array<i32>} : memref<8192x256xbf16, #tpu.memory_space<vmem>>, vector<256x256xbf16>,
      %get3A_1504 = arith.constant 2560 : index
      %get3A_1505 = arith.constant 0 : index
      %get3A_1506 = vector.load %arg20[%get3A_1504, %get3A_1505] : memref<8192x256xf32, #tpu.memory_space<vmem>>, vector<256x256xf32>
      %convert_element_type3A_1507 = arith.truncf %get3A_1506 : vector<256x256xf32> to vector<256x256xbf16>
      %swap3A_1508 = arith.constant 2560 : index
      %swap3A_1509 = arith.constant 0 : index
      %swap3A_1510 = vector.load %arg23[%swap3A_1508, %swap3A_1509] : memref<8192x256xbf16, #tpu.memory_space<vmem>>, vector<256x256xbf16>
      tpu.vector_store %arg23[%swap3A_1508, %swap3A_1509], %convert_element_type3A_1507 {strides = array<i32>} : memref<8192x256xbf16, #tpu.memory_space<vmem>>, vector<256x256xbf16>,
      %get3A_1511 = arith.constant 2816 : index
      %get3A_1512 = arith.constant 0 : index
      %get3A_1513 = vector.load %arg20[%get3A_1511, %get3A_1512] : memref<8192x256xf32, #tpu.memory_space<vmem>>, vector<256x256xf32>
      %convert_element_type3A_1514 = arith.truncf %get3A_1513 : vector<256x256xf32> to vector<256x256xbf16>
      %swap3A_1515 = arith.constant 2816 : index
      %swap3A_1516 = arith.constant 0 : index
      %swap3A_1517 = vector.load %arg23[%swap3A_1515, %swap3A_1516] : memref<8192x256xbf16, #tpu.memory_space<vmem>>, vector<256x256xbf16>
      tpu.vector_store %arg23[%swap3A_1515, %swap3A_1516], %convert_element_type3A_1514 {strides = array<i32>} : memref<8192x256xbf16, #tpu.memory_space<vmem>>, vector<256x256xbf16>,
      %get3A_1518 = arith.constant 3072 : index
      %get3A_1519 = arith.constant 0 : index
      %get3A_1520 = vector.load %arg20[%get3A_1518, %get3A_1519] : memref<8192x256xf32, #tpu.memory_space<vmem>>, vector<256x256xf32>
      %convert_element_type3A_1521 = arith.truncf %get3A_1520 : vector<256x256xf32> to vector<256x256xbf16>
      %swap3A_1522 = arith.constant 3072 : index
      %swap3A_1523 = arith.constant 0 : index
      %swap3A_1524 = vector.load %arg23[%swap3A_1522, %swap3A_1523] : memref<8192x256xbf16, #tpu.memory_space<vmem>>, vector<256x256xbf16>
      tpu.vector_store %arg23[%swap3A_1522, %swap3A_1523], %convert_element_type3A_1521 {strides = array<i32>} : memref<8192x256xbf16, #tpu.memory_space<vmem>>, vector<256x256xbf16>,
      %get3A_1525 = arith.constant 3328 : index
      %get3A_1526 = arith.constant 0 : index
      %get3A_1527 = vector.load %arg20[%get3A_1525, %get3A_1526] : memref<8192x256xf32, #tpu.memory_space<vmem>>, vector<256x256xf32>
      %convert_element_type3A_1528 = arith.truncf %get3A_1527 : vector<256x256xf32> to vector<256x256xbf16>
      %swap3A_1529 = arith.constant 3328 : index
      %swap3A_1530 = arith.constant 0 : index
      %swap3A_1531 = vector.load %arg23[%swap3A_1529, %swap3A_1530] : memref<8192x256xbf16, #tpu.memory_space<vmem>>, vector<256x256xbf16>
      tpu.vector_store %arg23[%swap3A_1529, %swap3A_1530], %convert_element_type3A_1528 {strides = array<i32>} : memref<8192x256xbf16, #tpu.memory_space<vmem>>, vector<256x256xbf16>,
      %get3A_1532 = arith.constant 3584 : index
      %get3A_1533 = arith.constant 0 : index
      %get3A_1534 = vector.load %arg20[%get3A_1532, %get3A_1533] : memref<8192x256xf32, #tpu.memory_space<vmem>>, vector<256x256xf32>
      %convert_element_type3A_1535 = arith.truncf %get3A_1534 : vector<256x256xf32> to vector<256x256xbf16>
      %swap3A_1536 = arith.constant 3584 : index
      %swap3A_1537 = arith.constant 0 : index
      %swap3A_1538 = vector.load %arg23[%swap3A_1536, %swap3A_1537] : memref<8192x256xbf16, #tpu.memory_space<vmem>>, vector<256x256xbf16>
      tpu.vector_store %arg23[%swap3A_1536, %swap3A_1537], %convert_element_type3A_1535 {strides = array<i32>} : memref<8192x256xbf16, #tpu.memory_space<vmem>>, vector<256x256xbf16>,
      %get3A_1539 = arith.constant 3840 : index
      %get3A_1540 = arith.constant 0 : index
      %get3A_1541 = vector.load %arg20[%get3A_1539, %get3A_1540] : memref<8192x256xf32, #tpu.memory_space<vmem>>, vector<256x256xf32>
      %convert_element_type3A_1542 = arith.truncf %get3A_1541 : vector<256x256xf32> to vector<256x256xbf16>
      %swap3A_1543 = arith.constant 3840 : index
      %swap3A_1544 = arith.constant 0 : index
      %swap3A_1545 = vector.load %arg23[%swap3A_1543, %swap3A_1544] : memref<8192x256xbf16, #tpu.memory_space<vmem>>, vector<256x256xbf16>
      tpu.vector_store %arg23[%swap3A_1543, %swap3A_1544], %convert_element_type3A_1542 {strides = array<i32>} : memref<8192x256xbf16, #tpu.memory_space<vmem>>, vector<256x256xbf16>,
      %get3A_1546 = arith.constant 4096 : index
      %get3A_1547 = arith.constant 0 : index
      %get3A_1548 = vector.load %arg20[%get3A_1546, %get3A_1547] : memref<8192x256xf32, #tpu.memory_space<vmem>>, vector<256x256xf32>
      %convert_element_type3A_1549 = arith.truncf %get3A_1548 : vector<256x256xf32> to vector<256x256xbf16>
      %swap3A_1550 = arith.constant 4096 : index
      %swap3A_1551 = arith.constant 0 : index
      %swap3A_1552 = vector.load %arg23[%swap3A_1550, %swap3A_1551] : memref<8192x256xbf16, #tpu.memory_space<vmem>>, vector<256x256xbf16>
      tpu.vector_store %arg23[%swap3A_1550, %swap3A_1551], %convert_element_type3A_1549 {strides = array<i32>} : memref<8192x256xbf16, #tpu.memory_space<vmem>>, vector<256x256xbf16>,
      %get3A_1553 = arith.constant 4352 : index
      %get3A_1554 = arith.constant 0 : index
      %get3A_1555 = vector.load %arg20[%get3A_1553, %get3A_1554] : memref<8192x256xf32, #tpu.memory_space<vmem>>, vector<256x256xf32>
      %convert_element_type3A_1556 = arith.truncf %get3A_1555 : vector<256x256xf32> to vector<256x256xbf16>
      %swap3A_1557 = arith.constant 4352 : index
      %swap3A_1558 = arith.constant 0 : index
      %swap3A_1559 = vector.load %arg23[%swap3A_1557, %swap3A_1558] : memref<8192x256xbf16, #tpu.memory_space<vmem>>, vector<256x256xbf16>
      tpu.vector_store %arg23[%swap3A_1557, %swap3A_1558], %convert_element_type3A_1556 {strides = array<i32>} : memref<8192x256xbf16, #tpu.memory_space<vmem>>, vector<256x256xbf16>,
      %get3A_1560 = arith.constant 4608 : index
      %get3A_1561 = arith.constant 0 : index
      %get3A_1562 = vector.load %arg20[%get3A_1560, %get3A_1561] : memref<8192x256xf32, #tpu.memory_space<vmem>>, vector<256x256xf32>
      %convert_element_type3A_1563 = arith.truncf %get3A_1562 : vector<256x256xf32> to vector<256x256xbf16>
      %swap3A_1564 = arith.constant 4608 : index
      %swap3A_1565 = arith.constant 0 : index
      %swap3A_1566 = vector.load %arg23[%swap3A_1564, %swap3A_1565] : memref<8192x256xbf16, #tpu.memory_space<vmem>>, vector<256x256xbf16>
      tpu.vector_store %arg23[%swap3A_1564, %swap3A_1565], %convert_element_type3A_1563 {strides = array<i32>} : memref<8192x256xbf16, #tpu.memory_space<vmem>>, vector<256x256xbf16>,
      %get3A_1567 = arith.constant 4864 : index
      %get3A_1568 = arith.constant 0 : index
      %get3A_1569 = vector.load %arg20[%get3A_1567, %get3A_1568] : memref<8192x256xf32, #tpu.memory_space<vmem>>, vector<256x256xf32>
      %convert_element_type3A_1570 = arith.truncf %get3A_1569 : vector<256x256xf32> to vector<256x256xbf16>
      %swap3A_1571 = arith.constant 4864 : index
      %swap3A_1572 = arith.constant 0 : index
      %swap3A_1573 = vector.load %arg23[%swap3A_1571, %swap3A_1572] : memref<8192x256xbf16, #tpu.memory_space<vmem>>, vector<256x256xbf16>
      tpu.vector_store %arg23[%swap3A_1571, %swap3A_1572], %convert_element_type3A_1570 {strides = array<i32>} : memref<8192x256xbf16, #tpu.memory_space<vmem>>, vector<256x256xbf16>,
      %get3A_1574 = arith.constant 5120 : index
      %get3A_1575 = arith.constant 0 : index
      %get3A_1576 = vector.load %arg20[%get3A_1574, %get3A_1575] : memref<8192x256xf32, #tpu.memory_space<vmem>>, vector<256x256xf32>
      %convert_element_type3A_1577 = arith.truncf %get3A_1576 : vector<256x256xf32> to vector<256x256xbf16>
      %swap3A_1578 = arith.constant 5120 : index
      %swap3A_1579 = arith.constant 0 : index
      %swap3A_1580 = vector.load %arg23[%swap3A_1578, %swap3A_1579] : memref<8192x256xbf16, #tpu.memory_space<vmem>>, vector<256x256xbf16>
      tpu.vector_store %arg23[%swap3A_1578, %swap3A_1579], %convert_element_type3A_1577 {strides = array<i32>} : memref<8192x256xbf16, #tpu.memory_space<vmem>>, vector<256x256xbf16>,
      %get3A_1581 = arith.constant 5376 : index
      %get3A_1582 = arith.constant 0 : index
      %get3A_1583 = vector.load %arg20[%get3A_1581, %get3A_1582] : memref<8192x256xf32, #tpu.memory_space<vmem>>, vector<256x256xf32>
      %convert_element_type3A_1584 = arith.truncf %get3A_1583 : vector<256x256xf32> to vector<256x256xbf16>
      %swap3A_1585 = arith.constant 5376 : index
      %swap3A_1586 = arith.constant 0 : index
      %swap3A_1587 = vector.load %arg23[%swap3A_1585, %swap3A_1586] : memref<8192x256xbf16, #tpu.memory_space<vmem>>, vector<256x256xbf16>
      tpu.vector_store %arg23[%swap3A_1585, %swap3A_1586], %convert_element_type3A_1584 {strides = array<i32>} : memref<8192x256xbf16, #tpu.memory_space<vmem>>, vector<256x256xbf16>,
      %get3A_1588 = arith.constant 5632 : index
      %get3A_1589 = arith.constant 0 : index
      %get3A_1590 = vector.load %arg20[%get3A_1588, %get3A_1589] : memref<8192x256xf32, #tpu.memory_space<vmem>>, vector<256x256xf32>
      %convert_element_type3A_1591 = arith.truncf %get3A_1590 : vector<256x256xf32> to vector<256x256xbf16>
      %swap3A_1592 = arith.constant 5632 : index
      %swap3A_1593 = arith.constant 0 : index
      %swap3A_1594 = vector.load %arg23[%swap3A_1592, %swap3A_1593] : memref<8192x256xbf16, #tpu.memory_space<vmem>>, vector<256x256xbf16>
      tpu.vector_store %arg23[%swap3A_1592, %swap3A_1593], %convert_element_type3A_1591 {strides = array<i32>} : memref<8192x256xbf16, #tpu.memory_space<vmem>>, vector<256x256xbf16>,
      %get3A_1595 = arith.constant 5888 : index
      %get3A_1596 = arith.constant 0 : index
      %get3A_1597 = vector.load %arg20[%get3A_1595, %get3A_1596] : memref<8192x256xf32, #tpu.memory_space<vmem>>, vector<256x256xf32>
      %convert_element_type3A_1598 = arith.truncf %get3A_1597 : vector<256x256xf32> to vector<256x256xbf16>
      %swap3A_1599 = arith.constant 5888 : index
      %swap3A_1600 = arith.constant 0 : index
      %swap3A_1601 = vector.load %arg23[%swap3A_1599, %swap3A_1600] : memref<8192x256xbf16, #tpu.memory_space<vmem>>, vector<256x256xbf16>
      tpu.vector_store %arg23[%swap3A_1599, %swap3A_1600], %convert_element_type3A_1598 {strides = array<i32>} : memref<8192x256xbf16, #tpu.memory_space<vmem>>, vector<256x256xbf16>,
      %get3A_1602 = arith.constant 6144 : index
      %get3A_1603 = arith.constant 0 : index
      %get3A_1604 = vector.load %arg20[%get3A_1602, %get3A_1603] : memref<8192x256xf32, #tpu.memory_space<vmem>>, vector<256x256xf32>
      %convert_element_type3A_1605 = arith.truncf %get3A_1604 : vector<256x256xf32> to vector<256x256xbf16>
      %swap3A_1606 = arith.constant 6144 : index
      %swap3A_1607 = arith.constant 0 : index
      %swap3A_1608 = vector.load %arg23[%swap3A_1606, %swap3A_1607] : memref<8192x256xbf16, #tpu.memory_space<vmem>>, vector<256x256xbf16>
      tpu.vector_store %arg23[%swap3A_1606, %swap3A_1607], %convert_element_type3A_1605 {strides = array<i32>} : memref<8192x256xbf16, #tpu.memory_space<vmem>>, vector<256x256xbf16>,
      %get3A_1609 = arith.constant 6400 : index
      %get3A_1610 = arith.constant 0 : index
      %get3A_1611 = vector.load %arg20[%get3A_1609, %get3A_1610] : memref<8192x256xf32, #tpu.memory_space<vmem>>, vector<256x256xf32>
      %convert_element_type3A_1612 = arith.truncf %get3A_1611 : vector<256x256xf32> to vector<256x256xbf16>
      %swap3A_1613 = arith.constant 6400 : index
      %swap3A_1614 = arith.constant 0 : index
      %swap3A_1615 = vector.load %arg23[%swap3A_1613, %swap3A_1614] : memref<8192x256xbf16, #tpu.memory_space<vmem>>, vector<256x256xbf16>
      tpu.vector_store %arg23[%swap3A_1613, %swap3A_1614], %convert_element_type3A_1612 {strides = array<i32>} : memref<8192x256xbf16, #tpu.memory_space<vmem>>, vector<256x256xbf16>,
      %get3A_1616 = arith.constant 6656 : index
      %get3A_1617 = arith.constant 0 : index
      %get3A_1618 = vector.load %arg20[%get3A_1616, %get3A_1617] : memref<8192x256xf32, #tpu.memory_space<vmem>>, vector<256x256xf32>
      %convert_element_type3A_1619 = arith.truncf %get3A_1618 : vector<256x256xf32> to vector<256x256xbf16>
      %swap3A_1620 = arith.constant 6656 : index
      %swap3A_1621 = arith.constant 0 : index
      %swap3A_1622 = vector.load %arg23[%swap3A_1620, %swap3A_1621] : memref<8192x256xbf16, #tpu.memory_space<vmem>>, vector<256x256xbf16>
      tpu.vector_store %arg23[%swap3A_1620, %swap3A_1621], %convert_element_type3A_1619 {strides = array<i32>} : memref<8192x256xbf16, #tpu.memory_space<vmem>>, vector<256x256xbf16>,
      %get3A_1623 = arith.constant 6912 : index
      %get3A_1624 = arith.constant 0 : index
      %get3A_1625 = vector.load %arg20[%get3A_1623, %get3A_1624] : memref<8192x256xf32, #tpu.memory_space<vmem>>, vector<256x256xf32>
      %convert_element_type3A_1626 = arith.truncf %get3A_1625 : vector<256x256xf32> to vector<256x256xbf16>
      %swap3A_1627 = arith.constant 6912 : index
      %swap3A_1628 = arith.constant 0 : index
      %swap3A_1629 = vector.load %arg23[%swap3A_1627, %swap3A_1628] : memref<8192x256xbf16, #tpu.memory_space<vmem>>, vector<256x256xbf16>
      tpu.vector_store %arg23[%swap3A_1627, %swap3A_1628], %convert_element_type3A_1626 {strides = array<i32>} : memref<8192x256xbf16, #tpu.memory_space<vmem>>, vector<256x256xbf16>,
      %get3A_1630 = arith.constant 7168 : index
      %get3A_1631 = arith.constant 0 : index
      %get3A_1632 = vector.load %arg20[%get3A_1630, %get3A_1631] : memref<8192x256xf32, #tpu.memory_space<vmem>>, vector<256x256xf32>
      %convert_element_type3A_1633 = arith.truncf %get3A_1632 : vector<256x256xf32> to vector<256x256xbf16>
      %swap3A_1634 = arith.constant 7168 : index
      %swap3A_1635 = arith.constant 0 : index
      %swap3A_1636 = vector.load %arg23[%swap3A_1634, %swap3A_1635] : memref<8192x256xbf16, #tpu.memory_space<vmem>>, vector<256x256xbf16>
      tpu.vector_store %arg23[%swap3A_1634, %swap3A_1635], %convert_element_type3A_1633 {strides = array<i32>} : memref<8192x256xbf16, #tpu.memory_space<vmem>>, vector<256x256xbf16>,
      %get3A_1637 = arith.constant 7424 : index
      %get3A_1638 = arith.constant 0 : index
      %get3A_1639 = vector.load %arg20[%get3A_1637, %get3A_1638] : memref<8192x256xf32, #tpu.memory_space<vmem>>, vector<256x256xf32>
      %convert_element_type3A_1640 = arith.truncf %get3A_1639 : vector<256x256xf32> to vector<256x256xbf16>
      %swap3A_1641 = arith.constant 7424 : index
      %swap3A_1642 = arith.constant 0 : index
      %swap3A_1643 = vector.load %arg23[%swap3A_1641, %swap3A_1642] : memref<8192x256xbf16, #tpu.memory_space<vmem>>, vector<256x256xbf16>
      tpu.vector_store %arg23[%swap3A_1641, %swap3A_1642], %convert_element_type3A_1640 {strides = array<i32>} : memref<8192x256xbf16, #tpu.memory_space<vmem>>, vector<256x256xbf16>,
      %get3A_1644 = arith.constant 7680 : index
      %get3A_1645 = arith.constant 0 : index
      %get3A_1646 = vector.load %arg20[%get3A_1644, %get3A_1645] : memref<8192x256xf32, #tpu.memory_space<vmem>>, vector<256x256xf32>
      %convert_element_type3A_1647 = arith.truncf %get3A_1646 : vector<256x256xf32> to vector<256x256xbf16>
      %swap3A_1648 = arith.constant 7680 : index
      %swap3A_1649 = arith.constant 0 : index
      %swap3A_1650 = vector.load %arg23[%swap3A_1648, %swap3A_1649] : memref<8192x256xbf16, #tpu.memory_space<vmem>>, vector<256x256xbf16>
      tpu.vector_store %arg23[%swap3A_1648, %swap3A_1649], %convert_element_type3A_1647 {strides = array<i32>} : memref<8192x256xbf16, #tpu.memory_space<vmem>>, vector<256x256xbf16>,
      %get3A_1651 = arith.constant 7936 : index
      %get3A_1652 = arith.constant 0 : index
      %get3A_1653 = vector.load %arg20[%get3A_1651, %get3A_1652] : memref<8192x256xf32, #tpu.memory_space<vmem>>, vector<256x256xf32>
      %convert_element_type3A_1654 = arith.truncf %get3A_1653 : vector<256x256xf32> to vector<256x256xbf16>
      %swap3A_1655 = arith.constant 7936 : index
      %swap3A_1656 = arith.constant 0 : index
      %swap3A_1657 = vector.load %arg23[%swap3A_1655, %swap3A_1656] : memref<8192x256xbf16, #tpu.memory_space<vmem>>, vector<256x256xbf16>
      tpu.vector_store %arg23[%swap3A_1655, %swap3A_1656], %convert_element_type3A_1654 {strides = array<i32>} : memref<8192x256xbf16, #tpu.memory_space<vmem>>, vector<256x256xbf16>,
    } else {
    }
    %get3A = arith.constant 0 : index
    %get3A_2 = arith.constant 0 : index
    %get3A_3 = vector.load %arg1[%get3A, %get3A_2] : memref<256x800xf32, #tpu.memory_space<vmem>>, vector<256x800xf32>
    %get3A_4 = arith.constant 0 : index
    %get3A_5 = arith.constant 0 : index
    %get3A_6 = vector.load %arg2[%get3A_4, %get3A_5] : memref<800x768xbf16, #tpu.memory_space<vmem>>, vector<800x768xbf16>
    %get3A_7 = arith.constant 0 : index
    %get3A_8 = arith.constant 0 : index
    %get3A_9 = vector.load %arg3[%get3A_7, %get3A_8] : memref<1x768xf32, #tpu.memory_space<vmem>>, vector<1x768xf32>
    %get3A_10 = arith.constant 0 : index
    %get3A_11 = arith.constant 0 : index
    %get3A_12 = vector.load %arg4[%get3A_10, %get3A_11] : memref<1x768xf32, #tpu.memory_space<vmem>>, vector<1x768xf32>
    %get3A_13 = arith.constant 0 : index
    %get3A_14 = arith.constant 0 : index
    %get3A_15 = vector.load %arg5[%get3A_13, %get3A_14] : memref<1x768xf32, #tpu.memory_space<vmem>>, vector<1x768xf32>
    %get3A_16 = arith.constant 0 : index
    %get3A_17 = arith.constant 0 : index
    %get3A_18 = vector.load %arg6[%get3A_16, %get3A_17] : memref<768x2304xbf16, #tpu.memory_space<vmem>>, vector<768x2304xbf16>
    %get3A_19 = arith.constant 0 : index
    %get3A_20 = arith.constant 0 : index
    %get3A_21 = vector.load %arg7[%get3A_19, %get3A_20] : memref<1x2304xf32, #tpu.memory_space<vmem>>, vector<1x2304xf32>
    %get3A_22 = arith.constant 0 : index
    %get3A_23 = arith.constant 0 : index
    %get3A_24 = vector.load %arg8[%get3A_22, %get3A_23] : memref<768x768xbf16, #tpu.memory_space<vmem>>, vector<768x768xbf16>
    %get3A_25 = arith.constant 0 : index
    %get3A_26 = arith.constant 0 : index
    %get3A_27 = vector.load %arg9[%get3A_25, %get3A_26] : memref<1x768xf32, #tpu.memory_space<vmem>>, vector<1x768xf32>
    %get3A_28 = arith.constant 0 : index
    %get3A_29 = arith.constant 0 : index
    %get3A_30 = vector.load %arg10[%get3A_28, %get3A_29] : memref<1x768xf32, #tpu.memory_space<vmem>>, vector<1x768xf32>
    %get3A_31 = arith.constant 0 : index
    %get3A_32 = arith.constant 0 : index
    %get3A_33 = vector.load %arg11[%get3A_31, %get3A_32] : memref<1x768xf32, #tpu.memory_space<vmem>>, vector<1x768xf32>
    %get3A_34 = arith.constant 0 : index
    %get3A_35 = arith.constant 0 : index
    %get3A_36 = vector.load %arg12[%get3A_34, %get3A_35] : memref<768x3072xbf16, #tpu.memory_space<vmem>>, vector<768x3072xbf16>
    %get3A_37 = arith.constant 0 : index
    %get3A_38 = arith.constant 0 : index
    %get3A_39 = vector.load %arg13[%get3A_37, %get3A_38] : memref<1x3072xf32, #tpu.memory_space<vmem>>, vector<1x3072xf32>
    %get3A_40 = arith.constant 0 : index
    %get3A_41 = arith.constant 0 : index
    %get3A_42 = vector.load %arg14[%get3A_40, %get3A_41] : memref<3072x768xbf16, #tpu.memory_space<vmem>>, vector<3072x768xbf16>
    %get3A_43 = arith.constant 0 : index
    %get3A_44 = arith.constant 0 : index
    %get3A_45 = vector.load %arg15[%get3A_43, %get3A_44] : memref<1x768xf32, #tpu.memory_space<vmem>>, vector<1x768xf32>
    %convert_element_type3A_46 = arith.truncf %get3A_3 : vector<256x800xf32> to vector<256x800xbf16>
    %dot_general3A = arith.constant dense<0.000000e+00> : vector<256x768xf32>
    %dot_general3A_47 = tpu.matmul %convert_element_type3A_46, %get3A_6, %dot_general3A {dimension_numbers = #tpu.dot_dimension_numbers<[1], [0], [0], [1], [0, 0, 1, 1], [], []>, transpose_lhs_hint = false} : vector<256x800xbf16>, vector<800x768xbf16>, vector<256x768xf32> -> vector<256x768xf32>
    %add3A = vector.broadcast %get3A_9 : vector<1x768xf32> to vector<256x768xf32>
    %add3A_48 = arith.addf %dot_general3A_47, %add3A : vector<256x768xf32>
    %reduce_sum3A = arith.constant dense<0.000000e+00> : vector<256xf32>
    %reduce_sum3A_49 = vector.multi_reduction <add>, %add3A_48, %reduce_sum3A [1] : vector<256x768xf32> to vector<256xf32>
    %broadcast_in_dim3A = vector.shape_cast %reduce_sum3A_49 : vector<256xf32> to vector<256x1xf32>
    %div3A = arith.constant 7.680000e+02 : f32
    %div3A_50 = vector.broadcast %div3A : f32 to vector<256x1xf32>
    %div3A_51 = arith.divf %broadcast_in_dim3A, %div3A_50 : vector<256x1xf32>
    %sub3A = vector.broadcast %div3A_51 : vector<256x1xf32> to vector<256x768xf32>
    %sub3A_52 = arith.subf %add3A_48, %sub3A : vector<256x768xf32>
    %integer_pow3A = arith.mulf %sub3A_52, %sub3A_52 : vector<256x768xf32>
    %reduce_sum3A_53 = arith.constant dense<0.000000e+00> : vector<256xf32>
    %reduce_sum3A_54 = vector.multi_reduction <add>, %integer_pow3A, %reduce_sum3A_53 [1] : vector<256x768xf32> to vector<256xf32>
    %broadcast_in_dim3A_55 = vector.shape_cast %reduce_sum3A_54 : vector<256xf32> to vector<256x1xf32>
    %div3A_56 = arith.constant 7.680000e+02 : f32
    %div3A_57 = vector.broadcast %div3A_56 : f32 to vector<256x1xf32>
    %div3A_58 = arith.divf %broadcast_in_dim3A_55, %div3A_57 : vector<256x1xf32>
    %sub3A_59 = vector.broadcast %div3A_51 : vector<256x1xf32> to vector<256x768xf32>
    %sub3A_60 = arith.subf %add3A_48, %sub3A_59 : vector<256x768xf32>
    %mul3A = vector.broadcast %get3A_12 : vector<1x768xf32> to vector<256x768xf32>
    %mul3A_61 = arith.mulf %mul3A, %sub3A_60 : vector<256x768xf32>
    %add3A_62 = arith.constant 9.99999974E-6 : f32
    %add3A_63 = vector.broadcast %add3A_62 : f32 to vector<256x1xf32>
    %add3A_64 = arith.addf %div3A_58, %add3A_63 : vector<256x1xf32>
    %sqrt3A = math.sqrt %add3A_64 : vector<256x1xf32>
    %div3A_65 = vector.broadcast %sqrt3A : vector<256x1xf32> to vector<256x768xf32>
    %div3A_66 = arith.divf %mul3A_61, %div3A_65 : vector<256x768xf32>
    %add3A_67 = vector.broadcast %get3A_15 : vector<1x768xf32> to vector<256x768xf32>
    %add3A_68 = arith.addf %div3A_66, %add3A_67 : vector<256x768xf32>
    %convert_element_type3A_69 = arith.truncf %add3A_68 : vector<256x768xf32> to vector<256x768xbf16>
    %dot_general3A_70 = arith.constant dense<0.000000e+00> : vector<256x2304xf32>
    %dot_general3A_71 = tpu.matmul %convert_element_type3A_69, %get3A_18, %dot_general3A_70 {dimension_numbers = #tpu.dot_dimension_numbers<[1], [0], [0], [1], [0, 0, 1, 1], [], []>, transpose_lhs_hint = false} : vector<256x768xbf16>, vector<768x2304xbf16>, vector<256x2304xf32> -> vector<256x2304xf32>
    %add3A_72 = vector.broadcast %get3A_21 : vector<1x2304xf32> to vector<256x2304xf32>
    %add3A_73 = arith.addf %dot_general3A_71, %add3A_72 : vector<256x2304xf32>
    %convert_element_type3A_74 = arith.truncf %add3A_73 : vector<256x2304xf32> to vector<256x2304xbf16>
    %slice3A = vector.extract_strided_slice %convert_element_type3A_74 {offsets = [0, 0], sizes = [256, 64], strides = [1, 1]} : vector<256x2304xbf16> to vector<256x64xbf16>
    %slice3A_75 = vector.extract_strided_slice %convert_element_type3A_74 {offsets = [0, 768], sizes = [256, 64], strides = [1, 1]} : vector<256x2304xbf16> to vector<256x64xbf16>
    %slice3A_76 = vector.extract_strided_slice %convert_element_type3A_74 {offsets = [0, 1536], sizes = [256, 64], strides = [1, 1]} : vector<256x2304xbf16> to vector<256x64xbf16>
    %dot_general3A_77 = arith.constant dense<0.000000e+00> : vector<256x256xf32>
    %dot_general3A_78 = tpu.matmul %slice3A, %slice3A_75, %dot_general3A_77 {dimension_numbers = #tpu.dot_dimension_numbers<[1], [1], [0], [0], [0, 0, 1, 0], [], []>, transpose_lhs_hint = false} : vector<256x64xbf16>, vector<256x64xbf16>, vector<256x256xf32> -> vector<256x256xf32>
    %mul3A_79 = arith.constant 1.250000e-01 : f32
    %mul3A_80 = vector.broadcast %mul3A_79 : f32 to vector<256x256xf32>
    %mul3A_81 = arith.mulf %dot_general3A_78, %mul3A_80 : vector<256x256xf32>
    %reduce_max3A = arith.constant dense<0xFF800000> : vector<256xf32>
    %reduce_max3A_82 = vector.multi_reduction <maximumf>, %mul3A_81, %reduce_max3A [1] : vector<256x256xf32> to vector<256xf32>
    %broadcast_in_dim3A_83 = vector.shape_cast %reduce_max3A_82 : vector<256xf32> to vector<256x1xf32>
    %sub3A_84 = vector.broadcast %broadcast_in_dim3A_83 : vector<256x1xf32> to vector<256x256xf32>
    %sub3A_85 = arith.subf %mul3A_81, %sub3A_84 : vector<256x256xf32>
    %exp3A = math.exp %sub3A_85 : vector<256x256xf32>
    %reduce_sum3A_86 = arith.constant dense<0.000000e+00> : vector<256xf32>
    %reduce_sum3A_87 = vector.multi_reduction <add>, %exp3A, %reduce_sum3A_86 [1] : vector<256x256xf32> to vector<256xf32>
    %broadcast_in_dim3A_88 = vector.shape_cast %reduce_sum3A_87 : vector<256xf32> to vector<256x1xf32>
    %div3A_89 = arith.constant 1.000000e+00 : f32
    %div3A_90 = vector.broadcast %div3A_89 : f32 to vector<256x1xf32>
    %div3A_91 = arith.divf %div3A_90, %broadcast_in_dim3A_88 : vector<256x1xf32>
    %convert_element_type3A_92 = arith.truncf %exp3A : vector<256x256xf32> to vector<256x256xbf16>
    %dot_general3A_93 = arith.constant dense<0.000000e+00> : vector<256x64xf32>
    %dot_general3A_94 = tpu.matmul %convert_element_type3A_92, %slice3A_76, %dot_general3A_93 {dimension_numbers = #tpu.dot_dimension_numbers<[1], [0], [0], [1], [0, 0, 1, 1], [], []>, transpose_lhs_hint = false} : vector<256x256xbf16>, vector<256x64xbf16>, vector<256x64xf32> -> vector<256x64xf32>
    %mul3A_95 = vector.broadcast %div3A_91 : vector<256x1xf32> to vector<256x64xf32>
    %mul3A_96 = arith.mulf %dot_general3A_94, %mul3A_95 : vector<256x64xf32>
    %slice3A_97 = vector.extract_strided_slice %convert_element_type3A_74 {offsets = [0, 64], sizes = [256, 64], strides = [1, 1]} : vector<256x2304xbf16> to vector<256x64xbf16>
    %slice3A_98 = vector.extract_strided_slice %convert_element_type3A_74 {offsets = [0, 832], sizes = [256, 64], strides = [1, 1]} : vector<256x2304xbf16> to vector<256x64xbf16>
    %slice3A_99 = vector.extract_strided_slice %convert_element_type3A_74 {offsets = [0, 1600], sizes = [256, 64], strides = [1, 1]} : vector<256x2304xbf16> to vector<256x64xbf16>
    %dot_general3A_100 = arith.constant dense<0.000000e+00> : vector<256x256xf32>
    %dot_general3A_101 = tpu.matmul %slice3A_97, %slice3A_98, %dot_general3A_100 {dimension_numbers = #tpu.dot_dimension_numbers<[1], [1], [0], [0], [0, 0, 1, 0], [], []>, transpose_lhs_hint = false} : vector<256x64xbf16>, vector<256x64xbf16>, vector<256x256xf32> -> vector<256x256xf32>
    %mul3A_102 = arith.constant 1.250000e-01 : f32
    %mul3A_103 = vector.broadcast %mul3A_102 : f32 to vector<256x256xf32>
    %mul3A_104 = arith.mulf %dot_general3A_101, %mul3A_103 : vector<256x256xf32>
    %reduce_max3A_105 = arith.constant dense<0xFF800000> : vector<256xf32>
    %reduce_max3A_106 = vector.multi_reduction <maximumf>, %mul3A_104, %reduce_max3A_105 [1] : vector<256x256xf32> to vector<256xf32>
    %broadcast_in_dim3A_107 = vector.shape_cast %reduce_max3A_106 : vector<256xf32> to vector<256x1xf32>
    %sub3A_108 = vector.broadcast %broadcast_in_dim3A_107 : vector<256x1xf32> to vector<256x256xf32>
    %sub3A_109 = arith.subf %mul3A_104, %sub3A_108 : vector<256x256xf32>
    %exp3A_110 = math.exp %sub3A_109 : vector<256x256xf32>
    %reduce_sum3A_111 = arith.constant dense<0.000000e+00> : vector<256xf32>
    %reduce_sum3A_112 = vector.multi_reduction <add>, %exp3A_110, %reduce_sum3A_111 [1] : vector<256x256xf32> to vector<256xf32>
    %broadcast_in_dim3A_113 = vector.shape_cast %reduce_sum3A_112 : vector<256xf32> to vector<256x1xf32>
    %div3A_114 = arith.constant 1.000000e+00 : f32
    %div3A_115 = vector.broadcast %div3A_114 : f32 to vector<256x1xf32>
    %div3A_116 = arith.divf %div3A_115, %broadcast_in_dim3A_113 : vector<256x1xf32>
    %convert_element_type3A_117 = arith.truncf %exp3A_110 : vector<256x256xf32> to vector<256x256xbf16>
    %dot_general3A_118 = arith.constant dense<0.000000e+00> : vector<256x64xf32>
    %dot_general3A_119 = tpu.matmul %convert_element_type3A_117, %slice3A_99, %dot_general3A_118 {dimension_numbers = #tpu.dot_dimension_numbers<[1], [0], [0], [1], [0, 0, 1, 1], [], []>, transpose_lhs_hint = false} : vector<256x256xbf16>, vector<256x64xbf16>, vector<256x64xf32> -> vector<256x64xf32>
    %mul3A_120 = vector.broadcast %div3A_116 : vector<256x1xf32> to vector<256x64xf32>
    %mul3A_121 = arith.mulf %dot_general3A_119, %mul3A_120 : vector<256x64xf32>
    %slice3A_122 = vector.extract_strided_slice %convert_element_type3A_74 {offsets = [0, 128], sizes = [256, 64], strides = [1, 1]} : vector<256x2304xbf16> to vector<256x64xbf16>
    %slice3A_123 = vector.extract_strided_slice %convert_element_type3A_74 {offsets = [0, 896], sizes = [256, 64], strides = [1, 1]} : vector<256x2304xbf16> to vector<256x64xbf16>
    %slice3A_124 = vector.extract_strided_slice %convert_element_type3A_74 {offsets = [0, 1664], sizes = [256, 64], strides = [1, 1]} : vector<256x2304xbf16> to vector<256x64xbf16>
    %dot_general3A_125 = arith.constant dense<0.000000e+00> : vector<256x256xf32>
    %dot_general3A_126 = tpu.matmul %slice3A_122, %slice3A_123, %dot_general3A_125 {dimension_numbers = #tpu.dot_dimension_numbers<[1], [1], [0], [0], [0, 0, 1, 0], [], []>, transpose_lhs_hint = false} : vector<256x64xbf16>, vector<256x64xbf16>, vector<256x256xf32> -> vector<256x256xf32>
    %mul3A_127 = arith.constant 1.250000e-01 : f32
    %mul3A_128 = vector.broadcast %mul3A_127 : f32 to vector<256x256xf32>
    %mul3A_129 = arith.mulf %dot_general3A_126, %mul3A_128 : vector<256x256xf32>
    %reduce_max3A_130 = arith.constant dense<0xFF800000> : vector<256xf32>
    %reduce_max3A_131 = vector.multi_reduction <maximumf>, %mul3A_129, %reduce_max3A_130 [1] : vector<256x256xf32> to vector<256xf32>
    %broadcast_in_dim3A_132 = vector.shape_cast %reduce_max3A_131 : vector<256xf32> to vector<256x1xf32>
    %sub3A_133 = vector.broadcast %broadcast_in_dim3A_132 : vector<256x1xf32> to vector<256x256xf32>
    %sub3A_134 = arith.subf %mul3A_129, %sub3A_133 : vector<256x256xf32>
    %exp3A_135 = math.exp %sub3A_134 : vector<256x256xf32>
    %reduce_sum3A_136 = arith.constant dense<0.000000e+00> : vector<256xf32>
    %reduce_sum3A_137 = vector.multi_reduction <add>, %exp3A_135, %reduce_sum3A_136 [1] : vector<256x256xf32> to vector<256xf32>
    %broadcast_in_dim3A_138 = vector.shape_cast %reduce_sum3A_137 : vector<256xf32> to vector<256x1xf32>
    %div3A_139 = arith.constant 1.000000e+00 : f32
    %div3A_140 = vector.broadcast %div3A_139 : f32 to vector<256x1xf32>
    %div3A_141 = arith.divf %div3A_140, %broadcast_in_dim3A_138 : vector<256x1xf32>
    %convert_element_type3A_142 = arith.truncf %exp3A_135 : vector<256x256xf32> to vector<256x256xbf16>
    %dot_general3A_143 = arith.constant dense<0.000000e+00> : vector<256x64xf32>
    %dot_general3A_144 = tpu.matmul %convert_element_type3A_142, %slice3A_124, %dot_general3A_143 {dimension_numbers = #tpu.dot_dimension_numbers<[1], [0], [0], [1], [0, 0, 1, 1], [], []>, transpose_lhs_hint = false} : vector<256x256xbf16>, vector<256x64xbf16>, vector<256x64xf32> -> vector<256x64xf32>
    %mul3A_145 = vector.broadcast %div3A_141 : vector<256x1xf32> to vector<256x64xf32>
    %mul3A_146 = arith.mulf %dot_general3A_144, %mul3A_145 : vector<256x64xf32>
    %slice3A_147 = vector.extract_strided_slice %convert_element_type3A_74 {offsets = [0, 192], sizes = [256, 64], strides = [1, 1]} : vector<256x2304xbf16> to vector<256x64xbf16>
    %slice3A_148 = vector.extract_strided_slice %convert_element_type3A_74 {offsets = [0, 960], sizes = [256, 64], strides = [1, 1]} : vector<256x2304xbf16> to vector<256x64xbf16>
    %slice3A_149 = vector.extract_strided_slice %convert_element_type3A_74 {offsets = [0, 1728], sizes = [256, 64], strides = [1, 1]} : vector<256x2304xbf16> to vector<256x64xbf16>
    %dot_general3A_150 = arith.constant dense<0.000000e+00> : vector<256x256xf32>
    %dot_general3A_151 = tpu.matmul %slice3A_147, %slice3A_148, %dot_general3A_150 {dimension_numbers = #tpu.dot_dimension_numbers<[1], [1], [0], [0], [0, 0, 1, 0], [], []>, transpose_lhs_hint = false} : vector<256x64xbf16>, vector<256x64xbf16>, vector<256x256xf32> -> vector<256x256xf32>
    %mul3A_152 = arith.constant 1.250000e-01 : f32
    %mul3A_153 = vector.broadcast %mul3A_152 : f32 to vector<256x256xf32>
    %mul3A_154 = arith.mulf %dot_general3A_151, %mul3A_153 : vector<256x256xf32>
    %reduce_max3A_155 = arith.constant dense<0xFF800000> : vector<256xf32>
    %reduce_max3A_156 = vector.multi_reduction <maximumf>, %mul3A_154, %reduce_max3A_155 [1] : vector<256x256xf32> to vector<256xf32>
    %broadcast_in_dim3A_157 = vector.shape_cast %reduce_max3A_156 : vector<256xf32> to vector<256x1xf32>
    %sub3A_158 = vector.broadcast %broadcast_in_dim3A_157 : vector<256x1xf32> to vector<256x256xf32>
    %sub3A_159 = arith.subf %mul3A_154, %sub3A_158 : vector<256x256xf32>
    %exp3A_160 = math.exp %sub3A_159 : vector<256x256xf32>
    %reduce_sum3A_161 = arith.constant dense<0.000000e+00> : vector<256xf32>
    %reduce_sum3A_162 = vector.multi_reduction <add>, %exp3A_160, %reduce_sum3A_161 [1] : vector<256x256xf32> to vector<256xf32>
    %broadcast_in_dim3A_163 = vector.shape_cast %reduce_sum3A_162 : vector<256xf32> to vector<256x1xf32>
    %div3A_164 = arith.constant 1.000000e+00 : f32
    %div3A_165 = vector.broadcast %div3A_164 : f32 to vector<256x1xf32>
    %div3A_166 = arith.divf %div3A_165, %broadcast_in_dim3A_163 : vector<256x1xf32>
    %convert_element_type3A_167 = arith.truncf %exp3A_160 : vector<256x256xf32> to vector<256x256xbf16>
    %dot_general3A_168 = arith.constant dense<0.000000e+00> : vector<256x64xf32>
    %dot_general3A_169 = tpu.matmul %convert_element_type3A_167, %slice3A_149, %dot_general3A_168 {dimension_numbers = #tpu.dot_dimension_numbers<[1], [0], [0], [1], [0, 0, 1, 1], [], []>, transpose_lhs_hint = false} : vector<256x256xbf16>, vector<256x64xbf16>, vector<256x64xf32> -> vector<256x64xf32>
    %mul3A_170 = vector.broadcast %div3A_166 : vector<256x1xf32> to vector<256x64xf32>
    %mul3A_171 = arith.mulf %dot_general3A_169, %mul3A_170 : vector<256x64xf32>
    %slice3A_172 = vector.extract_strided_slice %convert_element_type3A_74 {offsets = [0, 256], sizes = [256, 64], strides = [1, 1]} : vector<256x2304xbf16> to vector<256x64xbf16>
    %slice3A_173 = vector.extract_strided_slice %convert_element_type3A_74 {offsets = [0, 1024], sizes = [256, 64], strides = [1, 1]} : vector<256x2304xbf16> to vector<256x64xbf16>
    %slice3A_174 = vector.extract_strided_slice %convert_element_type3A_74 {offsets = [0, 1792], sizes = [256, 64], strides = [1, 1]} : vector<256x2304xbf16> to vector<256x64xbf16>
    %dot_general3A_175 = arith.constant dense<0.000000e+00> : vector<256x256xf32>
    %dot_general3A_176 = tpu.matmul %slice3A_172, %slice3A_173, %dot_general3A_175 {dimension_numbers = #tpu.dot_dimension_numbers<[1], [1], [0], [0], [0, 0, 1, 0], [], []>, transpose_lhs_hint = false} : vector<256x64xbf16>, vector<256x64xbf16>, vector<256x256xf32> -> vector<256x256xf32>
    %mul3A_177 = arith.constant 1.250000e-01 : f32
    %mul3A_178 = vector.broadcast %mul3A_177 : f32 to vector<256x256xf32>
    %mul3A_179 = arith.mulf %dot_general3A_176, %mul3A_178 : vector<256x256xf32>
    %reduce_max3A_180 = arith.constant dense<0xFF800000> : vector<256xf32>
    %reduce_max3A_181 = vector.multi_reduction <maximumf>, %mul3A_179, %reduce_max3A_180 [1] : vector<256x256xf32> to vector<256xf32>
    %broadcast_in_dim3A_182 = vector.shape_cast %reduce_max3A_181 : vector<256xf32> to vector<256x1xf32>
    %sub3A_183 = vector.broadcast %broadcast_in_dim3A_182 : vector<256x1xf32> to vector<256x256xf32>
    %sub3A_184 = arith.subf %mul3A_179, %sub3A_183 : vector<256x256xf32>
    %exp3A_185 = math.exp %sub3A_184 : vector<256x256xf32>
    %reduce_sum3A_186 = arith.constant dense<0.000000e+00> : vector<256xf32>
    %reduce_sum3A_187 = vector.multi_reduction <add>, %exp3A_185, %reduce_sum3A_186 [1] : vector<256x256xf32> to vector<256xf32>
    %broadcast_in_dim3A_188 = vector.shape_cast %reduce_sum3A_187 : vector<256xf32> to vector<256x1xf32>
    %div3A_189 = arith.constant 1.000000e+00 : f32
    %div3A_190 = vector.broadcast %div3A_189 : f32 to vector<256x1xf32>
    %div3A_191 = arith.divf %div3A_190, %broadcast_in_dim3A_188 : vector<256x1xf32>
    %convert_element_type3A_192 = arith.truncf %exp3A_185 : vector<256x256xf32> to vector<256x256xbf16>
    %dot_general3A_193 = arith.constant dense<0.000000e+00> : vector<256x64xf32>
    %dot_general3A_194 = tpu.matmul %convert_element_type3A_192, %slice3A_174, %dot_general3A_193 {dimension_numbers = #tpu.dot_dimension_numbers<[1], [0], [0], [1], [0, 0, 1, 1], [], []>, transpose_lhs_hint = false} : vector<256x256xbf16>, vector<256x64xbf16>, vector<256x64xf32> -> vector<256x64xf32>
    %mul3A_195 = vector.broadcast %div3A_191 : vector<256x1xf32> to vector<256x64xf32>
    %mul3A_196 = arith.mulf %dot_general3A_194, %mul3A_195 : vector<256x64xf32>
    %slice3A_197 = vector.extract_strided_slice %convert_element_type3A_74 {offsets = [0, 320], sizes = [256, 64], strides = [1, 1]} : vector<256x2304xbf16> to vector<256x64xbf16>
    %slice3A_198 = vector.extract_strided_slice %convert_element_type3A_74 {offsets = [0, 1088], sizes = [256, 64], strides = [1, 1]} : vector<256x2304xbf16> to vector<256x64xbf16>
    %slice3A_199 = vector.extract_strided_slice %convert_element_type3A_74 {offsets = [0, 1856], sizes = [256, 64], strides = [1, 1]} : vector<256x2304xbf16> to vector<256x64xbf16>
    %dot_general3A_200 = arith.constant dense<0.000000e+00> : vector<256x256xf32>
    %dot_general3A_201 = tpu.matmul %slice3A_197, %slice3A_198, %dot_general3A_200 {dimension_numbers = #tpu.dot_dimension_numbers<[1], [1], [0], [0], [0, 0, 1, 0], [], []>, transpose_lhs_hint = false} : vector<256x64xbf16>, vector<256x64xbf16>, vector<256x256xf32> -> vector<256x256xf32>
    %mul3A_202 = arith.constant 1.250000e-01 : f32
    %mul3A_203 = vector.broadcast %mul3A_202 : f32 to vector<256x256xf32>
    %mul3A_204 = arith.mulf %dot_general3A_201, %mul3A_203 : vector<256x256xf32>
    %reduce_max3A_205 = arith.constant dense<0xFF800000> : vector<256xf32>
    %reduce_max3A_206 = vector.multi_reduction <maximumf>, %mul3A_204, %reduce_max3A_205 [1] : vector<256x256xf32> to vector<256xf32>
    %broadcast_in_dim3A_207 = vector.shape_cast %reduce_max3A_206 : vector<256xf32> to vector<256x1xf32>
    %sub3A_208 = vector.broadcast %broadcast_in_dim3A_207 : vector<256x1xf32> to vector<256x256xf32>
    %sub3A_209 = arith.subf %mul3A_204, %sub3A_208 : vector<256x256xf32>
    %exp3A_210 = math.exp %sub3A_209 : vector<256x256xf32>
    %reduce_sum3A_211 = arith.constant dense<0.000000e+00> : vector<256xf32>
    %reduce_sum3A_212 = vector.multi_reduction <add>, %exp3A_210, %reduce_sum3A_211 [1] : vector<256x256xf32> to vector<256xf32>
    %broadcast_in_dim3A_213 = vector.shape_cast %reduce_sum3A_212 : vector<256xf32> to vector<256x1xf32>
    %div3A_214 = arith.constant 1.000000e+00 : f32
    %div3A_215 = vector.broadcast %div3A_214 : f32 to vector<256x1xf32>
    %div3A_216 = arith.divf %div3A_215, %broadcast_in_dim3A_213 : vector<256x1xf32>
    %convert_element_type3A_217 = arith.truncf %exp3A_210 : vector<256x256xf32> to vector<256x256xbf16>
    %dot_general3A_218 = arith.constant dense<0.000000e+00> : vector<256x64xf32>
    %dot_general3A_219 = tpu.matmul %convert_element_type3A_217, %slice3A_199, %dot_general3A_218 {dimension_numbers = #tpu.dot_dimension_numbers<[1], [0], [0], [1], [0, 0, 1, 1], [], []>, transpose_lhs_hint = false} : vector<256x256xbf16>, vector<256x64xbf16>, vector<256x64xf32> -> vector<256x64xf32>
    %mul3A_220 = vector.broadcast %div3A_216 : vector<256x1xf32> to vector<256x64xf32>
    %mul3A_221 = arith.mulf %dot_general3A_219, %mul3A_220 : vector<256x64xf32>
    %slice3A_222 = vector.extract_strided_slice %convert_element_type3A_74 {offsets = [0, 384], sizes = [256, 64], strides = [1, 1]} : vector<256x2304xbf16> to vector<256x64xbf16>
    %slice3A_223 = vector.extract_strided_slice %convert_element_type3A_74 {offsets = [0, 1152], sizes = [256, 64], strides = [1, 1]} : vector<256x2304xbf16> to vector<256x64xbf16>
    %slice3A_224 = vector.extract_strided_slice %convert_element_type3A_74 {offsets = [0, 1920], sizes = [256, 64], strides = [1, 1]} : vector<256x2304xbf16> to vector<256x64xbf16>
    %dot_general3A_225 = arith.constant dense<0.000000e+00> : vector<256x256xf32>
    %dot_general3A_226 = tpu.matmul %slice3A_222, %slice3A_223, %dot_general3A_225 {dimension_numbers = #tpu.dot_dimension_numbers<[1], [1], [0], [0], [0, 0, 1, 0], [], []>, transpose_lhs_hint = false} : vector<256x64xbf16>, vector<256x64xbf16>, vector<256x256xf32> -> vector<256x256xf32>
    %mul3A_227 = arith.constant 1.250000e-01 : f32
    %mul3A_228 = vector.broadcast %mul3A_227 : f32 to vector<256x256xf32>
    %mul3A_229 = arith.mulf %dot_general3A_226, %mul3A_228 : vector<256x256xf32>
    %reduce_max3A_230 = arith.constant dense<0xFF800000> : vector<256xf32>
    %reduce_max3A_231 = vector.multi_reduction <maximumf>, %mul3A_229, %reduce_max3A_230 [1] : vector<256x256xf32> to vector<256xf32>
    %broadcast_in_dim3A_232 = vector.shape_cast %reduce_max3A_231 : vector<256xf32> to vector<256x1xf32>
    %sub3A_233 = vector.broadcast %broadcast_in_dim3A_232 : vector<256x1xf32> to vector<256x256xf32>
    %sub3A_234 = arith.subf %mul3A_229, %sub3A_233 : vector<256x256xf32>
    %exp3A_235 = math.exp %sub3A_234 : vector<256x256xf32>
    %reduce_sum3A_236 = arith.constant dense<0.000000e+00> : vector<256xf32>
    %reduce_sum3A_237 = vector.multi_reduction <add>, %exp3A_235, %reduce_sum3A_236 [1] : vector<256x256xf32> to vector<256xf32>
    %broadcast_in_dim3A_238 = vector.shape_cast %reduce_sum3A_237 : vector<256xf32> to vector<256x1xf32>
    %div3A_239 = arith.constant 1.000000e+00 : f32
    %div3A_240 = vector.broadcast %div3A_239 : f32 to vector<256x1xf32>
    %div3A_241 = arith.divf %div3A_240, %broadcast_in_dim3A_238 : vector<256x1xf32>
    %convert_element_type3A_242 = arith.truncf %exp3A_235 : vector<256x256xf32> to vector<256x256xbf16>
    %dot_general3A_243 = arith.constant dense<0.000000e+00> : vector<256x64xf32>
    %dot_general3A_244 = tpu.matmul %convert_element_type3A_242, %slice3A_224, %dot_general3A_243 {dimension_numbers = #tpu.dot_dimension_numbers<[1], [0], [0], [1], [0, 0, 1, 1], [], []>, transpose_lhs_hint = false} : vector<256x256xbf16>, vector<256x64xbf16>, vector<256x64xf32> -> vector<256x64xf32>
    %mul3A_245 = vector.broadcast %div3A_241 : vector<256x1xf32> to vector<256x64xf32>
    %mul3A_246 = arith.mulf %dot_general3A_244, %mul3A_245 : vector<256x64xf32>
    %slice3A_247 = vector.extract_strided_slice %convert_element_type3A_74 {offsets = [0, 448], sizes = [256, 64], strides = [1, 1]} : vector<256x2304xbf16> to vector<256x64xbf16>
    %slice3A_248 = vector.extract_strided_slice %convert_element_type3A_74 {offsets = [0, 1216], sizes = [256, 64], strides = [1, 1]} : vector<256x2304xbf16> to vector<256x64xbf16>
    %slice3A_249 = vector.extract_strided_slice %convert_element_type3A_74 {offsets = [0, 1984], sizes = [256, 64], strides = [1, 1]} : vector<256x2304xbf16> to vector<256x64xbf16>
    %dot_general3A_250 = arith.constant dense<0.000000e+00> : vector<256x256xf32>
    %dot_general3A_251 = tpu.matmul %slice3A_247, %slice3A_248, %dot_general3A_250 {dimension_numbers = #tpu.dot_dimension_numbers<[1], [1], [0], [0], [0, 0, 1, 0], [], []>, transpose_lhs_hint = false} : vector<256x64xbf16>, vector<256x64xbf16>, vector<256x256xf32> -> vector<256x256xf32>
    %mul3A_252 = arith.constant 1.250000e-01 : f32
    %mul3A_253 = vector.broadcast %mul3A_252 : f32 to vector<256x256xf32>
    %mul3A_254 = arith.mulf %dot_general3A_251, %mul3A_253 : vector<256x256xf32>
    %reduce_max3A_255 = arith.constant dense<0xFF800000> : vector<256xf32>
    %reduce_max3A_256 = vector.multi_reduction <maximumf>, %mul3A_254, %reduce_max3A_255 [1] : vector<256x256xf32> to vector<256xf32>
    %broadcast_in_dim3A_257 = vector.shape_cast %reduce_max3A_256 : vector<256xf32> to vector<256x1xf32>
    %sub3A_258 = vector.broadcast %broadcast_in_dim3A_257 : vector<256x1xf32> to vector<256x256xf32>
    %sub3A_259 = arith.subf %mul3A_254, %sub3A_258 : vector<256x256xf32>
    %exp3A_260 = math.exp %sub3A_259 : vector<256x256xf32>
    %reduce_sum3A_261 = arith.constant dense<0.000000e+00> : vector<256xf32>
    %reduce_sum3A_262 = vector.multi_reduction <add>, %exp3A_260, %reduce_sum3A_261 [1] : vector<256x256xf32> to vector<256xf32>
    %broadcast_in_dim3A_263 = vector.shape_cast %reduce_sum3A_262 : vector<256xf32> to vector<256x1xf32>
    %div3A_264 = arith.constant 1.000000e+00 : f32
    %div3A_265 = vector.broadcast %div3A_264 : f32 to vector<256x1xf32>
    %div3A_266 = arith.divf %div3A_265, %broadcast_in_dim3A_263 : vector<256x1xf32>
    %convert_element_type3A_267 = arith.truncf %exp3A_260 : vector<256x256xf32> to vector<256x256xbf16>
    %dot_general3A_268 = arith.constant dense<0.000000e+00> : vector<256x64xf32>
    %dot_general3A_269 = tpu.matmul %convert_element_type3A_267, %slice3A_249, %dot_general3A_268 {dimension_numbers = #tpu.dot_dimension_numbers<[1], [0], [0], [1], [0, 0, 1, 1], [], []>, transpose_lhs_hint = false} : vector<256x256xbf16>, vector<256x64xbf16>, vector<256x64xf32> -> vector<256x64xf32>
    %mul3A_270 = vector.broadcast %div3A_266 : vector<256x1xf32> to vector<256x64xf32>
    %mul3A_271 = arith.mulf %dot_general3A_269, %mul3A_270 : vector<256x64xf32>
    %slice3A_272 = vector.extract_strided_slice %convert_element_type3A_74 {offsets = [0, 512], sizes = [256, 64], strides = [1, 1]} : vector<256x2304xbf16> to vector<256x64xbf16>
    %slice3A_273 = vector.extract_strided_slice %convert_element_type3A_74 {offsets = [0, 1280], sizes = [256, 64], strides = [1, 1]} : vector<256x2304xbf16> to vector<256x64xbf16>
    %slice3A_274 = vector.extract_strided_slice %convert_element_type3A_74 {offsets = [0, 2048], sizes = [256, 64], strides = [1, 1]} : vector<256x2304xbf16> to vector<256x64xbf16>
    %dot_general3A_275 = arith.constant dense<0.000000e+00> : vector<256x256xf32>
    %dot_general3A_276 = tpu.matmul %slice3A_272, %slice3A_273, %dot_general3A_275 {dimension_numbers = #tpu.dot_dimension_numbers<[1], [1], [0], [0], [0, 0, 1, 0], [], []>, transpose_lhs_hint = false} : vector<256x64xbf16>, vector<256x64xbf16>, vector<256x256xf32> -> vector<256x256xf32>
    %mul3A_277 = arith.constant 1.250000e-01 : f32
    %mul3A_278 = vector.broadcast %mul3A_277 : f32 to vector<256x256xf32>
    %mul3A_279 = arith.mulf %dot_general3A_276, %mul3A_278 : vector<256x256xf32>
    %reduce_max3A_280 = arith.constant dense<0xFF800000> : vector<256xf32>
    %reduce_max3A_281 = vector.multi_reduction <maximumf>, %mul3A_279, %reduce_max3A_280 [1] : vector<256x256xf32> to vector<256xf32>
    %broadcast_in_dim3A_282 = vector.shape_cast %reduce_max3A_281 : vector<256xf32> to vector<256x1xf32>
    %sub3A_283 = vector.broadcast %broadcast_in_dim3A_282 : vector<256x1xf32> to vector<256x256xf32>
    %sub3A_284 = arith.subf %mul3A_279, %sub3A_283 : vector<256x256xf32>
    %exp3A_285 = math.exp %sub3A_284 : vector<256x256xf32>
    %reduce_sum3A_286 = arith.constant dense<0.000000e+00> : vector<256xf32>
    %reduce_sum3A_287 = vector.multi_reduction <add>, %exp3A_285, %reduce_sum3A_286 [1] : vector<256x256xf32> to vector<256xf32>
    %broadcast_in_dim3A_288 = vector.shape_cast %reduce_sum3A_287 : vector<256xf32> to vector<256x1xf32>
    %div3A_289 = arith.constant 1.000000e+00 : f32
    %div3A_290 = vector.broadcast %div3A_289 : f32 to vector<256x1xf32>
    %div3A_291 = arith.divf %div3A_290, %broadcast_in_dim3A_288 : vector<256x1xf32>
    %convert_element_type3A_292 = arith.truncf %exp3A_285 : vector<256x256xf32> to vector<256x256xbf16>
    %dot_general3A_293 = arith.constant dense<0.000000e+00> : vector<256x64xf32>
    %dot_general3A_294 = tpu.matmul %convert_element_type3A_292, %slice3A_274, %dot_general3A_293 {dimension_numbers = #tpu.dot_dimension_numbers<[1], [0], [0], [1], [0, 0, 1, 1], [], []>, transpose_lhs_hint = false} : vector<256x256xbf16>, vector<256x64xbf16>, vector<256x64xf32> -> vector<256x64xf32>
    %mul3A_295 = vector.broadcast %div3A_291 : vector<256x1xf32> to vector<256x64xf32>
    %mul3A_296 = arith.mulf %dot_general3A_294, %mul3A_295 : vector<256x64xf32>
    %slice3A_297 = vector.extract_strided_slice %convert_element_type3A_74 {offsets = [0, 576], sizes = [256, 64], strides = [1, 1]} : vector<256x2304xbf16> to vector<256x64xbf16>
    %slice3A_298 = vector.extract_strided_slice %convert_element_type3A_74 {offsets = [0, 1344], sizes = [256, 64], strides = [1, 1]} : vector<256x2304xbf16> to vector<256x64xbf16>
    %slice3A_299 = vector.extract_strided_slice %convert_element_type3A_74 {offsets = [0, 2112], sizes = [256, 64], strides = [1, 1]} : vector<256x2304xbf16> to vector<256x64xbf16>
    %dot_general3A_300 = arith.constant dense<0.000000e+00> : vector<256x256xf32>
    %dot_general3A_301 = tpu.matmul %slice3A_297, %slice3A_298, %dot_general3A_300 {dimension_numbers = #tpu.dot_dimension_numbers<[1], [1], [0], [0], [0, 0, 1, 0], [], []>, transpose_lhs_hint = false} : vector<256x64xbf16>, vector<256x64xbf16>, vector<256x256xf32> -> vector<256x256xf32>
    %mul3A_302 = arith.constant 1.250000e-01 : f32
    %mul3A_303 = vector.broadcast %mul3A_302 : f32 to vector<256x256xf32>
    %mul3A_304 = arith.mulf %dot_general3A_301, %mul3A_303 : vector<256x256xf32>
    %reduce_max3A_305 = arith.constant dense<0xFF800000> : vector<256xf32>
    %reduce_max3A_306 = vector.multi_reduction <maximumf>, %mul3A_304, %reduce_max3A_305 [1] : vector<256x256xf32> to vector<256xf32>
    %broadcast_in_dim3A_307 = vector.shape_cast %reduce_max3A_306 : vector<256xf32> to vector<256x1xf32>
    %sub3A_308 = vector.broadcast %broadcast_in_dim3A_307 : vector<256x1xf32> to vector<256x256xf32>
    %sub3A_309 = arith.subf %mul3A_304, %sub3A_308 : vector<256x256xf32>
    %exp3A_310 = math.exp %sub3A_309 : vector<256x256xf32>
    %reduce_sum3A_311 = arith.constant dense<0.000000e+00> : vector<256xf32>
    %reduce_sum3A_312 = vector.multi_reduction <add>, %exp3A_310, %reduce_sum3A_311 [1] : vector<256x256xf32> to vector<256xf32>
    %broadcast_in_dim3A_313 = vector.shape_cast %reduce_sum3A_312 : vector<256xf32> to vector<256x1xf32>
    %div3A_314 = arith.constant 1.000000e+00 : f32
    %div3A_315 = vector.broadcast %div3A_314 : f32 to vector<256x1xf32>
    %div3A_316 = arith.divf %div3A_315, %broadcast_in_dim3A_313 : vector<256x1xf32>
    %convert_element_type3A_317 = arith.truncf %exp3A_310 : vector<256x256xf32> to vector<256x256xbf16>
    %dot_general3A_318 = arith.constant dense<0.000000e+00> : vector<256x64xf32>
    %dot_general3A_319 = tpu.matmul %convert_element_type3A_317, %slice3A_299, %dot_general3A_318 {dimension_numbers = #tpu.dot_dimension_numbers<[1], [0], [0], [1], [0, 0, 1, 1], [], []>, transpose_lhs_hint = false} : vector<256x256xbf16>, vector<256x64xbf16>, vector<256x64xf32> -> vector<256x64xf32>
    %mul3A_320 = vector.broadcast %div3A_316 : vector<256x1xf32> to vector<256x64xf32>
    %mul3A_321 = arith.mulf %dot_general3A_319, %mul3A_320 : vector<256x64xf32>
    %slice3A_322 = vector.extract_strided_slice %convert_element_type3A_74 {offsets = [0, 640], sizes = [256, 64], strides = [1, 1]} : vector<256x2304xbf16> to vector<256x64xbf16>
    %slice3A_323 = vector.extract_strided_slice %convert_element_type3A_74 {offsets = [0, 1408], sizes = [256, 64], strides = [1, 1]} : vector<256x2304xbf16> to vector<256x64xbf16>
    %slice3A_324 = vector.extract_strided_slice %convert_element_type3A_74 {offsets = [0, 2176], sizes = [256, 64], strides = [1, 1]} : vector<256x2304xbf16> to vector<256x64xbf16>
    %dot_general3A_325 = arith.constant dense<0.000000e+00> : vector<256x256xf32>
    %dot_general3A_326 = tpu.matmul %slice3A_322, %slice3A_323, %dot_general3A_325 {dimension_numbers = #tpu.dot_dimension_numbers<[1], [1], [0], [0], [0, 0, 1, 0], [], []>, transpose_lhs_hint = false} : vector<256x64xbf16>, vector<256x64xbf16>, vector<256x256xf32> -> vector<256x256xf32>
    %mul3A_327 = arith.constant 1.250000e-01 : f32
    %mul3A_328 = vector.broadcast %mul3A_327 : f32 to vector<256x256xf32>
    %mul3A_329 = arith.mulf %dot_general3A_326, %mul3A_328 : vector<256x256xf32>
    %reduce_max3A_330 = arith.constant dense<0xFF800000> : vector<256xf32>
    %reduce_max3A_331 = vector.multi_reduction <maximumf>, %mul3A_329, %reduce_max3A_330 [1] : vector<256x256xf32> to vector<256xf32>
    %broadcast_in_dim3A_332 = vector.shape_cast %reduce_max3A_331 : vector<256xf32> to vector<256x1xf32>
    %sub3A_333 = vector.broadcast %broadcast_in_dim3A_332 : vector<256x1xf32> to vector<256x256xf32>
    %sub3A_334 = arith.subf %mul3A_329, %sub3A_333 : vector<256x256xf32>
    %exp3A_335 = math.exp %sub3A_334 : vector<256x256xf32>
    %reduce_sum3A_336 = arith.constant dense<0.000000e+00> : vector<256xf32>
    %reduce_sum3A_337 = vector.multi_reduction <add>, %exp3A_335, %reduce_sum3A_336 [1] : vector<256x256xf32> to vector<256xf32>
    %broadcast_in_dim3A_338 = vector.shape_cast %reduce_sum3A_337 : vector<256xf32> to vector<256x1xf32>
    %div3A_339 = arith.constant 1.000000e+00 : f32
    %div3A_340 = vector.broadcast %div3A_339 : f32 to vector<256x1xf32>
    %div3A_341 = arith.divf %div3A_340, %broadcast_in_dim3A_338 : vector<256x1xf32>
    %convert_element_type3A_342 = arith.truncf %exp3A_335 : vector<256x256xf32> to vector<256x256xbf16>
    %dot_general3A_343 = arith.constant dense<0.000000e+00> : vector<256x64xf32>
    %dot_general3A_344 = tpu.matmul %convert_element_type3A_342, %slice3A_324, %dot_general3A_343 {dimension_numbers = #tpu.dot_dimension_numbers<[1], [0], [0], [1], [0, 0, 1, 1], [], []>, transpose_lhs_hint = false} : vector<256x256xbf16>, vector<256x64xbf16>, vector<256x64xf32> -> vector<256x64xf32>
    %mul3A_345 = vector.broadcast %div3A_341 : vector<256x1xf32> to vector<256x64xf32>
    %mul3A_346 = arith.mulf %dot_general3A_344, %mul3A_345 : vector<256x64xf32>
    %slice3A_347 = vector.extract_strided_slice %convert_element_type3A_74 {offsets = [0, 704], sizes = [256, 64], strides = [1, 1]} : vector<256x2304xbf16> to vector<256x64xbf16>
    %slice3A_348 = vector.extract_strided_slice %convert_element_type3A_74 {offsets = [0, 1472], sizes = [256, 64], strides = [1, 1]} : vector<256x2304xbf16> to vector<256x64xbf16>
    %slice3A_349 = vector.extract_strided_slice %convert_element_type3A_74 {offsets = [0, 2240], sizes = [256, 64], strides = [1, 1]} : vector<256x2304xbf16> to vector<256x64xbf16>
    %dot_general3A_350 = arith.constant dense<0.000000e+00> : vector<256x256xf32>
    %dot_general3A_351 = tpu.matmul %slice3A_347, %slice3A_348, %dot_general3A_350 {dimension_numbers = #tpu.dot_dimension_numbers<[1], [1], [0], [0], [0, 0, 1, 0], [], []>, transpose_lhs_hint = false} : vector<256x64xbf16>, vector<256x64xbf16>, vector<256x256xf32> -> vector<256x256xf32>
    %mul3A_352 = arith.constant 1.250000e-01 : f32
    %mul3A_353 = vector.broadcast %mul3A_352 : f32 to vector<256x256xf32>
    %mul3A_354 = arith.mulf %dot_general3A_351, %mul3A_353 : vector<256x256xf32>
    %reduce_max3A_355 = arith.constant dense<0xFF800000> : vector<256xf32>
    %reduce_max3A_356 = vector.multi_reduction <maximumf>, %mul3A_354, %reduce_max3A_355 [1] : vector<256x256xf32> to vector<256xf32>
    %broadcast_in_dim3A_357 = vector.shape_cast %reduce_max3A_356 : vector<256xf32> to vector<256x1xf32>
    %sub3A_358 = vector.broadcast %broadcast_in_dim3A_357 : vector<256x1xf32> to vector<256x256xf32>
    %sub3A_359 = arith.subf %mul3A_354, %sub3A_358 : vector<256x256xf32>
    %exp3A_360 = math.exp %sub3A_359 : vector<256x256xf32>
    %reduce_sum3A_361 = arith.constant dense<0.000000e+00> : vector<256xf32>
    %reduce_sum3A_362 = vector.multi_reduction <add>, %exp3A_360, %reduce_sum3A_361 [1] : vector<256x256xf32> to vector<256xf32>
    %broadcast_in_dim3A_363 = vector.shape_cast %reduce_sum3A_362 : vector<256xf32> to vector<256x1xf32>
    %div3A_364 = arith.constant 1.000000e+00 : f32
    %div3A_365 = vector.broadcast %div3A_364 : f32 to vector<256x1xf32>
    %div3A_366 = arith.divf %div3A_365, %broadcast_in_dim3A_363 : vector<256x1xf32>
    %convert_element_type3A_367 = arith.truncf %exp3A_360 : vector<256x256xf32> to vector<256x256xbf16>
    %dot_general3A_368 = arith.constant dense<0.000000e+00> : vector<256x64xf32>
    %dot_general3A_369 = tpu.matmul %convert_element_type3A_367, %slice3A_349, %dot_general3A_368 {dimension_numbers = #tpu.dot_dimension_numbers<[1], [0], [0], [1], [0, 0, 1, 1], [], []>, transpose_lhs_hint = false} : vector<256x256xbf16>, vector<256x64xbf16>, vector<256x64xf32> -> vector<256x64xf32>
    %mul3A_370 = vector.broadcast %div3A_366 : vector<256x1xf32> to vector<256x64xf32>
    %mul3A_371 = arith.mulf %dot_general3A_369, %mul3A_370 : vector<256x64xf32>
    %concatenate3A = tpu.concatenate %mul3A_96, %mul3A_121, %mul3A_146, %mul3A_171, %mul3A_196, %mul3A_221, %mul3A_246, %mul3A_271, %mul3A_296, %mul3A_321, %mul3A_346, %mul3A_371 in 1 : vector<256x64xf32>, vector<256x64xf32>, vector<256x64xf32>, vector<256x64xf32>, vector<256x64xf32>, vector<256x64xf32>, vector<256x64xf32>, vector<256x64xf32>, vector<256x64xf32>, vector<256x64xf32>, vector<256x64xf32>, vector<256x64xf32> -> vector<256x768xf32>
    %convert_element_type3A_372 = arith.truncf %concatenate3A : vector<256x768xf32> to vector<256x768xbf16>
    %dot_general3A_373 = arith.constant dense<0.000000e+00> : vector<256x768xf32>
    %dot_general3A_374 = tpu.matmul %convert_element_type3A_372, %get3A_24, %dot_general3A_373 {dimension_numbers = #tpu.dot_dimension_numbers<[1], [0], [0], [1], [0, 0, 1, 1], [], []>, transpose_lhs_hint = false} : vector<256x768xbf16>, vector<768x768xbf16>, vector<256x768xf32> -> vector<256x768xf32>
    %add3A_375 = arith.addf %add3A_48, %dot_general3A_374 : vector<256x768xf32>
    %add3A_376 = vector.broadcast %get3A_27 : vector<1x768xf32> to vector<256x768xf32>
    %add3A_377 = arith.addf %add3A_375, %add3A_376 : vector<256x768xf32>
    %reduce_sum3A_378 = arith.constant dense<0.000000e+00> : vector<256xf32>
    %reduce_sum3A_379 = vector.multi_reduction <add>, %add3A_377, %reduce_sum3A_378 [1] : vector<256x768xf32> to vector<256xf32>
    %broadcast_in_dim3A_380 = vector.shape_cast %reduce_sum3A_379 : vector<256xf32> to vector<256x1xf32>
    %div3A_381 = arith.constant 7.680000e+02 : f32
    %div3A_382 = vector.broadcast %div3A_381 : f32 to vector<256x1xf32>
    %div3A_383 = arith.divf %broadcast_in_dim3A_380, %div3A_382 : vector<256x1xf32>
    %sub3A_384 = vector.broadcast %div3A_383 : vector<256x1xf32> to vector<256x768xf32>
    %sub3A_385 = arith.subf %add3A_377, %sub3A_384 : vector<256x768xf32>
    %integer_pow3A_386 = arith.mulf %sub3A_385, %sub3A_385 : vector<256x768xf32>
    %reduce_sum3A_387 = arith.constant dense<0.000000e+00> : vector<256xf32>
    %reduce_sum3A_388 = vector.multi_reduction <add>, %integer_pow3A_386, %reduce_sum3A_387 [1] : vector<256x768xf32> to vector<256xf32>
    %broadcast_in_dim3A_389 = vector.shape_cast %reduce_sum3A_388 : vector<256xf32> to vector<256x1xf32>
    %div3A_390 = arith.constant 7.680000e+02 : f32
    %div3A_391 = vector.broadcast %div3A_390 : f32 to vector<256x1xf32>
    %div3A_392 = arith.divf %broadcast_in_dim3A_389, %div3A_391 : vector<256x1xf32>
    %sub3A_393 = vector.broadcast %div3A_383 : vector<256x1xf32> to vector<256x768xf32>
    %sub3A_394 = arith.subf %add3A_377, %sub3A_393 : vector<256x768xf32>
    %mul3A_395 = vector.broadcast %get3A_30 : vector<1x768xf32> to vector<256x768xf32>
    %mul3A_396 = arith.mulf %mul3A_395, %sub3A_394 : vector<256x768xf32>
    %add3A_397 = arith.constant 9.99999974E-6 : f32
    %add3A_398 = vector.broadcast %add3A_397 : f32 to vector<256x1xf32>
    %add3A_399 = arith.addf %div3A_392, %add3A_398 : vector<256x1xf32>
    %sqrt3A_400 = math.sqrt %add3A_399 : vector<256x1xf32>
    %div3A_401 = vector.broadcast %sqrt3A_400 : vector<256x1xf32> to vector<256x768xf32>
    %div3A_402 = arith.divf %mul3A_396, %div3A_401 : vector<256x768xf32>
    %add3A_403 = vector.broadcast %get3A_33 : vector<1x768xf32> to vector<256x768xf32>
    %add3A_404 = arith.addf %div3A_402, %add3A_403 : vector<256x768xf32>
    %convert_element_type3A_405 = arith.truncf %add3A_404 : vector<256x768xf32> to vector<256x768xbf16>
    %dot_general3A_406 = arith.constant dense<0.000000e+00> : vector<256x3072xf32>
    %dot_general3A_407 = tpu.matmul %convert_element_type3A_405, %get3A_36, %dot_general3A_406 {dimension_numbers = #tpu.dot_dimension_numbers<[1], [0], [0], [1], [0, 0, 1, 1], [], []>, transpose_lhs_hint = false} : vector<256x768xbf16>, vector<768x3072xbf16>, vector<256x3072xf32> -> vector<256x3072xf32>
    %add3A_408 = vector.broadcast %get3A_39 : vector<1x3072xf32> to vector<256x3072xf32>
    %add3A_409 = arith.addf %dot_general3A_407, %add3A_408 : vector<256x3072xf32>
    %convert_element_type3A_410 = arith.truncf %add3A_409 : vector<256x3072xf32> to vector<256x3072xbf16>
    %integer_pow3A_411 = arith.mulf %convert_element_type3A_410, %convert_element_type3A_410 : vector<256x3072xbf16>
    %integer_pow3A_412 = arith.mulf %convert_element_type3A_410, %integer_pow3A_411 : vector<256x3072xbf16>
    %mul3A_413 = arith.constant 4.467770e-02 : bf16
    %mul3A_414 = vector.broadcast %mul3A_413 : bf16 to vector<256x3072xbf16>
    %mul3A_415 = arith.mulf %mul3A_414, %integer_pow3A_412 : vector<256x3072xbf16>
    %add3A_416 = arith.addf %convert_element_type3A_410, %mul3A_415 : vector<256x3072xbf16>
    %mul3A_417 = arith.constant 7.968750e-01 : bf16
    %mul3A_418 = vector.broadcast %mul3A_417 : bf16 to vector<256x3072xbf16>
    %mul3A_419 = arith.mulf %mul3A_418, %add3A_416 : vector<256x3072xbf16>
    %tanh3A = math.tanh %mul3A_419 : vector<256x3072xbf16>
    %add3A_420 = arith.constant 1.000000e+00 : bf16
    %add3A_421 = vector.broadcast %add3A_420 : bf16 to vector<256x3072xbf16>
    %add3A_422 = arith.addf %add3A_421, %tanh3A : vector<256x3072xbf16>
    %mul3A_423 = arith.constant 5.000000e-01 : bf16
    %mul3A_424 = vector.broadcast %mul3A_423 : bf16 to vector<256x3072xbf16>
    %mul3A_425 = arith.mulf %mul3A_424, %add3A_422 : vector<256x3072xbf16>
    %mul3A_426 = arith.mulf %convert_element_type3A_410, %mul3A_425 : vector<256x3072xbf16>
    %dot_general3A_427 = arith.constant dense<0.000000e+00> : vector<256x768xf32>
    %dot_general3A_428 = tpu.matmul %mul3A_426, %get3A_42, %dot_general3A_427 {dimension_numbers = #tpu.dot_dimension_numbers<[1], [0], [0], [1], [0, 0, 1, 1], [], []>, transpose_lhs_hint = false} : vector<256x3072xbf16>, vector<3072x768xbf16>, vector<256x768xf32> -> vector<256x768xf32>
    %add3A_429 = arith.addf %add3A_377, %dot_general3A_428 : vector<256x768xf32>
    %add3A_430 = vector.broadcast %get3A_45 : vector<1x768xf32> to vector<256x768xf32>
    %add3A_431 = arith.addf %add3A_429, %add3A_430 : vector<256x768xf32>
    %get3A_432 = arith.constant 0 : index
    %get3A_433 = arith.constant 0 : index
    %get3A_434 = vector.load %arg16[%get3A_432, %get3A_433] : memref<768x768xf32, #tpu.memory_space<vmem>>, vector<768x768xf32>
    %get3A_435 = arith.constant 0 : index
    %get3A_436 = arith.constant 0 : index
    %get3A_437 = vector.load %arg17[%get3A_435, %get3A_436] : memref<1x768xf32, #tpu.memory_space<vmem>>, vector<1x768xf32>
    %get3A_438 = arith.constant 0 : index
    %get3A_439 = arith.constant 0 : index
    %get3A_440 = vector.load %arg18[%get3A_438, %get3A_439] : memref<768x256xf32, #tpu.memory_space<vmem>>, vector<768x256xf32>
    %get3A_441 = arith.constant 0 : index
    %get3A_442 = arith.constant 0 : index
    %get3A_443 = vector.load %arg19[%get3A_441, %get3A_442] : memref<1x256xf32, #tpu.memory_space<vmem>>, vector<1x256xf32>
    %convert_element_type3A_444 = arith.truncf %add3A_431 : vector<256x768xf32> to vector<256x768xbf16>
    %dot_general3A_445 = arith.constant dense<0.000000e+00> : vector<256x768xf32>
    %dot_general3A_446 = tpu.matmul %convert_element_type3A_444, %get3A_434, %dot_general3A_445 {dimension_numbers = #tpu.dot_dimension_numbers<[1], [0], [0], [1], [0, 0, 1, 1], [], []>, transpose_lhs_hint = false} : vector<256x768xbf16>, vector<768x768xf32>, vector<256x768xf32> -> vector<256x768xf32>
    %add3A_447 = vector.broadcast %get3A_437 : vector<1x768xf32> to vector<256x768xf32>
    %add3A_448 = arith.addf %dot_general3A_446, %add3A_447 : vector<256x768xf32>
    %convert_element_type3A_449 = arith.truncf %add3A_448 : vector<256x768xf32> to vector<256x768xbf16>
    %tanh3A_450 = math.tanh %convert_element_type3A_449 : vector<256x768xbf16>
    %dot_general3A_451 = arith.constant dense<0.000000e+00> : vector<256x256xf32>
    %dot_general3A_452 = tpu.matmul %tanh3A_450, %get3A_440, %dot_general3A_451 {dimension_numbers = #tpu.dot_dimension_numbers<[1], [0], [0], [1], [0, 0, 1, 1], [], []>, transpose_lhs_hint = false} : vector<256x768xbf16>, vector<768x256xf32>, vector<256x256xf32> -> vector<256x256xf32>
    %add3A_453 = vector.broadcast %get3A_443 : vector<1x256xf32> to vector<256x256xf32>
    %add3A_454 = arith.addf %dot_general3A_452, %add3A_453 : vector<256x256xf32>
    %mul3A_455 = arith.mulf %add3A_454, %add3A_454 : vector<256x256xf32>
    %reduce_sum3A_456 = arith.constant dense<0.000000e+00> : vector<256xf32>
    %reduce_sum3A_457 = vector.multi_reduction <add>, %mul3A_455, %reduce_sum3A_456 [1] : vector<256x256xf32> to vector<256xf32>
    %broadcast_in_dim3A_458 = vector.shape_cast %reduce_sum3A_457 : vector<256xf32> to vector<256x1xf32>
    %sqrt3A_459 = math.sqrt %broadcast_in_dim3A_458 : vector<256x1xf32>
    %max3A = arith.constant 9.99999996E-13 : f32
    %max3A_460 = vector.broadcast %max3A : f32 to vector<256x1xf32>
    %max3A_461 = arith.maximumf %sqrt3A_459, %max3A_460 : vector<256x1xf32>
    %div3A_462 = vector.broadcast %max3A_461 : vector<256x1xf32> to vector<256x256xf32>
    %div3A_463 = arith.divf %add3A_454, %div3A_462 : vector<256x256xf32>
    %swap3A = arith.constant 0 : index
    %swap3A_464 = arith.constant 0 : index
    %swap3A_465 = vector.load %arg21[%swap3A, %swap3A_464] : memref<256x256xf32, #tpu.memory_space<vmem>>, vector<256x256xf32>
    tpu.vector_store %arg21[%swap3A, %swap3A_464], %div3A_463 {strides = array<i32>} : memref<256x256xf32, #tpu.memory_space<vmem>>, vector<256x256xf32>,
    %convert_element_type3A_466 = arith.truncf %div3A_463 : vector<256x256xf32> to vector<256x256xbf16>
    %broadcast_in_dim3A_467 = arith.constant 0x7F800000 : f32
    %broadcast_in_dim3A_468 = vector.broadcast %broadcast_in_dim3A_467 : f32 to vector<256x1xf32>
    %broadcast_in_dim3A_469 = arith.constant 0.000000e+00 : f32
    %broadcast_in_dim3A_470 = vector.broadcast %broadcast_in_dim3A_469 : f32 to vector<256x1xf32>
    %iota3A = tpu.iota {dimensions = array<i32: 1>} : vector<256x256xi32>
    %convert_element_type3A_471 = arith.sitofp %iota3A : vector<256x256xi32> to vector<256x256xf32>
    %broadcast_in_dim3A_472 = arith.constant 1.000000e+00 : f32
    %broadcast_in_dim3A_473 = vector.broadcast %broadcast_in_dim3A_472 : f32 to vector<1x256xf32>
    %convert_element_type3A_474 = arith.truncf %broadcast_in_dim3A_473 : vector<1x256xf32> to vector<1x256xbf16>
    %get3A_475 = arith.constant 0 : index
    %get3A_476 = arith.constant 0 : index
    %get3A_477 = vector.load %arg23[%get3A_475, %get3A_476] : memref<8192x256xbf16, #tpu.memory_space<vmem>>, vector<256x256xbf16>
    %dot_general3A_478 = arith.constant dense<0.000000e+00> : vector<256x256xf32>
    %dot_general3A_479 = tpu.matmul %convert_element_type3A_466, %get3A_477, %dot_general3A_478 {dimension_numbers = #tpu.dot_dimension_numbers<[1], [1], [0], [0], [0, 0, 1, 0], [], []>, transpose_lhs_hint = false} : vector<256x256xbf16>, vector<256x256xbf16>, vector<256x256xf32> -> vector<256x256xf32>
    %mul3A_480 = arith.mulf %get3A_477, %get3A_477 : vector<256x256xbf16>
    %dot_general3A_481 = arith.constant dense<0.000000e+00> : vector<1x256xf32>
    %dot_general3A_482 = tpu.matmul %convert_element_type3A_474, %mul3A_480, %dot_general3A_481 {dimension_numbers = #tpu.dot_dimension_numbers<[1], [1], [0], [0], [0, 0, 1, 0], [], []>, transpose_lhs_hint = false} : vector<1x256xbf16>, vector<256x256xbf16>, vector<1x256xf32> -> vector<1x256xf32>
    %mul3A_483 = arith.constant 2.000000e+00 : f32
    %mul3A_484 = vector.broadcast %mul3A_483 : f32 to vector<256x256xf32>
    %mul3A_485 = arith.mulf %mul3A_484, %dot_general3A_479 : vector<256x256xf32>
    %sub3A_486 = vector.broadcast %dot_general3A_482 : vector<1x256xf32> to vector<256x256xf32>
    %sub3A_487 = arith.subf %sub3A_486, %mul3A_485 : vector<256x256xf32>
    %reduce_min3A = arith.constant dense<0x7F800000> : vector<256xf32>
    %reduce_min3A_488 = vector.multi_reduction <minimumf>, %sub3A_487, %reduce_min3A [1] : vector<256x256xf32> to vector<256xf32>
    %broadcast_in_dim3A_489 = vector.shape_cast %reduce_min3A_488 : vector<256xf32> to vector<256x1xf32>
    %eq3A_490 = vector.broadcast %broadcast_in_dim3A_489 : vector<256x1xf32> to vector<256x256xf32>
    %eq3A_491 = arith.cmpf oeq, %sub3A_487, %eq3A_490 : vector<256x256xf32>
    %jit3A = arith.constant 8.192000e+03 : f32
    %broadcast_in_dim3A_492 = vector.broadcast %jit3A : f32 to vector<256x256xf32>
    %select_n3A = arith.select %eq3A_491, %convert_element_type3A_471, %broadcast_in_dim3A_492 : vector<256x256xi1>, vector<256x256xf32>
    %reduce_min3A_493 = arith.constant dense<0x7F800000> : vector<256xf32>
    %reduce_min3A_494 = vector.multi_reduction <minimumf>, %select_n3A, %reduce_min3A_493 [1] : vector<256x256xf32> to vector<256xf32>
    %broadcast_in_dim3A_495 = vector.shape_cast %reduce_min3A_494 : vector<256xf32> to vector<256x1xf32>
    %add3A_496 = arith.constant 0.000000e+00 : f32
    %add3A_497 = vector.broadcast %add3A_496 : f32 to vector<256x1xf32>
    %add3A_498 = arith.addf %broadcast_in_dim3A_495, %add3A_497 : vector<256x1xf32>
    %lt3A = arith.cmpf olt, %broadcast_in_dim3A_489, %broadcast_in_dim3A_468 : vector<256x1xf32>
    %select_n3A_499 = arith.select %lt3A, %add3A_498, %broadcast_in_dim3A_470 : vector<256x1xi1>, vector<256x1xf32>
    %select_n3A_500 = arith.select %lt3A, %broadcast_in_dim3A_489, %broadcast_in_dim3A_468 : vector<256x1xi1>, vector<256x1xf32>
    %get3A_501 = arith.constant 256 : index
    %get3A_502 = arith.constant 0 : index
    %get3A_503 = vector.load %arg23[%get3A_501, %get3A_502] : memref<8192x256xbf16, #tpu.memory_space<vmem>>, vector<256x256xbf16>
    %dot_general3A_504 = arith.constant dense<0.000000e+00> : vector<256x256xf32>
    %dot_general3A_505 = tpu.matmul %convert_element_type3A_466, %get3A_503, %dot_general3A_504 {dimension_numbers = #tpu.dot_dimension_numbers<[1], [1], [0], [0], [0, 0, 1, 0], [], []>, transpose_lhs_hint = false} : vector<256x256xbf16>, vector<256x256xbf16>, vector<256x256xf32> -> vector<256x256xf32>
    %mul3A_506 = arith.mulf %get3A_503, %get3A_503 : vector<256x256xbf16>
    %dot_general3A_507 = arith.constant dense<0.000000e+00> : vector<1x256xf32>
    %dot_general3A_508 = tpu.matmul %convert_element_type3A_474, %mul3A_506, %dot_general3A_507 {dimension_numbers = #tpu.dot_dimension_numbers<[1], [1], [0], [0], [0, 0, 1, 0], [], []>, transpose_lhs_hint = false} : vector<1x256xbf16>, vector<256x256xbf16>, vector<1x256xf32> -> vector<1x256xf32>
    %mul3A_509 = arith.constant 2.000000e+00 : f32
    %mul3A_510 = vector.broadcast %mul3A_509 : f32 to vector<256x256xf32>
    %mul3A_511 = arith.mulf %mul3A_510, %dot_general3A_505 : vector<256x256xf32>
    %sub3A_512 = vector.broadcast %dot_general3A_508 : vector<1x256xf32> to vector<256x256xf32>
    %sub3A_513 = arith.subf %sub3A_512, %mul3A_511 : vector<256x256xf32>
    %reduce_min3A_514 = arith.constant dense<0x7F800000> : vector<256xf32>
    %reduce_min3A_515 = vector.multi_reduction <minimumf>, %sub3A_513, %reduce_min3A_514 [1] : vector<256x256xf32> to vector<256xf32>
    %broadcast_in_dim3A_516 = vector.shape_cast %reduce_min3A_515 : vector<256xf32> to vector<256x1xf32>
    %eq3A_517 = vector.broadcast %broadcast_in_dim3A_516 : vector<256x1xf32> to vector<256x256xf32>
    %eq3A_518 = arith.cmpf oeq, %sub3A_513, %eq3A_517 : vector<256x256xf32>
    %jit3A_519 = arith.constant 8.192000e+03 : f32
    %broadcast_in_dim3A_520 = vector.broadcast %jit3A_519 : f32 to vector<256x256xf32>
    %select_n3A_521 = arith.select %eq3A_518, %convert_element_type3A_471, %broadcast_in_dim3A_520 : vector<256x256xi1>, vector<256x256xf32>
    %reduce_min3A_522 = arith.constant dense<0x7F800000> : vector<256xf32>
    %reduce_min3A_523 = vector.multi_reduction <minimumf>, %select_n3A_521, %reduce_min3A_522 [1] : vector<256x256xf32> to vector<256xf32>
    %broadcast_in_dim3A_524 = vector.shape_cast %reduce_min3A_523 : vector<256xf32> to vector<256x1xf32>
    %add3A_525 = arith.constant 2.560000e+02 : f32
    %add3A_526 = vector.broadcast %add3A_525 : f32 to vector<256x1xf32>
    %add3A_527 = arith.addf %broadcast_in_dim3A_524, %add3A_526 : vector<256x1xf32>
    %lt3A_528 = arith.cmpf olt, %broadcast_in_dim3A_516, %select_n3A_500 : vector<256x1xf32>
    %select_n3A_529 = arith.select %lt3A_528, %add3A_527, %select_n3A_499 : vector<256x1xi1>, vector<256x1xf32>
    %select_n3A_530 = arith.select %lt3A_528, %broadcast_in_dim3A_516, %select_n3A_500 : vector<256x1xi1>, vector<256x1xf32>
    %get3A_531 = arith.constant 512 : index
    %get3A_532 = arith.constant 0 : index
    %get3A_533 = vector.load %arg23[%get3A_531, %get3A_532] : memref<8192x256xbf16, #tpu.memory_space<vmem>>, vector<256x256xbf16>
    %dot_general3A_534 = arith.constant dense<0.000000e+00> : vector<256x256xf32>
    %dot_general3A_535 = tpu.matmul %convert_element_type3A_466, %get3A_533, %dot_general3A_534 {dimension_numbers = #tpu.dot_dimension_numbers<[1], [1], [0], [0], [0, 0, 1, 0], [], []>, transpose_lhs_hint = false} : vector<256x256xbf16>, vector<256x256xbf16>, vector<256x256xf32> -> vector<256x256xf32>
    %mul3A_536 = arith.mulf %get3A_533, %get3A_533 : vector<256x256xbf16>
    %dot_general3A_537 = arith.constant dense<0.000000e+00> : vector<1x256xf32>
    %dot_general3A_538 = tpu.matmul %convert_element_type3A_474, %mul3A_536, %dot_general3A_537 {dimension_numbers = #tpu.dot_dimension_numbers<[1], [1], [0], [0], [0, 0, 1, 0], [], []>, transpose_lhs_hint = false} : vector<1x256xbf16>, vector<256x256xbf16>, vector<1x256xf32> -> vector<1x256xf32>
    %mul3A_539 = arith.constant 2.000000e+00 : f32
    %mul3A_540 = vector.broadcast %mul3A_539 : f32 to vector<256x256xf32>
    %mul3A_541 = arith.mulf %mul3A_540, %dot_general3A_535 : vector<256x256xf32>
    %sub3A_542 = vector.broadcast %dot_general3A_538 : vector<1x256xf32> to vector<256x256xf32>
    %sub3A_543 = arith.subf %sub3A_542, %mul3A_541 : vector<256x256xf32>
    %reduce_min3A_544 = arith.constant dense<0x7F800000> : vector<256xf32>
    %reduce_min3A_545 = vector.multi_reduction <minimumf>, %sub3A_543, %reduce_min3A_544 [1] : vector<256x256xf32> to vector<256xf32>
    %broadcast_in_dim3A_546 = vector.shape_cast %reduce_min3A_545 : vector<256xf32> to vector<256x1xf32>
    %eq3A_547 = vector.broadcast %broadcast_in_dim3A_546 : vector<256x1xf32> to vector<256x256xf32>
    %eq3A_548 = arith.cmpf oeq, %sub3A_543, %eq3A_547 : vector<256x256xf32>
    %jit3A_549 = arith.constant 8.192000e+03 : f32
    %broadcast_in_dim3A_550 = vector.broadcast %jit3A_549 : f32 to vector<256x256xf32>
    %select_n3A_551 = arith.select %eq3A_548, %convert_element_type3A_471, %broadcast_in_dim3A_550 : vector<256x256xi1>, vector<256x256xf32>
    %reduce_min3A_552 = arith.constant dense<0x7F800000> : vector<256xf32>
    %reduce_min3A_553 = vector.multi_reduction <minimumf>, %select_n3A_551, %reduce_min3A_552 [1] : vector<256x256xf32> to vector<256xf32>
    %broadcast_in_dim3A_554 = vector.shape_cast %reduce_min3A_553 : vector<256xf32> to vector<256x1xf32>
    %add3A_555 = arith.constant 5.120000e+02 : f32
    %add3A_556 = vector.broadcast %add3A_555 : f32 to vector<256x1xf32>
    %add3A_557 = arith.addf %broadcast_in_dim3A_554, %add3A_556 : vector<256x1xf32>
    %lt3A_558 = arith.cmpf olt, %broadcast_in_dim3A_546, %select_n3A_530 : vector<256x1xf32>
    %select_n3A_559 = arith.select %lt3A_558, %add3A_557, %select_n3A_529 : vector<256x1xi1>, vector<256x1xf32>
    %select_n3A_560 = arith.select %lt3A_558, %broadcast_in_dim3A_546, %select_n3A_530 : vector<256x1xi1>, vector<256x1xf32>
    %get3A_561 = arith.constant 768 : index
    %get3A_562 = arith.constant 0 : index
    %get3A_563 = vector.load %arg23[%get3A_561, %get3A_562] : memref<8192x256xbf16, #tpu.memory_space<vmem>>, vector<256x256xbf16>
    %dot_general3A_564 = arith.constant dense<0.000000e+00> : vector<256x256xf32>
    %dot_general3A_565 = tpu.matmul %convert_element_type3A_466, %get3A_563, %dot_general3A_564 {dimension_numbers = #tpu.dot_dimension_numbers<[1], [1], [0], [0], [0, 0, 1, 0], [], []>, transpose_lhs_hint = false} : vector<256x256xbf16>, vector<256x256xbf16>, vector<256x256xf32> -> vector<256x256xf32>
    %mul3A_566 = arith.mulf %get3A_563, %get3A_563 : vector<256x256xbf16>
    %dot_general3A_567 = arith.constant dense<0.000000e+00> : vector<1x256xf32>
    %dot_general3A_568 = tpu.matmul %convert_element_type3A_474, %mul3A_566, %dot_general3A_567 {dimension_numbers = #tpu.dot_dimension_numbers<[1], [1], [0], [0], [0, 0, 1, 0], [], []>, transpose_lhs_hint = false} : vector<1x256xbf16>, vector<256x256xbf16>, vector<1x256xf32> -> vector<1x256xf32>
    %mul3A_569 = arith.constant 2.000000e+00 : f32
    %mul3A_570 = vector.broadcast %mul3A_569 : f32 to vector<256x256xf32>
    %mul3A_571 = arith.mulf %mul3A_570, %dot_general3A_565 : vector<256x256xf32>
    %sub3A_572 = vector.broadcast %dot_general3A_568 : vector<1x256xf32> to vector<256x256xf32>
    %sub3A_573 = arith.subf %sub3A_572, %mul3A_571 : vector<256x256xf32>
    %reduce_min3A_574 = arith.constant dense<0x7F800000> : vector<256xf32>
    %reduce_min3A_575 = vector.multi_reduction <minimumf>, %sub3A_573, %reduce_min3A_574 [1] : vector<256x256xf32> to vector<256xf32>
    %broadcast_in_dim3A_576 = vector.shape_cast %reduce_min3A_575 : vector<256xf32> to vector<256x1xf32>
    %eq3A_577 = vector.broadcast %broadcast_in_dim3A_576 : vector<256x1xf32> to vector<256x256xf32>
    %eq3A_578 = arith.cmpf oeq, %sub3A_573, %eq3A_577 : vector<256x256xf32>
    %jit3A_579 = arith.constant 8.192000e+03 : f32
    %broadcast_in_dim3A_580 = vector.broadcast %jit3A_579 : f32 to vector<256x256xf32>
    %select_n3A_581 = arith.select %eq3A_578, %convert_element_type3A_471, %broadcast_in_dim3A_580 : vector<256x256xi1>, vector<256x256xf32>
    %reduce_min3A_582 = arith.constant dense<0x7F800000> : vector<256xf32>
    %reduce_min3A_583 = vector.multi_reduction <minimumf>, %select_n3A_581, %reduce_min3A_582 [1] : vector<256x256xf32> to vector<256xf32>
    %broadcast_in_dim3A_584 = vector.shape_cast %reduce_min3A_583 : vector<256xf32> to vector<256x1xf32>
    %add3A_585 = arith.constant 7.680000e+02 : f32
    %add3A_586 = vector.broadcast %add3A_585 : f32 to vector<256x1xf32>
    %add3A_587 = arith.addf %broadcast_in_dim3A_584, %add3A_586 : vector<256x1xf32>
    %lt3A_588 = arith.cmpf olt, %broadcast_in_dim3A_576, %select_n3A_560 : vector<256x1xf32>
    %select_n3A_589 = arith.select %lt3A_588, %add3A_587, %select_n3A_559 : vector<256x1xi1>, vector<256x1xf32>
    %select_n3A_590 = arith.select %lt3A_588, %broadcast_in_dim3A_576, %select_n3A_560 : vector<256x1xi1>, vector<256x1xf32>
    %get3A_591 = arith.constant 1024 : index
    %get3A_592 = arith.constant 0 : index
    %get3A_593 = vector.load %arg23[%get3A_591, %get3A_592] : memref<8192x256xbf16, #tpu.memory_space<vmem>>, vector<256x256xbf16>
    %dot_general3A_594 = arith.constant dense<0.000000e+00> : vector<256x256xf32>
    %dot_general3A_595 = tpu.matmul %convert_element_type3A_466, %get3A_593, %dot_general3A_594 {dimension_numbers = #tpu.dot_dimension_numbers<[1], [1], [0], [0], [0, 0, 1, 0], [], []>, transpose_lhs_hint = false} : vector<256x256xbf16>, vector<256x256xbf16>, vector<256x256xf32> -> vector<256x256xf32>
    %mul3A_596 = arith.mulf %get3A_593, %get3A_593 : vector<256x256xbf16>
    %dot_general3A_597 = arith.constant dense<0.000000e+00> : vector<1x256xf32>
    %dot_general3A_598 = tpu.matmul %convert_element_type3A_474, %mul3A_596, %dot_general3A_597 {dimension_numbers = #tpu.dot_dimension_numbers<[1], [1], [0], [0], [0, 0, 1, 0], [], []>, transpose_lhs_hint = false} : vector<1x256xbf16>, vector<256x256xbf16>, vector<1x256xf32> -> vector<1x256xf32>
    %mul3A_599 = arith.constant 2.000000e+00 : f32
    %mul3A_600 = vector.broadcast %mul3A_599 : f32 to vector<256x256xf32>
    %mul3A_601 = arith.mulf %mul3A_600, %dot_general3A_595 : vector<256x256xf32>
    %sub3A_602 = vector.broadcast %dot_general3A_598 : vector<1x256xf32> to vector<256x256xf32>
    %sub3A_603 = arith.subf %sub3A_602, %mul3A_601 : vector<256x256xf32>
    %reduce_min3A_604 = arith.constant dense<0x7F800000> : vector<256xf32>
    %reduce_min3A_605 = vector.multi_reduction <minimumf>, %sub3A_603, %reduce_min3A_604 [1] : vector<256x256xf32> to vector<256xf32>
    %broadcast_in_dim3A_606 = vector.shape_cast %reduce_min3A_605 : vector<256xf32> to vector<256x1xf32>
    %eq3A_607 = vector.broadcast %broadcast_in_dim3A_606 : vector<256x1xf32> to vector<256x256xf32>
    %eq3A_608 = arith.cmpf oeq, %sub3A_603, %eq3A_607 : vector<256x256xf32>
    %jit3A_609 = arith.constant 8.192000e+03 : f32
    %broadcast_in_dim3A_610 = vector.broadcast %jit3A_609 : f32 to vector<256x256xf32>
    %select_n3A_611 = arith.select %eq3A_608, %convert_element_type3A_471, %broadcast_in_dim3A_610 : vector<256x256xi1>, vector<256x256xf32>
    %reduce_min3A_612 = arith.constant dense<0x7F800000> : vector<256xf32>
    %reduce_min3A_613 = vector.multi_reduction <minimumf>, %select_n3A_611, %reduce_min3A_612 [1] : vector<256x256xf32> to vector<256xf32>
    %broadcast_in_dim3A_614 = vector.shape_cast %reduce_min3A_613 : vector<256xf32> to vector<256x1xf32>
    %add3A_615 = arith.constant 1.024000e+03 : f32
    %add3A_616 = vector.broadcast %add3A_615 : f32 to vector<256x1xf32>
    %add3A_617 = arith.addf %broadcast_in_dim3A_614, %add3A_616 : vector<256x1xf32>
    %lt3A_618 = arith.cmpf olt, %broadcast_in_dim3A_606, %select_n3A_590 : vector<256x1xf32>
    %select_n3A_619 = arith.select %lt3A_618, %add3A_617, %select_n3A_589 : vector<256x1xi1>, vector<256x1xf32>
    %select_n3A_620 = arith.select %lt3A_618, %broadcast_in_dim3A_606, %select_n3A_590 : vector<256x1xi1>, vector<256x1xf32>
    %get3A_621 = arith.constant 1280 : index
    %get3A_622 = arith.constant 0 : index
    %get3A_623 = vector.load %arg23[%get3A_621, %get3A_622] : memref<8192x256xbf16, #tpu.memory_space<vmem>>, vector<256x256xbf16>
    %dot_general3A_624 = arith.constant dense<0.000000e+00> : vector<256x256xf32>
    %dot_general3A_625 = tpu.matmul %convert_element_type3A_466, %get3A_623, %dot_general3A_624 {dimension_numbers = #tpu.dot_dimension_numbers<[1], [1], [0], [0], [0, 0, 1, 0], [], []>, transpose_lhs_hint = false} : vector<256x256xbf16>, vector<256x256xbf16>, vector<256x256xf32> -> vector<256x256xf32>
    %mul3A_626 = arith.mulf %get3A_623, %get3A_623 : vector<256x256xbf16>
    %dot_general3A_627 = arith.constant dense<0.000000e+00> : vector<1x256xf32>
    %dot_general3A_628 = tpu.matmul %convert_element_type3A_474, %mul3A_626, %dot_general3A_627 {dimension_numbers = #tpu.dot_dimension_numbers<[1], [1], [0], [0], [0, 0, 1, 0], [], []>, transpose_lhs_hint = false} : vector<1x256xbf16>, vector<256x256xbf16>, vector<1x256xf32> -> vector<1x256xf32>
    %mul3A_629 = arith.constant 2.000000e+00 : f32
    %mul3A_630 = vector.broadcast %mul3A_629 : f32 to vector<256x256xf32>
    %mul3A_631 = arith.mulf %mul3A_630, %dot_general3A_625 : vector<256x256xf32>
    %sub3A_632 = vector.broadcast %dot_general3A_628 : vector<1x256xf32> to vector<256x256xf32>
    %sub3A_633 = arith.subf %sub3A_632, %mul3A_631 : vector<256x256xf32>
    %reduce_min3A_634 = arith.constant dense<0x7F800000> : vector<256xf32>
    %reduce_min3A_635 = vector.multi_reduction <minimumf>, %sub3A_633, %reduce_min3A_634 [1] : vector<256x256xf32> to vector<256xf32>
    %broadcast_in_dim3A_636 = vector.shape_cast %reduce_min3A_635 : vector<256xf32> to vector<256x1xf32>
    %eq3A_637 = vector.broadcast %broadcast_in_dim3A_636 : vector<256x1xf32> to vector<256x256xf32>
    %eq3A_638 = arith.cmpf oeq, %sub3A_633, %eq3A_637 : vector<256x256xf32>
    %jit3A_639 = arith.constant 8.192000e+03 : f32
    %broadcast_in_dim3A_640 = vector.broadcast %jit3A_639 : f32 to vector<256x256xf32>
    %select_n3A_641 = arith.select %eq3A_638, %convert_element_type3A_471, %broadcast_in_dim3A_640 : vector<256x256xi1>, vector<256x256xf32>
    %reduce_min3A_642 = arith.constant dense<0x7F800000> : vector<256xf32>
    %reduce_min3A_643 = vector.multi_reduction <minimumf>, %select_n3A_641, %reduce_min3A_642 [1] : vector<256x256xf32> to vector<256xf32>
    %broadcast_in_dim3A_644 = vector.shape_cast %reduce_min3A_643 : vector<256xf32> to vector<256x1xf32>
    %add3A_645 = arith.constant 1.280000e+03 : f32
    %add3A_646 = vector.broadcast %add3A_645 : f32 to vector<256x1xf32>
    %add3A_647 = arith.addf %broadcast_in_dim3A_644, %add3A_646 : vector<256x1xf32>
    %lt3A_648 = arith.cmpf olt, %broadcast_in_dim3A_636, %select_n3A_620 : vector<256x1xf32>
    %select_n3A_649 = arith.select %lt3A_648, %add3A_647, %select_n3A_619 : vector<256x1xi1>, vector<256x1xf32>
    %select_n3A_650 = arith.select %lt3A_648, %broadcast_in_dim3A_636, %select_n3A_620 : vector<256x1xi1>, vector<256x1xf32>
    %get3A_651 = arith.constant 1536 : index
    %get3A_652 = arith.constant 0 : index
    %get3A_653 = vector.load %arg23[%get3A_651, %get3A_652] : memref<8192x256xbf16, #tpu.memory_space<vmem>>, vector<256x256xbf16>
    %dot_general3A_654 = arith.constant dense<0.000000e+00> : vector<256x256xf32>
    %dot_general3A_655 = tpu.matmul %convert_element_type3A_466, %get3A_653, %dot_general3A_654 {dimension_numbers = #tpu.dot_dimension_numbers<[1], [1], [0], [0], [0, 0, 1, 0], [], []>, transpose_lhs_hint = false} : vector<256x256xbf16>, vector<256x256xbf16>, vector<256x256xf32> -> vector<256x256xf32>
    %mul3A_656 = arith.mulf %get3A_653, %get3A_653 : vector<256x256xbf16>
    %dot_general3A_657 = arith.constant dense<0.000000e+00> : vector<1x256xf32>
    %dot_general3A_658 = tpu.matmul %convert_element_type3A_474, %mul3A_656, %dot_general3A_657 {dimension_numbers = #tpu.dot_dimension_numbers<[1], [1], [0], [0], [0, 0, 1, 0], [], []>, transpose_lhs_hint = false} : vector<1x256xbf16>, vector<256x256xbf16>, vector<1x256xf32> -> vector<1x256xf32>
    %mul3A_659 = arith.constant 2.000000e+00 : f32
    %mul3A_660 = vector.broadcast %mul3A_659 : f32 to vector<256x256xf32>
    %mul3A_661 = arith.mulf %mul3A_660, %dot_general3A_655 : vector<256x256xf32>
    %sub3A_662 = vector.broadcast %dot_general3A_658 : vector<1x256xf32> to vector<256x256xf32>
    %sub3A_663 = arith.subf %sub3A_662, %mul3A_661 : vector<256x256xf32>
    %reduce_min3A_664 = arith.constant dense<0x7F800000> : vector<256xf32>
    %reduce_min3A_665 = vector.multi_reduction <minimumf>, %sub3A_663, %reduce_min3A_664 [1] : vector<256x256xf32> to vector<256xf32>
    %broadcast_in_dim3A_666 = vector.shape_cast %reduce_min3A_665 : vector<256xf32> to vector<256x1xf32>
    %eq3A_667 = vector.broadcast %broadcast_in_dim3A_666 : vector<256x1xf32> to vector<256x256xf32>
    %eq3A_668 = arith.cmpf oeq, %sub3A_663, %eq3A_667 : vector<256x256xf32>
    %jit3A_669 = arith.constant 8.192000e+03 : f32
    %broadcast_in_dim3A_670 = vector.broadcast %jit3A_669 : f32 to vector<256x256xf32>
    %select_n3A_671 = arith.select %eq3A_668, %convert_element_type3A_471, %broadcast_in_dim3A_670 : vector<256x256xi1>, vector<256x256xf32>
    %reduce_min3A_672 = arith.constant dense<0x7F800000> : vector<256xf32>
    %reduce_min3A_673 = vector.multi_reduction <minimumf>, %select_n3A_671, %reduce_min3A_672 [1] : vector<256x256xf32> to vector<256xf32>
    %broadcast_in_dim3A_674 = vector.shape_cast %reduce_min3A_673 : vector<256xf32> to vector<256x1xf32>
    %add3A_675 = arith.constant 1.536000e+03 : f32
    %add3A_676 = vector.broadcast %add3A_675 : f32 to vector<256x1xf32>
    %add3A_677 = arith.addf %broadcast_in_dim3A_674, %add3A_676 : vector<256x1xf32>
    %lt3A_678 = arith.cmpf olt, %broadcast_in_dim3A_666, %select_n3A_650 : vector<256x1xf32>
    %select_n3A_679 = arith.select %lt3A_678, %add3A_677, %select_n3A_649 : vector<256x1xi1>, vector<256x1xf32>
    %select_n3A_680 = arith.select %lt3A_678, %broadcast_in_dim3A_666, %select_n3A_650 : vector<256x1xi1>, vector<256x1xf32>
    %get3A_681 = arith.constant 1792 : index
    %get3A_682 = arith.constant 0 : index
    %get3A_683 = vector.load %arg23[%get3A_681, %get3A_682] : memref<8192x256xbf16, #tpu.memory_space<vmem>>, vector<256x256xbf16>
    %dot_general3A_684 = arith.constant dense<0.000000e+00> : vector<256x256xf32>
    %dot_general3A_685 = tpu.matmul %convert_element_type3A_466, %get3A_683, %dot_general3A_684 {dimension_numbers = #tpu.dot_dimension_numbers<[1], [1], [0], [0], [0, 0, 1, 0], [], []>, transpose_lhs_hint = false} : vector<256x256xbf16>, vector<256x256xbf16>, vector<256x256xf32> -> vector<256x256xf32>
    %mul3A_686 = arith.mulf %get3A_683, %get3A_683 : vector<256x256xbf16>
    %dot_general3A_687 = arith.constant dense<0.000000e+00> : vector<1x256xf32>
    %dot_general3A_688 = tpu.matmul %convert_element_type3A_474, %mul3A_686, %dot_general3A_687 {dimension_numbers = #tpu.dot_dimension_numbers<[1], [1], [0], [0], [0, 0, 1, 0], [], []>, transpose_lhs_hint = false} : vector<1x256xbf16>, vector<256x256xbf16>, vector<1x256xf32> -> vector<1x256xf32>
    %mul3A_689 = arith.constant 2.000000e+00 : f32
    %mul3A_690 = vector.broadcast %mul3A_689 : f32 to vector<256x256xf32>
    %mul3A_691 = arith.mulf %mul3A_690, %dot_general3A_685 : vector<256x256xf32>
    %sub3A_692 = vector.broadcast %dot_general3A_688 : vector<1x256xf32> to vector<256x256xf32>
    %sub3A_693 = arith.subf %sub3A_692, %mul3A_691 : vector<256x256xf32>
    %reduce_min3A_694 = arith.constant dense<0x7F800000> : vector<256xf32>
    %reduce_min3A_695 = vector.multi_reduction <minimumf>, %sub3A_693, %reduce_min3A_694 [1] : vector<256x256xf32> to vector<256xf32>
    %broadcast_in_dim3A_696 = vector.shape_cast %reduce_min3A_695 : vector<256xf32> to vector<256x1xf32>
    %eq3A_697 = vector.broadcast %broadcast_in_dim3A_696 : vector<256x1xf32> to vector<256x256xf32>
    %eq3A_698 = arith.cmpf oeq, %sub3A_693, %eq3A_697 : vector<256x256xf32>
    %jit3A_699 = arith.constant 8.192000e+03 : f32
    %broadcast_in_dim3A_700 = vector.broadcast %jit3A_699 : f32 to vector<256x256xf32>
    %select_n3A_701 = arith.select %eq3A_698, %convert_element_type3A_471, %broadcast_in_dim3A_700 : vector<256x256xi1>, vector<256x256xf32>
    %reduce_min3A_702 = arith.constant dense<0x7F800000> : vector<256xf32>
    %reduce_min3A_703 = vector.multi_reduction <minimumf>, %select_n3A_701, %reduce_min3A_702 [1] : vector<256x256xf32> to vector<256xf32>
    %broadcast_in_dim3A_704 = vector.shape_cast %reduce_min3A_703 : vector<256xf32> to vector<256x1xf32>
    %add3A_705 = arith.constant 1.792000e+03 : f32
    %add3A_706 = vector.broadcast %add3A_705 : f32 to vector<256x1xf32>
    %add3A_707 = arith.addf %broadcast_in_dim3A_704, %add3A_706 : vector<256x1xf32>
    %lt3A_708 = arith.cmpf olt, %broadcast_in_dim3A_696, %select_n3A_680 : vector<256x1xf32>
    %select_n3A_709 = arith.select %lt3A_708, %add3A_707, %select_n3A_679 : vector<256x1xi1>, vector<256x1xf32>
    %select_n3A_710 = arith.select %lt3A_708, %broadcast_in_dim3A_696, %select_n3A_680 : vector<256x1xi1>, vector<256x1xf32>
    %get3A_711 = arith.constant 2048 : index
    %get3A_712 = arith.constant 0 : index
    %get3A_713 = vector.load %arg23[%get3A_711, %get3A_712] : memref<8192x256xbf16, #tpu.memory_space<vmem>>, vector<256x256xbf16>
    %dot_general3A_714 = arith.constant dense<0.000000e+00> : vector<256x256xf32>
    %dot_general3A_715 = tpu.matmul %convert_element_type3A_466, %get3A_713, %dot_general3A_714 {dimension_numbers = #tpu.dot_dimension_numbers<[1], [1], [0], [0], [0, 0, 1, 0], [], []>, transpose_lhs_hint = false} : vector<256x256xbf16>, vector<256x256xbf16>, vector<256x256xf32> -> vector<256x256xf32>
    %mul3A_716 = arith.mulf %get3A_713, %get3A_713 : vector<256x256xbf16>
    %dot_general3A_717 = arith.constant dense<0.000000e+00> : vector<1x256xf32>
    %dot_general3A_718 = tpu.matmul %convert_element_type3A_474, %mul3A_716, %dot_general3A_717 {dimension_numbers = #tpu.dot_dimension_numbers<[1], [1], [0], [0], [0, 0, 1, 0], [], []>, transpose_lhs_hint = false} : vector<1x256xbf16>, vector<256x256xbf16>, vector<1x256xf32> -> vector<1x256xf32>
    %mul3A_719 = arith.constant 2.000000e+00 : f32
    %mul3A_720 = vector.broadcast %mul3A_719 : f32 to vector<256x256xf32>
    %mul3A_721 = arith.mulf %mul3A_720, %dot_general3A_715 : vector<256x256xf32>
    %sub3A_722 = vector.broadcast %dot_general3A_718 : vector<1x256xf32> to vector<256x256xf32>
    %sub3A_723 = arith.subf %sub3A_722, %mul3A_721 : vector<256x256xf32>
    %reduce_min3A_724 = arith.constant dense<0x7F800000> : vector<256xf32>
    %reduce_min3A_725 = vector.multi_reduction <minimumf>, %sub3A_723, %reduce_min3A_724 [1] : vector<256x256xf32> to vector<256xf32>
    %broadcast_in_dim3A_726 = vector.shape_cast %reduce_min3A_725 : vector<256xf32> to vector<256x1xf32>
    %eq3A_727 = vector.broadcast %broadcast_in_dim3A_726 : vector<256x1xf32> to vector<256x256xf32>
    %eq3A_728 = arith.cmpf oeq, %sub3A_723, %eq3A_727 : vector<256x256xf32>
    %jit3A_729 = arith.constant 8.192000e+03 : f32
    %broadcast_in_dim3A_730 = vector.broadcast %jit3A_729 : f32 to vector<256x256xf32>
    %select_n3A_731 = arith.select %eq3A_728, %convert_element_type3A_471, %broadcast_in_dim3A_730 : vector<256x256xi1>, vector<256x256xf32>
    %reduce_min3A_732 = arith.constant dense<0x7F800000> : vector<256xf32>
    %reduce_min3A_733 = vector.multi_reduction <minimumf>, %select_n3A_731, %reduce_min3A_732 [1] : vector<256x256xf32> to vector<256xf32>
    %broadcast_in_dim3A_734 = vector.shape_cast %reduce_min3A_733 : vector<256xf32> to vector<256x1xf32>
    %add3A_735 = arith.constant 2.048000e+03 : f32
    %add3A_736 = vector.broadcast %add3A_735 : f32 to vector<256x1xf32>
    %add3A_737 = arith.addf %broadcast_in_dim3A_734, %add3A_736 : vector<256x1xf32>
    %lt3A_738 = arith.cmpf olt, %broadcast_in_dim3A_726, %select_n3A_710 : vector<256x1xf32>
    %select_n3A_739 = arith.select %lt3A_738, %add3A_737, %select_n3A_709 : vector<256x1xi1>, vector<256x1xf32>
    %select_n3A_740 = arith.select %lt3A_738, %broadcast_in_dim3A_726, %select_n3A_710 : vector<256x1xi1>, vector<256x1xf32>
    %get3A_741 = arith.constant 2304 : index
    %get3A_742 = arith.constant 0 : index
    %get3A_743 = vector.load %arg23[%get3A_741, %get3A_742] : memref<8192x256xbf16, #tpu.memory_space<vmem>>, vector<256x256xbf16>
    %dot_general3A_744 = arith.constant dense<0.000000e+00> : vector<256x256xf32>
    %dot_general3A_745 = tpu.matmul %convert_element_type3A_466, %get3A_743, %dot_general3A_744 {dimension_numbers = #tpu.dot_dimension_numbers<[1], [1], [0], [0], [0, 0, 1, 0], [], []>, transpose_lhs_hint = false} : vector<256x256xbf16>, vector<256x256xbf16>, vector<256x256xf32> -> vector<256x256xf32>
    %mul3A_746 = arith.mulf %get3A_743, %get3A_743 : vector<256x256xbf16>
    %dot_general3A_747 = arith.constant dense<0.000000e+00> : vector<1x256xf32>
    %dot_general3A_748 = tpu.matmul %convert_element_type3A_474, %mul3A_746, %dot_general3A_747 {dimension_numbers = #tpu.dot_dimension_numbers<[1], [1], [0], [0], [0, 0, 1, 0], [], []>, transpose_lhs_hint = false} : vector<1x256xbf16>, vector<256x256xbf16>, vector<1x256xf32> -> vector<1x256xf32>
    %mul3A_749 = arith.constant 2.000000e+00 : f32
    %mul3A_750 = vector.broadcast %mul3A_749 : f32 to vector<256x256xf32>
    %mul3A_751 = arith.mulf %mul3A_750, %dot_general3A_745 : vector<256x256xf32>
    %sub3A_752 = vector.broadcast %dot_general3A_748 : vector<1x256xf32> to vector<256x256xf32>
    %sub3A_753 = arith.subf %sub3A_752, %mul3A_751 : vector<256x256xf32>
    %reduce_min3A_754 = arith.constant dense<0x7F800000> : vector<256xf32>
    %reduce_min3A_755 = vector.multi_reduction <minimumf>, %sub3A_753, %reduce_min3A_754 [1] : vector<256x256xf32> to vector<256xf32>
    %broadcast_in_dim3A_756 = vector.shape_cast %reduce_min3A_755 : vector<256xf32> to vector<256x1xf32>
    %eq3A_757 = vector.broadcast %broadcast_in_dim3A_756 : vector<256x1xf32> to vector<256x256xf32>
    %eq3A_758 = arith.cmpf oeq, %sub3A_753, %eq3A_757 : vector<256x256xf32>
    %jit3A_759 = arith.constant 8.192000e+03 : f32
    %broadcast_in_dim3A_760 = vector.broadcast %jit3A_759 : f32 to vector<256x256xf32>
    %select_n3A_761 = arith.select %eq3A_758, %convert_element_type3A_471, %broadcast_in_dim3A_760 : vector<256x256xi1>, vector<256x256xf32>
    %reduce_min3A_762 = arith.constant dense<0x7F800000> : vector<256xf32>
    %reduce_min3A_763 = vector.multi_reduction <minimumf>, %select_n3A_761, %reduce_min3A_762 [1] : vector<256x256xf32> to vector<256xf32>
    %broadcast_in_dim3A_764 = vector.shape_cast %reduce_min3A_763 : vector<256xf32> to vector<256x1xf32>
    %add3A_765 = arith.constant 2.304000e+03 : f32
    %add3A_766 = vector.broadcast %add3A_765 : f32 to vector<256x1xf32>
    %add3A_767 = arith.addf %broadcast_in_dim3A_764, %add3A_766 : vector<256x1xf32>
    %lt3A_768 = arith.cmpf olt, %broadcast_in_dim3A_756, %select_n3A_740 : vector<256x1xf32>
    %select_n3A_769 = arith.select %lt3A_768, %add3A_767, %select_n3A_739 : vector<256x1xi1>, vector<256x1xf32>
    %select_n3A_770 = arith.select %lt3A_768, %broadcast_in_dim3A_756, %select_n3A_740 : vector<256x1xi1>, vector<256x1xf32>
    %get3A_771 = arith.constant 2560 : index
    %get3A_772 = arith.constant 0 : index
    %get3A_773 = vector.load %arg23[%get3A_771, %get3A_772] : memref<8192x256xbf16, #tpu.memory_space<vmem>>, vector<256x256xbf16>
    %dot_general3A_774 = arith.constant dense<0.000000e+00> : vector<256x256xf32>
    %dot_general3A_775 = tpu.matmul %convert_element_type3A_466, %get3A_773, %dot_general3A_774 {dimension_numbers = #tpu.dot_dimension_numbers<[1], [1], [0], [0], [0, 0, 1, 0], [], []>, transpose_lhs_hint = false} : vector<256x256xbf16>, vector<256x256xbf16>, vector<256x256xf32> -> vector<256x256xf32>
    %mul3A_776 = arith.mulf %get3A_773, %get3A_773 : vector<256x256xbf16>
    %dot_general3A_777 = arith.constant dense<0.000000e+00> : vector<1x256xf32>
    %dot_general3A_778 = tpu.matmul %convert_element_type3A_474, %mul3A_776, %dot_general3A_777 {dimension_numbers = #tpu.dot_dimension_numbers<[1], [1], [0], [0], [0, 0, 1, 0], [], []>, transpose_lhs_hint = false} : vector<1x256xbf16>, vector<256x256xbf16>, vector<1x256xf32> -> vector<1x256xf32>
    %mul3A_779 = arith.constant 2.000000e+00 : f32
    %mul3A_780 = vector.broadcast %mul3A_779 : f32 to vector<256x256xf32>
    %mul3A_781 = arith.mulf %mul3A_780, %dot_general3A_775 : vector<256x256xf32>
    %sub3A_782 = vector.broadcast %dot_general3A_778 : vector<1x256xf32> to vector<256x256xf32>
    %sub3A_783 = arith.subf %sub3A_782, %mul3A_781 : vector<256x256xf32>
    %reduce_min3A_784 = arith.constant dense<0x7F800000> : vector<256xf32>
    %reduce_min3A_785 = vector.multi_reduction <minimumf>, %sub3A_783, %reduce_min3A_784 [1] : vector<256x256xf32> to vector<256xf32>
    %broadcast_in_dim3A_786 = vector.shape_cast %reduce_min3A_785 : vector<256xf32> to vector<256x1xf32>
    %eq3A_787 = vector.broadcast %broadcast_in_dim3A_786 : vector<256x1xf32> to vector<256x256xf32>
    %eq3A_788 = arith.cmpf oeq, %sub3A_783, %eq3A_787 : vector<256x256xf32>
    %jit3A_789 = arith.constant 8.192000e+03 : f32
    %broadcast_in_dim3A_790 = vector.broadcast %jit3A_789 : f32 to vector<256x256xf32>
    %select_n3A_791 = arith.select %eq3A_788, %convert_element_type3A_471, %broadcast_in_dim3A_790 : vector<256x256xi1>, vector<256x256xf32>
    %reduce_min3A_792 = arith.constant dense<0x7F800000> : vector<256xf32>
    %reduce_min3A_793 = vector.multi_reduction <minimumf>, %select_n3A_791, %reduce_min3A_792 [1] : vector<256x256xf32> to vector<256xf32>
    %broadcast_in_dim3A_794 = vector.shape_cast %reduce_min3A_793 : vector<256xf32> to vector<256x1xf32>
    %add3A_795 = arith.constant 2.560000e+03 : f32
    %add3A_796 = vector.broadcast %add3A_795 : f32 to vector<256x1xf32>
    %add3A_797 = arith.addf %broadcast_in_dim3A_794, %add3A_796 : vector<256x1xf32>
    %lt3A_798 = arith.cmpf olt, %broadcast_in_dim3A_786, %select_n3A_770 : vector<256x1xf32>
    %select_n3A_799 = arith.select %lt3A_798, %add3A_797, %select_n3A_769 : vector<256x1xi1>, vector<256x1xf32>
    %select_n3A_800 = arith.select %lt3A_798, %broadcast_in_dim3A_786, %select_n3A_770 : vector<256x1xi1>, vector<256x1xf32>
    %get3A_801 = arith.constant 2816 : index
    %get3A_802 = arith.constant 0 : index
    %get3A_803 = vector.load %arg23[%get3A_801, %get3A_802] : memref<8192x256xbf16, #tpu.memory_space<vmem>>, vector<256x256xbf16>
    %dot_general3A_804 = arith.constant dense<0.000000e+00> : vector<256x256xf32>
    %dot_general3A_805 = tpu.matmul %convert_element_type3A_466, %get3A_803, %dot_general3A_804 {dimension_numbers = #tpu.dot_dimension_numbers<[1], [1], [0], [0], [0, 0, 1, 0], [], []>, transpose_lhs_hint = false} : vector<256x256xbf16>, vector<256x256xbf16>, vector<256x256xf32> -> vector<256x256xf32>
    %mul3A_806 = arith.mulf %get3A_803, %get3A_803 : vector<256x256xbf16>
    %dot_general3A_807 = arith.constant dense<0.000000e+00> : vector<1x256xf32>
    %dot_general3A_808 = tpu.matmul %convert_element_type3A_474, %mul3A_806, %dot_general3A_807 {dimension_numbers = #tpu.dot_dimension_numbers<[1], [1], [0], [0], [0, 0, 1, 0], [], []>, transpose_lhs_hint = false} : vector<1x256xbf16>, vector<256x256xbf16>, vector<1x256xf32> -> vector<1x256xf32>
    %mul3A_809 = arith.constant 2.000000e+00 : f32
    %mul3A_810 = vector.broadcast %mul3A_809 : f32 to vector<256x256xf32>
    %mul3A_811 = arith.mulf %mul3A_810, %dot_general3A_805 : vector<256x256xf32>
    %sub3A_812 = vector.broadcast %dot_general3A_808 : vector<1x256xf32> to vector<256x256xf32>
    %sub3A_813 = arith.subf %sub3A_812, %mul3A_811 : vector<256x256xf32>
    %reduce_min3A_814 = arith.constant dense<0x7F800000> : vector<256xf32>
    %reduce_min3A_815 = vector.multi_reduction <minimumf>, %sub3A_813, %reduce_min3A_814 [1] : vector<256x256xf32> to vector<256xf32>
    %broadcast_in_dim3A_816 = vector.shape_cast %reduce_min3A_815 : vector<256xf32> to vector<256x1xf32>
    %eq3A_817 = vector.broadcast %broadcast_in_dim3A_816 : vector<256x1xf32> to vector<256x256xf32>
    %eq3A_818 = arith.cmpf oeq, %sub3A_813, %eq3A_817 : vector<256x256xf32>
    %jit3A_819 = arith.constant 8.192000e+03 : f32
    %broadcast_in_dim3A_820 = vector.broadcast %jit3A_819 : f32 to vector<256x256xf32>
    %select_n3A_821 = arith.select %eq3A_818, %convert_element_type3A_471, %broadcast_in_dim3A_820 : vector<256x256xi1>, vector<256x256xf32>
    %reduce_min3A_822 = arith.constant dense<0x7F800000> : vector<256xf32>
    %reduce_min3A_823 = vector.multi_reduction <minimumf>, %select_n3A_821, %reduce_min3A_822 [1] : vector<256x256xf32> to vector<256xf32>
    %broadcast_in_dim3A_824 = vector.shape_cast %reduce_min3A_823 : vector<256xf32> to vector<256x1xf32>
    %add3A_825 = arith.constant 2.816000e+03 : f32
    %add3A_826 = vector.broadcast %add3A_825 : f32 to vector<256x1xf32>
    %add3A_827 = arith.addf %broadcast_in_dim3A_824, %add3A_826 : vector<256x1xf32>
    %lt3A_828 = arith.cmpf olt, %broadcast_in_dim3A_816, %select_n3A_800 : vector<256x1xf32>
    %select_n3A_829 = arith.select %lt3A_828, %add3A_827, %select_n3A_799 : vector<256x1xi1>, vector<256x1xf32>
    %select_n3A_830 = arith.select %lt3A_828, %broadcast_in_dim3A_816, %select_n3A_800 : vector<256x1xi1>, vector<256x1xf32>
    %get3A_831 = arith.constant 3072 : index
    %get3A_832 = arith.constant 0 : index
    %get3A_833 = vector.load %arg23[%get3A_831, %get3A_832] : memref<8192x256xbf16, #tpu.memory_space<vmem>>, vector<256x256xbf16>
    %dot_general3A_834 = arith.constant dense<0.000000e+00> : vector<256x256xf32>
    %dot_general3A_835 = tpu.matmul %convert_element_type3A_466, %get3A_833, %dot_general3A_834 {dimension_numbers = #tpu.dot_dimension_numbers<[1], [1], [0], [0], [0, 0, 1, 0], [], []>, transpose_lhs_hint = false} : vector<256x256xbf16>, vector<256x256xbf16>, vector<256x256xf32> -> vector<256x256xf32>
    %mul3A_836 = arith.mulf %get3A_833, %get3A_833 : vector<256x256xbf16>
    %dot_general3A_837 = arith.constant dense<0.000000e+00> : vector<1x256xf32>
    %dot_general3A_838 = tpu.matmul %convert_element_type3A_474, %mul3A_836, %dot_general3A_837 {dimension_numbers = #tpu.dot_dimension_numbers<[1], [1], [0], [0], [0, 0, 1, 0], [], []>, transpose_lhs_hint = false} : vector<1x256xbf16>, vector<256x256xbf16>, vector<1x256xf32> -> vector<1x256xf32>
    %mul3A_839 = arith.constant 2.000000e+00 : f32
    %mul3A_840 = vector.broadcast %mul3A_839 : f32 to vector<256x256xf32>
    %mul3A_841 = arith.mulf %mul3A_840, %dot_general3A_835 : vector<256x256xf32>
    %sub3A_842 = vector.broadcast %dot_general3A_838 : vector<1x256xf32> to vector<256x256xf32>
    %sub3A_843 = arith.subf %sub3A_842, %mul3A_841 : vector<256x256xf32>
    %reduce_min3A_844 = arith.constant dense<0x7F800000> : vector<256xf32>
    %reduce_min3A_845 = vector.multi_reduction <minimumf>, %sub3A_843, %reduce_min3A_844 [1] : vector<256x256xf32> to vector<256xf32>
    %broadcast_in_dim3A_846 = vector.shape_cast %reduce_min3A_845 : vector<256xf32> to vector<256x1xf32>
    %eq3A_847 = vector.broadcast %broadcast_in_dim3A_846 : vector<256x1xf32> to vector<256x256xf32>
    %eq3A_848 = arith.cmpf oeq, %sub3A_843, %eq3A_847 : vector<256x256xf32>
    %jit3A_849 = arith.constant 8.192000e+03 : f32
    %broadcast_in_dim3A_850 = vector.broadcast %jit3A_849 : f32 to vector<256x256xf32>
    %select_n3A_851 = arith.select %eq3A_848, %convert_element_type3A_471, %broadcast_in_dim3A_850 : vector<256x256xi1>, vector<256x256xf32>
    %reduce_min3A_852 = arith.constant dense<0x7F800000> : vector<256xf32>
    %reduce_min3A_853 = vector.multi_reduction <minimumf>, %select_n3A_851, %reduce_min3A_852 [1] : vector<256x256xf32> to vector<256xf32>
    %broadcast_in_dim3A_854 = vector.shape_cast %reduce_min3A_853 : vector<256xf32> to vector<256x1xf32>
    %add3A_855 = arith.constant 3.072000e+03 : f32
    %add3A_856 = vector.broadcast %add3A_855 : f32 to vector<256x1xf32>
    %add3A_857 = arith.addf %broadcast_in_dim3A_854, %add3A_856 : vector<256x1xf32>
    %lt3A_858 = arith.cmpf olt, %broadcast_in_dim3A_846, %select_n3A_830 : vector<256x1xf32>
    %select_n3A_859 = arith.select %lt3A_858, %add3A_857, %select_n3A_829 : vector<256x1xi1>, vector<256x1xf32>
    %select_n3A_860 = arith.select %lt3A_858, %broadcast_in_dim3A_846, %select_n3A_830 : vector<256x1xi1>, vector<256x1xf32>
    %get3A_861 = arith.constant 3328 : index
    %get3A_862 = arith.constant 0 : index
    %get3A_863 = vector.load %arg23[%get3A_861, %get3A_862] : memref<8192x256xbf16, #tpu.memory_space<vmem>>, vector<256x256xbf16>
    %dot_general3A_864 = arith.constant dense<0.000000e+00> : vector<256x256xf32>
    %dot_general3A_865 = tpu.matmul %convert_element_type3A_466, %get3A_863, %dot_general3A_864 {dimension_numbers = #tpu.dot_dimension_numbers<[1], [1], [0], [0], [0, 0, 1, 0], [], []>, transpose_lhs_hint = false} : vector<256x256xbf16>, vector<256x256xbf16>, vector<256x256xf32> -> vector<256x256xf32>
    %mul3A_866 = arith.mulf %get3A_863, %get3A_863 : vector<256x256xbf16>
    %dot_general3A_867 = arith.constant dense<0.000000e+00> : vector<1x256xf32>
    %dot_general3A_868 = tpu.matmul %convert_element_type3A_474, %mul3A_866, %dot_general3A_867 {dimension_numbers = #tpu.dot_dimension_numbers<[1], [1], [0], [0], [0, 0, 1, 0], [], []>, transpose_lhs_hint = false} : vector<1x256xbf16>, vector<256x256xbf16>, vector<1x256xf32> -> vector<1x256xf32>
    %mul3A_869 = arith.constant 2.000000e+00 : f32
    %mul3A_870 = vector.broadcast %mul3A_869 : f32 to vector<256x256xf32>
    %mul3A_871 = arith.mulf %mul3A_870, %dot_general3A_865 : vector<256x256xf32>
    %sub3A_872 = vector.broadcast %dot_general3A_868 : vector<1x256xf32> to vector<256x256xf32>
    %sub3A_873 = arith.subf %sub3A_872, %mul3A_871 : vector<256x256xf32>
    %reduce_min3A_874 = arith.constant dense<0x7F800000> : vector<256xf32>
    %reduce_min3A_875 = vector.multi_reduction <minimumf>, %sub3A_873, %reduce_min3A_874 [1] : vector<256x256xf32> to vector<256xf32>
    %broadcast_in_dim3A_876 = vector.shape_cast %reduce_min3A_875 : vector<256xf32> to vector<256x1xf32>
    %eq3A_877 = vector.broadcast %broadcast_in_dim3A_876 : vector<256x1xf32> to vector<256x256xf32>
    %eq3A_878 = arith.cmpf oeq, %sub3A_873, %eq3A_877 : vector<256x256xf32>
    %jit3A_879 = arith.constant 8.192000e+03 : f32
    %broadcast_in_dim3A_880 = vector.broadcast %jit3A_879 : f32 to vector<256x256xf32>
    %select_n3A_881 = arith.select %eq3A_878, %convert_element_type3A_471, %broadcast_in_dim3A_880 : vector<256x256xi1>, vector<256x256xf32>
    %reduce_min3A_882 = arith.constant dense<0x7F800000> : vector<256xf32>
    %reduce_min3A_883 = vector.multi_reduction <minimumf>, %select_n3A_881, %reduce_min3A_882 [1] : vector<256x256xf32> to vector<256xf32>
    %broadcast_in_dim3A_884 = vector.shape_cast %reduce_min3A_883 : vector<256xf32> to vector<256x1xf32>
    %add3A_885 = arith.constant 3.328000e+03 : f32
    %add3A_886 = vector.broadcast %add3A_885 : f32 to vector<256x1xf32>
    %add3A_887 = arith.addf %broadcast_in_dim3A_884, %add3A_886 : vector<256x1xf32>
    %lt3A_888 = arith.cmpf olt, %broadcast_in_dim3A_876, %select_n3A_860 : vector<256x1xf32>
    %select_n3A_889 = arith.select %lt3A_888, %add3A_887, %select_n3A_859 : vector<256x1xi1>, vector<256x1xf32>
    %select_n3A_890 = arith.select %lt3A_888, %broadcast_in_dim3A_876, %select_n3A_860 : vector<256x1xi1>, vector<256x1xf32>
    %get3A_891 = arith.constant 3584 : index
    %get3A_892 = arith.constant 0 : index
    %get3A_893 = vector.load %arg23[%get3A_891, %get3A_892] : memref<8192x256xbf16, #tpu.memory_space<vmem>>, vector<256x256xbf16>
    %dot_general3A_894 = arith.constant dense<0.000000e+00> : vector<256x256xf32>
    %dot_general3A_895 = tpu.matmul %convert_element_type3A_466, %get3A_893, %dot_general3A_894 {dimension_numbers = #tpu.dot_dimension_numbers<[1], [1], [0], [0], [0, 0, 1, 0], [], []>, transpose_lhs_hint = false} : vector<256x256xbf16>, vector<256x256xbf16>, vector<256x256xf32> -> vector<256x256xf32>
    %mul3A_896 = arith.mulf %get3A_893, %get3A_893 : vector<256x256xbf16>
    %dot_general3A_897 = arith.constant dense<0.000000e+00> : vector<1x256xf32>
    %dot_general3A_898 = tpu.matmul %convert_element_type3A_474, %mul3A_896, %dot_general3A_897 {dimension_numbers = #tpu.dot_dimension_numbers<[1], [1], [0], [0], [0, 0, 1, 0], [], []>, transpose_lhs_hint = false} : vector<1x256xbf16>, vector<256x256xbf16>, vector<1x256xf32> -> vector<1x256xf32>
    %mul3A_899 = arith.constant 2.000000e+00 : f32
    %mul3A_900 = vector.broadcast %mul3A_899 : f32 to vector<256x256xf32>
    %mul3A_901 = arith.mulf %mul3A_900, %dot_general3A_895 : vector<256x256xf32>
    %sub3A_902 = vector.broadcast %dot_general3A_898 : vector<1x256xf32> to vector<256x256xf32>
    %sub3A_903 = arith.subf %sub3A_902, %mul3A_901 : vector<256x256xf32>
    %reduce_min3A_904 = arith.constant dense<0x7F800000> : vector<256xf32>
    %reduce_min3A_905 = vector.multi_reduction <minimumf>, %sub3A_903, %reduce_min3A_904 [1] : vector<256x256xf32> to vector<256xf32>
    %broadcast_in_dim3A_906 = vector.shape_cast %reduce_min3A_905 : vector<256xf32> to vector<256x1xf32>
    %eq3A_907 = vector.broadcast %broadcast_in_dim3A_906 : vector<256x1xf32> to vector<256x256xf32>
    %eq3A_908 = arith.cmpf oeq, %sub3A_903, %eq3A_907 : vector<256x256xf32>
    %jit3A_909 = arith.constant 8.192000e+03 : f32
    %broadcast_in_dim3A_910 = vector.broadcast %jit3A_909 : f32 to vector<256x256xf32>
    %select_n3A_911 = arith.select %eq3A_908, %convert_element_type3A_471, %broadcast_in_dim3A_910 : vector<256x256xi1>, vector<256x256xf32>
    %reduce_min3A_912 = arith.constant dense<0x7F800000> : vector<256xf32>
    %reduce_min3A_913 = vector.multi_reduction <minimumf>, %select_n3A_911, %reduce_min3A_912 [1] : vector<256x256xf32> to vector<256xf32>
    %broadcast_in_dim3A_914 = vector.shape_cast %reduce_min3A_913 : vector<256xf32> to vector<256x1xf32>
    %add3A_915 = arith.constant 3.584000e+03 : f32
    %add3A_916 = vector.broadcast %add3A_915 : f32 to vector<256x1xf32>
    %add3A_917 = arith.addf %broadcast_in_dim3A_914, %add3A_916 : vector<256x1xf32>
    %lt3A_918 = arith.cmpf olt, %broadcast_in_dim3A_906, %select_n3A_890 : vector<256x1xf32>
    %select_n3A_919 = arith.select %lt3A_918, %add3A_917, %select_n3A_889 : vector<256x1xi1>, vector<256x1xf32>
    %select_n3A_920 = arith.select %lt3A_918, %broadcast_in_dim3A_906, %select_n3A_890 : vector<256x1xi1>, vector<256x1xf32>
    %get3A_921 = arith.constant 3840 : index
    %get3A_922 = arith.constant 0 : index
    %get3A_923 = vector.load %arg23[%get3A_921, %get3A_922] : memref<8192x256xbf16, #tpu.memory_space<vmem>>, vector<256x256xbf16>
    %dot_general3A_924 = arith.constant dense<0.000000e+00> : vector<256x256xf32>
    %dot_general3A_925 = tpu.matmul %convert_element_type3A_466, %get3A_923, %dot_general3A_924 {dimension_numbers = #tpu.dot_dimension_numbers<[1], [1], [0], [0], [0, 0, 1, 0], [], []>, transpose_lhs_hint = false} : vector<256x256xbf16>, vector<256x256xbf16>, vector<256x256xf32> -> vector<256x256xf32>
    %mul3A_926 = arith.mulf %get3A_923, %get3A_923 : vector<256x256xbf16>
    %dot_general3A_927 = arith.constant dense<0.000000e+00> : vector<1x256xf32>
    %dot_general3A_928 = tpu.matmul %convert_element_type3A_474, %mul3A_926, %dot_general3A_927 {dimension_numbers = #tpu.dot_dimension_numbers<[1], [1], [0], [0], [0, 0, 1, 0], [], []>, transpose_lhs_hint = false} : vector<1x256xbf16>, vector<256x256xbf16>, vector<1x256xf32> -> vector<1x256xf32>
    %mul3A_929 = arith.constant 2.000000e+00 : f32
    %mul3A_930 = vector.broadcast %mul3A_929 : f32 to vector<256x256xf32>
    %mul3A_931 = arith.mulf %mul3A_930, %dot_general3A_925 : vector<256x256xf32>
    %sub3A_932 = vector.broadcast %dot_general3A_928 : vector<1x256xf32> to vector<256x256xf32>
    %sub3A_933 = arith.subf %sub3A_932, %mul3A_931 : vector<256x256xf32>
    %reduce_min3A_934 = arith.constant dense<0x7F800000> : vector<256xf32>
    %reduce_min3A_935 = vector.multi_reduction <minimumf>, %sub3A_933, %reduce_min3A_934 [1] : vector<256x256xf32> to vector<256xf32>
    %broadcast_in_dim3A_936 = vector.shape_cast %reduce_min3A_935 : vector<256xf32> to vector<256x1xf32>
    %eq3A_937 = vector.broadcast %broadcast_in_dim3A_936 : vector<256x1xf32> to vector<256x256xf32>
    %eq3A_938 = arith.cmpf oeq, %sub3A_933, %eq3A_937 : vector<256x256xf32>
    %jit3A_939 = arith.constant 8.192000e+03 : f32
    %broadcast_in_dim3A_940 = vector.broadcast %jit3A_939 : f32 to vector<256x256xf32>
    %select_n3A_941 = arith.select %eq3A_938, %convert_element_type3A_471, %broadcast_in_dim3A_940 : vector<256x256xi1>, vector<256x256xf32>
    %reduce_min3A_942 = arith.constant dense<0x7F800000> : vector<256xf32>
    %reduce_min3A_943 = vector.multi_reduction <minimumf>, %select_n3A_941, %reduce_min3A_942 [1] : vector<256x256xf32> to vector<256xf32>
    %broadcast_in_dim3A_944 = vector.shape_cast %reduce_min3A_943 : vector<256xf32> to vector<256x1xf32>
    %add3A_945 = arith.constant 3.840000e+03 : f32
    %add3A_946 = vector.broadcast %add3A_945 : f32 to vector<256x1xf32>
    %add3A_947 = arith.addf %broadcast_in_dim3A_944, %add3A_946 : vector<256x1xf32>
    %lt3A_948 = arith.cmpf olt, %broadcast_in_dim3A_936, %select_n3A_920 : vector<256x1xf32>
    %select_n3A_949 = arith.select %lt3A_948, %add3A_947, %select_n3A_919 : vector<256x1xi1>, vector<256x1xf32>
    %select_n3A_950 = arith.select %lt3A_948, %broadcast_in_dim3A_936, %select_n3A_920 : vector<256x1xi1>, vector<256x1xf32>
    %get3A_951 = arith.constant 4096 : index
    %get3A_952 = arith.constant 0 : index
    %get3A_953 = vector.load %arg23[%get3A_951, %get3A_952] : memref<8192x256xbf16, #tpu.memory_space<vmem>>, vector<256x256xbf16>
    %dot_general3A_954 = arith.constant dense<0.000000e+00> : vector<256x256xf32>
    %dot_general3A_955 = tpu.matmul %convert_element_type3A_466, %get3A_953, %dot_general3A_954 {dimension_numbers = #tpu.dot_dimension_numbers<[1], [1], [0], [0], [0, 0, 1, 0], [], []>, transpose_lhs_hint = false} : vector<256x256xbf16>, vector<256x256xbf16>, vector<256x256xf32> -> vector<256x256xf32>
    %mul3A_956 = arith.mulf %get3A_953, %get3A_953 : vector<256x256xbf16>
    %dot_general3A_957 = arith.constant dense<0.000000e+00> : vector<1x256xf32>
    %dot_general3A_958 = tpu.matmul %convert_element_type3A_474, %mul3A_956, %dot_general3A_957 {dimension_numbers = #tpu.dot_dimension_numbers<[1], [1], [0], [0], [0, 0, 1, 0], [], []>, transpose_lhs_hint = false} : vector<1x256xbf16>, vector<256x256xbf16>, vector<1x256xf32> -> vector<1x256xf32>
    %mul3A_959 = arith.constant 2.000000e+00 : f32
    %mul3A_960 = vector.broadcast %mul3A_959 : f32 to vector<256x256xf32>
    %mul3A_961 = arith.mulf %mul3A_960, %dot_general3A_955 : vector<256x256xf32>
    %sub3A_962 = vector.broadcast %dot_general3A_958 : vector<1x256xf32> to vector<256x256xf32>
    %sub3A_963 = arith.subf %sub3A_962, %mul3A_961 : vector<256x256xf32>
    %reduce_min3A_964 = arith.constant dense<0x7F800000> : vector<256xf32>
    %reduce_min3A_965 = vector.multi_reduction <minimumf>, %sub3A_963, %reduce_min3A_964 [1] : vector<256x256xf32> to vector<256xf32>
    %broadcast_in_dim3A_966 = vector.shape_cast %reduce_min3A_965 : vector<256xf32> to vector<256x1xf32>
    %eq3A_967 = vector.broadcast %broadcast_in_dim3A_966 : vector<256x1xf32> to vector<256x256xf32>
    %eq3A_968 = arith.cmpf oeq, %sub3A_963, %eq3A_967 : vector<256x256xf32>
    %jit3A_969 = arith.constant 8.192000e+03 : f32
    %broadcast_in_dim3A_970 = vector.broadcast %jit3A_969 : f32 to vector<256x256xf32>
    %select_n3A_971 = arith.select %eq3A_968, %convert_element_type3A_471, %broadcast_in_dim3A_970 : vector<256x256xi1>, vector<256x256xf32>
    %reduce_min3A_972 = arith.constant dense<0x7F800000> : vector<256xf32>
    %reduce_min3A_973 = vector.multi_reduction <minimumf>, %select_n3A_971, %reduce_min3A_972 [1] : vector<256x256xf32> to vector<256xf32>
    %broadcast_in_dim3A_974 = vector.shape_cast %reduce_min3A_973 : vector<256xf32> to vector<256x1xf32>
    %add3A_975 = arith.constant 4.096000e+03 : f32
    %add3A_976 = vector.broadcast %add3A_975 : f32 to vector<256x1xf32>
    %add3A_977 = arith.addf %broadcast_in_dim3A_974, %add3A_976 : vector<256x1xf32>
    %lt3A_978 = arith.cmpf olt, %broadcast_in_dim3A_966, %select_n3A_950 : vector<256x1xf32>
    %select_n3A_979 = arith.select %lt3A_978, %add3A_977, %select_n3A_949 : vector<256x1xi1>, vector<256x1xf32>
    %select_n3A_980 = arith.select %lt3A_978, %broadcast_in_dim3A_966, %select_n3A_950 : vector<256x1xi1>, vector<256x1xf32>
    %get3A_981 = arith.constant 4352 : index
    %get3A_982 = arith.constant 0 : index
    %get3A_983 = vector.load %arg23[%get3A_981, %get3A_982] : memref<8192x256xbf16, #tpu.memory_space<vmem>>, vector<256x256xbf16>
    %dot_general3A_984 = arith.constant dense<0.000000e+00> : vector<256x256xf32>
    %dot_general3A_985 = tpu.matmul %convert_element_type3A_466, %get3A_983, %dot_general3A_984 {dimension_numbers = #tpu.dot_dimension_numbers<[1], [1], [0], [0], [0, 0, 1, 0], [], []>, transpose_lhs_hint = false} : vector<256x256xbf16>, vector<256x256xbf16>, vector<256x256xf32> -> vector<256x256xf32>
    %mul3A_986 = arith.mulf %get3A_983, %get3A_983 : vector<256x256xbf16>
    %dot_general3A_987 = arith.constant dense<0.000000e+00> : vector<1x256xf32>
    %dot_general3A_988 = tpu.matmul %convert_element_type3A_474, %mul3A_986, %dot_general3A_987 {dimension_numbers = #tpu.dot_dimension_numbers<[1], [1], [0], [0], [0, 0, 1, 0], [], []>, transpose_lhs_hint = false} : vector<1x256xbf16>, vector<256x256xbf16>, vector<1x256xf32> -> vector<1x256xf32>
    %mul3A_989 = arith.constant 2.000000e+00 : f32
    %mul3A_990 = vector.broadcast %mul3A_989 : f32 to vector<256x256xf32>
    %mul3A_991 = arith.mulf %mul3A_990, %dot_general3A_985 : vector<256x256xf32>
    %sub3A_992 = vector.broadcast %dot_general3A_988 : vector<1x256xf32> to vector<256x256xf32>
    %sub3A_993 = arith.subf %sub3A_992, %mul3A_991 : vector<256x256xf32>
    %reduce_min3A_994 = arith.constant dense<0x7F800000> : vector<256xf32>
    %reduce_min3A_995 = vector.multi_reduction <minimumf>, %sub3A_993, %reduce_min3A_994 [1] : vector<256x256xf32> to vector<256xf32>
    %broadcast_in_dim3A_996 = vector.shape_cast %reduce_min3A_995 : vector<256xf32> to vector<256x1xf32>
    %eq3A_997 = vector.broadcast %broadcast_in_dim3A_996 : vector<256x1xf32> to vector<256x256xf32>
    %eq3A_998 = arith.cmpf oeq, %sub3A_993, %eq3A_997 : vector<256x256xf32>
    %jit3A_999 = arith.constant 8.192000e+03 : f32
    %broadcast_in_dim3A_1000 = vector.broadcast %jit3A_999 : f32 to vector<256x256xf32>
    %select_n3A_1001 = arith.select %eq3A_998, %convert_element_type3A_471, %broadcast_in_dim3A_1000 : vector<256x256xi1>, vector<256x256xf32>
    %reduce_min3A_1002 = arith.constant dense<0x7F800000> : vector<256xf32>
    %reduce_min3A_1003 = vector.multi_reduction <minimumf>, %select_n3A_1001, %reduce_min3A_1002 [1] : vector<256x256xf32> to vector<256xf32>
    %broadcast_in_dim3A_1004 = vector.shape_cast %reduce_min3A_1003 : vector<256xf32> to vector<256x1xf32>
    %add3A_1005 = arith.constant 4.352000e+03 : f32
    %add3A_1006 = vector.broadcast %add3A_1005 : f32 to vector<256x1xf32>
    %add3A_1007 = arith.addf %broadcast_in_dim3A_1004, %add3A_1006 : vector<256x1xf32>
    %lt3A_1008 = arith.cmpf olt, %broadcast_in_dim3A_996, %select_n3A_980 : vector<256x1xf32>
    %select_n3A_1009 = arith.select %lt3A_1008, %add3A_1007, %select_n3A_979 : vector<256x1xi1>, vector<256x1xf32>
    %select_n3A_1010 = arith.select %lt3A_1008, %broadcast_in_dim3A_996, %select_n3A_980 : vector<256x1xi1>, vector<256x1xf32>
    %get3A_1011 = arith.constant 4608 : index
    %get3A_1012 = arith.constant 0 : index
    %get3A_1013 = vector.load %arg23[%get3A_1011, %get3A_1012] : memref<8192x256xbf16, #tpu.memory_space<vmem>>, vector<256x256xbf16>
    %dot_general3A_1014 = arith.constant dense<0.000000e+00> : vector<256x256xf32>
    %dot_general3A_1015 = tpu.matmul %convert_element_type3A_466, %get3A_1013, %dot_general3A_1014 {dimension_numbers = #tpu.dot_dimension_numbers<[1], [1], [0], [0], [0, 0, 1, 0], [], []>, transpose_lhs_hint = false} : vector<256x256xbf16>, vector<256x256xbf16>, vector<256x256xf32> -> vector<256x256xf32>
    %mul3A_1016 = arith.mulf %get3A_1013, %get3A_1013 : vector<256x256xbf16>
    %dot_general3A_1017 = arith.constant dense<0.000000e+00> : vector<1x256xf32>
    %dot_general3A_1018 = tpu.matmul %convert_element_type3A_474, %mul3A_1016, %dot_general3A_1017 {dimension_numbers = #tpu.dot_dimension_numbers<[1], [1], [0], [0], [0, 0, 1, 0], [], []>, transpose_lhs_hint = false} : vector<1x256xbf16>, vector<256x256xbf16>, vector<1x256xf32> -> vector<1x256xf32>
    %mul3A_1019 = arith.constant 2.000000e+00 : f32
    %mul3A_1020 = vector.broadcast %mul3A_1019 : f32 to vector<256x256xf32>
    %mul3A_1021 = arith.mulf %mul3A_1020, %dot_general3A_1015 : vector<256x256xf32>
    %sub3A_1022 = vector.broadcast %dot_general3A_1018 : vector<1x256xf32> to vector<256x256xf32>
    %sub3A_1023 = arith.subf %sub3A_1022, %mul3A_1021 : vector<256x256xf32>
    %reduce_min3A_1024 = arith.constant dense<0x7F800000> : vector<256xf32>
    %reduce_min3A_1025 = vector.multi_reduction <minimumf>, %sub3A_1023, %reduce_min3A_1024 [1] : vector<256x256xf32> to vector<256xf32>
    %broadcast_in_dim3A_1026 = vector.shape_cast %reduce_min3A_1025 : vector<256xf32> to vector<256x1xf32>
    %eq3A_1027 = vector.broadcast %broadcast_in_dim3A_1026 : vector<256x1xf32> to vector<256x256xf32>
    %eq3A_1028 = arith.cmpf oeq, %sub3A_1023, %eq3A_1027 : vector<256x256xf32>
    %jit3A_1029 = arith.constant 8.192000e+03 : f32
    %broadcast_in_dim3A_1030 = vector.broadcast %jit3A_1029 : f32 to vector<256x256xf32>
    %select_n3A_1031 = arith.select %eq3A_1028, %convert_element_type3A_471, %broadcast_in_dim3A_1030 : vector<256x256xi1>, vector<256x256xf32>
    %reduce_min3A_1032 = arith.constant dense<0x7F800000> : vector<256xf32>
    %reduce_min3A_1033 = vector.multi_reduction <minimumf>, %select_n3A_1031, %reduce_min3A_1032 [1] : vector<256x256xf32> to vector<256xf32>
    %broadcast_in_dim3A_1034 = vector.shape_cast %reduce_min3A_1033 : vector<256xf32> to vector<256x1xf32>
    %add3A_1035 = arith.constant 4.608000e+03 : f32
    %add3A_1036 = vector.broadcast %add3A_1035 : f32 to vector<256x1xf32>
    %add3A_1037 = arith.addf %broadcast_in_dim3A_1034, %add3A_1036 : vector<256x1xf32>
    %lt3A_1038 = arith.cmpf olt, %broadcast_in_dim3A_1026, %select_n3A_1010 : vector<256x1xf32>
    %select_n3A_1039 = arith.select %lt3A_1038, %add3A_1037, %select_n3A_1009 : vector<256x1xi1>, vector<256x1xf32>
    %select_n3A_1040 = arith.select %lt3A_1038, %broadcast_in_dim3A_1026, %select_n3A_1010 : vector<256x1xi1>, vector<256x1xf32>
    %get3A_1041 = arith.constant 4864 : index
    %get3A_1042 = arith.constant 0 : index
    %get3A_1043 = vector.load %arg23[%get3A_1041, %get3A_1042] : memref<8192x256xbf16, #tpu.memory_space<vmem>>, vector<256x256xbf16>
    %dot_general3A_1044 = arith.constant dense<0.000000e+00> : vector<256x256xf32>
    %dot_general3A_1045 = tpu.matmul %convert_element_type3A_466, %get3A_1043, %dot_general3A_1044 {dimension_numbers = #tpu.dot_dimension_numbers<[1], [1], [0], [0], [0, 0, 1, 0], [], []>, transpose_lhs_hint = false} : vector<256x256xbf16>, vector<256x256xbf16>, vector<256x256xf32> -> vector<256x256xf32>
    %mul3A_1046 = arith.mulf %get3A_1043, %get3A_1043 : vector<256x256xbf16>
    %dot_general3A_1047 = arith.constant dense<0.000000e+00> : vector<1x256xf32>
    %dot_general3A_1048 = tpu.matmul %convert_element_type3A_474, %mul3A_1046, %dot_general3A_1047 {dimension_numbers = #tpu.dot_dimension_numbers<[1], [1], [0], [0], [0, 0, 1, 0], [], []>, transpose_lhs_hint = false} : vector<1x256xbf16>, vector<256x256xbf16>, vector<1x256xf32> -> vector<1x256xf32>
    %mul3A_1049 = arith.constant 2.000000e+00 : f32
    %mul3A_1050 = vector.broadcast %mul3A_1049 : f32 to vector<256x256xf32>
    %mul3A_1051 = arith.mulf %mul3A_1050, %dot_general3A_1045 : vector<256x256xf32>
    %sub3A_1052 = vector.broadcast %dot_general3A_1048 : vector<1x256xf32> to vector<256x256xf32>
    %sub3A_1053 = arith.subf %sub3A_1052, %mul3A_1051 : vector<256x256xf32>
    %reduce_min3A_1054 = arith.constant dense<0x7F800000> : vector<256xf32>
    %reduce_min3A_1055 = vector.multi_reduction <minimumf>, %sub3A_1053, %reduce_min3A_1054 [1] : vector<256x256xf32> to vector<256xf32>
    %broadcast_in_dim3A_1056 = vector.shape_cast %reduce_min3A_1055 : vector<256xf32> to vector<256x1xf32>
    %eq3A_1057 = vector.broadcast %broadcast_in_dim3A_1056 : vector<256x1xf32> to vector<256x256xf32>
    %eq3A_1058 = arith.cmpf oeq, %sub3A_1053, %eq3A_1057 : vector<256x256xf32>
    %jit3A_1059 = arith.constant 8.192000e+03 : f32
    %broadcast_in_dim3A_1060 = vector.broadcast %jit3A_1059 : f32 to vector<256x256xf32>
    %select_n3A_1061 = arith.select %eq3A_1058, %convert_element_type3A_471, %broadcast_in_dim3A_1060 : vector<256x256xi1>, vector<256x256xf32>
    %reduce_min3A_1062 = arith.constant dense<0x7F800000> : vector<256xf32>
    %reduce_min3A_1063 = vector.multi_reduction <minimumf>, %select_n3A_1061, %reduce_min3A_1062 [1] : vector<256x256xf32> to vector<256xf32>
    %broadcast_in_dim3A_1064 = vector.shape_cast %reduce_min3A_1063 : vector<256xf32> to vector<256x1xf32>
    %add3A_1065 = arith.constant 4.864000e+03 : f32
    %add3A_1066 = vector.broadcast %add3A_1065 : f32 to vector<256x1xf32>
    %add3A_1067 = arith.addf %broadcast_in_dim3A_1064, %add3A_1066 : vector<256x1xf32>
    %lt3A_1068 = arith.cmpf olt, %broadcast_in_dim3A_1056, %select_n3A_1040 : vector<256x1xf32>
    %select_n3A_1069 = arith.select %lt3A_1068, %add3A_1067, %select_n3A_1039 : vector<256x1xi1>, vector<256x1xf32>
    %select_n3A_1070 = arith.select %lt3A_1068, %broadcast_in_dim3A_1056, %select_n3A_1040 : vector<256x1xi1>, vector<256x1xf32>
    %get3A_1071 = arith.constant 5120 : index
    %get3A_1072 = arith.constant 0 : index
    %get3A_1073 = vector.load %arg23[%get3A_1071, %get3A_1072] : memref<8192x256xbf16, #tpu.memory_space<vmem>>, vector<256x256xbf16>
    %dot_general3A_1074 = arith.constant dense<0.000000e+00> : vector<256x256xf32>
    %dot_general3A_1075 = tpu.matmul %convert_element_type3A_466, %get3A_1073, %dot_general3A_1074 {dimension_numbers = #tpu.dot_dimension_numbers<[1], [1], [0], [0], [0, 0, 1, 0], [], []>, transpose_lhs_hint = false} : vector<256x256xbf16>, vector<256x256xbf16>, vector<256x256xf32> -> vector<256x256xf32>
    %mul3A_1076 = arith.mulf %get3A_1073, %get3A_1073 : vector<256x256xbf16>
    %dot_general3A_1077 = arith.constant dense<0.000000e+00> : vector<1x256xf32>
    %dot_general3A_1078 = tpu.matmul %convert_element_type3A_474, %mul3A_1076, %dot_general3A_1077 {dimension_numbers = #tpu.dot_dimension_numbers<[1], [1], [0], [0], [0, 0, 1, 0], [], []>, transpose_lhs_hint = false} : vector<1x256xbf16>, vector<256x256xbf16>, vector<1x256xf32> -> vector<1x256xf32>
    %mul3A_1079 = arith.constant 2.000000e+00 : f32
    %mul3A_1080 = vector.broadcast %mul3A_1079 : f32 to vector<256x256xf32>
    %mul3A_1081 = arith.mulf %mul3A_1080, %dot_general3A_1075 : vector<256x256xf32>
    %sub3A_1082 = vector.broadcast %dot_general3A_1078 : vector<1x256xf32> to vector<256x256xf32>
    %sub3A_1083 = arith.subf %sub3A_1082, %mul3A_1081 : vector<256x256xf32>
    %reduce_min3A_1084 = arith.constant dense<0x7F800000> : vector<256xf32>
    %reduce_min3A_1085 = vector.multi_reduction <minimumf>, %sub3A_1083, %reduce_min3A_1084 [1] : vector<256x256xf32> to vector<256xf32>
    %broadcast_in_dim3A_1086 = vector.shape_cast %reduce_min3A_1085 : vector<256xf32> to vector<256x1xf32>
    %eq3A_1087 = vector.broadcast %broadcast_in_dim3A_1086 : vector<256x1xf32> to vector<256x256xf32>
    %eq3A_1088 = arith.cmpf oeq, %sub3A_1083, %eq3A_1087 : vector<256x256xf32>
    %jit3A_1089 = arith.constant 8.192000e+03 : f32
    %broadcast_in_dim3A_1090 = vector.broadcast %jit3A_1089 : f32 to vector<256x256xf32>
    %select_n3A_1091 = arith.select %eq3A_1088, %convert_element_type3A_471, %broadcast_in_dim3A_1090 : vector<256x256xi1>, vector<256x256xf32>
    %reduce_min3A_1092 = arith.constant dense<0x7F800000> : vector<256xf32>
    %reduce_min3A_1093 = vector.multi_reduction <minimumf>, %select_n3A_1091, %reduce_min3A_1092 [1] : vector<256x256xf32> to vector<256xf32>
    %broadcast_in_dim3A_1094 = vector.shape_cast %reduce_min3A_1093 : vector<256xf32> to vector<256x1xf32>
    %add3A_1095 = arith.constant 5.120000e+03 : f32
    %add3A_1096 = vector.broadcast %add3A_1095 : f32 to vector<256x1xf32>
    %add3A_1097 = arith.addf %broadcast_in_dim3A_1094, %add3A_1096 : vector<256x1xf32>
    %lt3A_1098 = arith.cmpf olt, %broadcast_in_dim3A_1086, %select_n3A_1070 : vector<256x1xf32>
    %select_n3A_1099 = arith.select %lt3A_1098, %add3A_1097, %select_n3A_1069 : vector<256x1xi1>, vector<256x1xf32>
    %select_n3A_1100 = arith.select %lt3A_1098, %broadcast_in_dim3A_1086, %select_n3A_1070 : vector<256x1xi1>, vector<256x1xf32>
    %get3A_1101 = arith.constant 5376 : index
    %get3A_1102 = arith.constant 0 : index
    %get3A_1103 = vector.load %arg23[%get3A_1101, %get3A_1102] : memref<8192x256xbf16, #tpu.memory_space<vmem>>, vector<256x256xbf16>
    %dot_general3A_1104 = arith.constant dense<0.000000e+00> : vector<256x256xf32>
    %dot_general3A_1105 = tpu.matmul %convert_element_type3A_466, %get3A_1103, %dot_general3A_1104 {dimension_numbers = #tpu.dot_dimension_numbers<[1], [1], [0], [0], [0, 0, 1, 0], [], []>, transpose_lhs_hint = false} : vector<256x256xbf16>, vector<256x256xbf16>, vector<256x256xf32> -> vector<256x256xf32>
    %mul3A_1106 = arith.mulf %get3A_1103, %get3A_1103 : vector<256x256xbf16>
    %dot_general3A_1107 = arith.constant dense<0.000000e+00> : vector<1x256xf32>
    %dot_general3A_1108 = tpu.matmul %convert_element_type3A_474, %mul3A_1106, %dot_general3A_1107 {dimension_numbers = #tpu.dot_dimension_numbers<[1], [1], [0], [0], [0, 0, 1, 0], [], []>, transpose_lhs_hint = false} : vector<1x256xbf16>, vector<256x256xbf16>, vector<1x256xf32> -> vector<1x256xf32>
    %mul3A_1109 = arith.constant 2.000000e+00 : f32
    %mul3A_1110 = vector.broadcast %mul3A_1109 : f32 to vector<256x256xf32>
    %mul3A_1111 = arith.mulf %mul3A_1110, %dot_general3A_1105 : vector<256x256xf32>
    %sub3A_1112 = vector.broadcast %dot_general3A_1108 : vector<1x256xf32> to vector<256x256xf32>
    %sub3A_1113 = arith.subf %sub3A_1112, %mul3A_1111 : vector<256x256xf32>
    %reduce_min3A_1114 = arith.constant dense<0x7F800000> : vector<256xf32>
    %reduce_min3A_1115 = vector.multi_reduction <minimumf>, %sub3A_1113, %reduce_min3A_1114 [1] : vector<256x256xf32> to vector<256xf32>
    %broadcast_in_dim3A_1116 = vector.shape_cast %reduce_min3A_1115 : vector<256xf32> to vector<256x1xf32>
    %eq3A_1117 = vector.broadcast %broadcast_in_dim3A_1116 : vector<256x1xf32> to vector<256x256xf32>
    %eq3A_1118 = arith.cmpf oeq, %sub3A_1113, %eq3A_1117 : vector<256x256xf32>
    %jit3A_1119 = arith.constant 8.192000e+03 : f32
    %broadcast_in_dim3A_1120 = vector.broadcast %jit3A_1119 : f32 to vector<256x256xf32>
    %select_n3A_1121 = arith.select %eq3A_1118, %convert_element_type3A_471, %broadcast_in_dim3A_1120 : vector<256x256xi1>, vector<256x256xf32>
    %reduce_min3A_1122 = arith.constant dense<0x7F800000> : vector<256xf32>
    %reduce_min3A_1123 = vector.multi_reduction <minimumf>, %select_n3A_1121, %reduce_min3A_1122 [1] : vector<256x256xf32> to vector<256xf32>
    %broadcast_in_dim3A_1124 = vector.shape_cast %reduce_min3A_1123 : vector<256xf32> to vector<256x1xf32>
    %add3A_1125 = arith.constant 5.376000e+03 : f32
    %add3A_1126 = vector.broadcast %add3A_1125 : f32 to vector<256x1xf32>
    %add3A_1127 = arith.addf %broadcast_in_dim3A_1124, %add3A_1126 : vector<256x1xf32>
    %lt3A_1128 = arith.cmpf olt, %broadcast_in_dim3A_1116, %select_n3A_1100 : vector<256x1xf32>
    %select_n3A_1129 = arith.select %lt3A_1128, %add3A_1127, %select_n3A_1099 : vector<256x1xi1>, vector<256x1xf32>
    %select_n3A_1130 = arith.select %lt3A_1128, %broadcast_in_dim3A_1116, %select_n3A_1100 : vector<256x1xi1>, vector<256x1xf32>
    %get3A_1131 = arith.constant 5632 : index
    %get3A_1132 = arith.constant 0 : index
    %get3A_1133 = vector.load %arg23[%get3A_1131, %get3A_1132] : memref<8192x256xbf16, #tpu.memory_space<vmem>>, vector<256x256xbf16>
    %dot_general3A_1134 = arith.constant dense<0.000000e+00> : vector<256x256xf32>
    %dot_general3A_1135 = tpu.matmul %convert_element_type3A_466, %get3A_1133, %dot_general3A_1134 {dimension_numbers = #tpu.dot_dimension_numbers<[1], [1], [0], [0], [0, 0, 1, 0], [], []>, transpose_lhs_hint = false} : vector<256x256xbf16>, vector<256x256xbf16>, vector<256x256xf32> -> vector<256x256xf32>
    %mul3A_1136 = arith.mulf %get3A_1133, %get3A_1133 : vector<256x256xbf16>
    %dot_general3A_1137 = arith.constant dense<0.000000e+00> : vector<1x256xf32>
    %dot_general3A_1138 = tpu.matmul %convert_element_type3A_474, %mul3A_1136, %dot_general3A_1137 {dimension_numbers = #tpu.dot_dimension_numbers<[1], [1], [0], [0], [0, 0, 1, 0], [], []>, transpose_lhs_hint = false} : vector<1x256xbf16>, vector<256x256xbf16>, vector<1x256xf32> -> vector<1x256xf32>
    %mul3A_1139 = arith.constant 2.000000e+00 : f32
    %mul3A_1140 = vector.broadcast %mul3A_1139 : f32 to vector<256x256xf32>
    %mul3A_1141 = arith.mulf %mul3A_1140, %dot_general3A_1135 : vector<256x256xf32>
    %sub3A_1142 = vector.broadcast %dot_general3A_1138 : vector<1x256xf32> to vector<256x256xf32>
    %sub3A_1143 = arith.subf %sub3A_1142, %mul3A_1141 : vector<256x256xf32>
    %reduce_min3A_1144 = arith.constant dense<0x7F800000> : vector<256xf32>
    %reduce_min3A_1145 = vector.multi_reduction <minimumf>, %sub3A_1143, %reduce_min3A_1144 [1] : vector<256x256xf32> to vector<256xf32>
    %broadcast_in_dim3A_1146 = vector.shape_cast %reduce_min3A_1145 : vector<256xf32> to vector<256x1xf32>
    %eq3A_1147 = vector.broadcast %broadcast_in_dim3A_1146 : vector<256x1xf32> to vector<256x256xf32>
    %eq3A_1148 = arith.cmpf oeq, %sub3A_1143, %eq3A_1147 : vector<256x256xf32>
    %jit3A_1149 = arith.constant 8.192000e+03 : f32
    %broadcast_in_dim3A_1150 = vector.broadcast %jit3A_1149 : f32 to vector<256x256xf32>
    %select_n3A_1151 = arith.select %eq3A_1148, %convert_element_type3A_471, %broadcast_in_dim3A_1150 : vector<256x256xi1>, vector<256x256xf32>
    %reduce_min3A_1152 = arith.constant dense<0x7F800000> : vector<256xf32>
    %reduce_min3A_1153 = vector.multi_reduction <minimumf>, %select_n3A_1151, %reduce_min3A_1152 [1] : vector<256x256xf32> to vector<256xf32>
    %broadcast_in_dim3A_1154 = vector.shape_cast %reduce_min3A_1153 : vector<256xf32> to vector<256x1xf32>
    %add3A_1155 = arith.constant 5.632000e+03 : f32
    %add3A_1156 = vector.broadcast %add3A_1155 : f32 to vector<256x1xf32>
    %add3A_1157 = arith.addf %broadcast_in_dim3A_1154, %add3A_1156 : vector<256x1xf32>
    %lt3A_1158 = arith.cmpf olt, %broadcast_in_dim3A_1146, %select_n3A_1130 : vector<256x1xf32>
    %select_n3A_1159 = arith.select %lt3A_1158, %add3A_1157, %select_n3A_1129 : vector<256x1xi1>, vector<256x1xf32>
    %select_n3A_1160 = arith.select %lt3A_1158, %broadcast_in_dim3A_1146, %select_n3A_1130 : vector<256x1xi1>, vector<256x1xf32>
    %get3A_1161 = arith.constant 5888 : index
    %get3A_1162 = arith.constant 0 : index
    %get3A_1163 = vector.load %arg23[%get3A_1161, %get3A_1162] : memref<8192x256xbf16, #tpu.memory_space<vmem>>, vector<256x256xbf16>
    %dot_general3A_1164 = arith.constant dense<0.000000e+00> : vector<256x256xf32>
    %dot_general3A_1165 = tpu.matmul %convert_element_type3A_466, %get3A_1163, %dot_general3A_1164 {dimension_numbers = #tpu.dot_dimension_numbers<[1], [1], [0], [0], [0, 0, 1, 0], [], []>, transpose_lhs_hint = false} : vector<256x256xbf16>, vector<256x256xbf16>, vector<256x256xf32> -> vector<256x256xf32>
    %mul3A_1166 = arith.mulf %get3A_1163, %get3A_1163 : vector<256x256xbf16>
    %dot_general3A_1167 = arith.constant dense<0.000000e+00> : vector<1x256xf32>
    %dot_general3A_1168 = tpu.matmul %convert_element_type3A_474, %mul3A_1166, %dot_general3A_1167 {dimension_numbers = #tpu.dot_dimension_numbers<[1], [1], [0], [0], [0, 0, 1, 0], [], []>, transpose_lhs_hint = false} : vector<1x256xbf16>, vector<256x256xbf16>, vector<1x256xf32> -> vector<1x256xf32>
    %mul3A_1169 = arith.constant 2.000000e+00 : f32
    %mul3A_1170 = vector.broadcast %mul3A_1169 : f32 to vector<256x256xf32>
    %mul3A_1171 = arith.mulf %mul3A_1170, %dot_general3A_1165 : vector<256x256xf32>
    %sub3A_1172 = vector.broadcast %dot_general3A_1168 : vector<1x256xf32> to vector<256x256xf32>
    %sub3A_1173 = arith.subf %sub3A_1172, %mul3A_1171 : vector<256x256xf32>
    %reduce_min3A_1174 = arith.constant dense<0x7F800000> : vector<256xf32>
    %reduce_min3A_1175 = vector.multi_reduction <minimumf>, %sub3A_1173, %reduce_min3A_1174 [1] : vector<256x256xf32> to vector<256xf32>
    %broadcast_in_dim3A_1176 = vector.shape_cast %reduce_min3A_1175 : vector<256xf32> to vector<256x1xf32>
    %eq3A_1177 = vector.broadcast %broadcast_in_dim3A_1176 : vector<256x1xf32> to vector<256x256xf32>
    %eq3A_1178 = arith.cmpf oeq, %sub3A_1173, %eq3A_1177 : vector<256x256xf32>
    %jit3A_1179 = arith.constant 8.192000e+03 : f32
    %broadcast_in_dim3A_1180 = vector.broadcast %jit3A_1179 : f32 to vector<256x256xf32>
    %select_n3A_1181 = arith.select %eq3A_1178, %convert_element_type3A_471, %broadcast_in_dim3A_1180 : vector<256x256xi1>, vector<256x256xf32>
    %reduce_min3A_1182 = arith.constant dense<0x7F800000> : vector<256xf32>
    %reduce_min3A_1183 = vector.multi_reduction <minimumf>, %select_n3A_1181, %reduce_min3A_1182 [1] : vector<256x256xf32> to vector<256xf32>
    %broadcast_in_dim3A_1184 = vector.shape_cast %reduce_min3A_1183 : vector<256xf32> to vector<256x1xf32>
    %add3A_1185 = arith.constant 5.888000e+03 : f32
    %add3A_1186 = vector.broadcast %add3A_1185 : f32 to vector<256x1xf32>
    %add3A_1187 = arith.addf %broadcast_in_dim3A_1184, %add3A_1186 : vector<256x1xf32>
    %lt3A_1188 = arith.cmpf olt, %broadcast_in_dim3A_1176, %select_n3A_1160 : vector<256x1xf32>
    %select_n3A_1189 = arith.select %lt3A_1188, %add3A_1187, %select_n3A_1159 : vector<256x1xi1>, vector<256x1xf32>
    %select_n3A_1190 = arith.select %lt3A_1188, %broadcast_in_dim3A_1176, %select_n3A_1160 : vector<256x1xi1>, vector<256x1xf32>
    %get3A_1191 = arith.constant 6144 : index
    %get3A_1192 = arith.constant 0 : index
    %get3A_1193 = vector.load %arg23[%get3A_1191, %get3A_1192] : memref<8192x256xbf16, #tpu.memory_space<vmem>>, vector<256x256xbf16>
    %dot_general3A_1194 = arith.constant dense<0.000000e+00> : vector<256x256xf32>
    %dot_general3A_1195 = tpu.matmul %convert_element_type3A_466, %get3A_1193, %dot_general3A_1194 {dimension_numbers = #tpu.dot_dimension_numbers<[1], [1], [0], [0], [0, 0, 1, 0], [], []>, transpose_lhs_hint = false} : vector<256x256xbf16>, vector<256x256xbf16>, vector<256x256xf32> -> vector<256x256xf32>
    %mul3A_1196 = arith.mulf %get3A_1193, %get3A_1193 : vector<256x256xbf16>
    %dot_general3A_1197 = arith.constant dense<0.000000e+00> : vector<1x256xf32>
    %dot_general3A_1198 = tpu.matmul %convert_element_type3A_474, %mul3A_1196, %dot_general3A_1197 {dimension_numbers = #tpu.dot_dimension_numbers<[1], [1], [0], [0], [0, 0, 1, 0], [], []>, transpose_lhs_hint = false} : vector<1x256xbf16>, vector<256x256xbf16>, vector<1x256xf32> -> vector<1x256xf32>
    %mul3A_1199 = arith.constant 2.000000e+00 : f32
    %mul3A_1200 = vector.broadcast %mul3A_1199 : f32 to vector<256x256xf32>
    %mul3A_1201 = arith.mulf %mul3A_1200, %dot_general3A_1195 : vector<256x256xf32>
    %sub3A_1202 = vector.broadcast %dot_general3A_1198 : vector<1x256xf32> to vector<256x256xf32>
    %sub3A_1203 = arith.subf %sub3A_1202, %mul3A_1201 : vector<256x256xf32>
    %reduce_min3A_1204 = arith.constant dense<0x7F800000> : vector<256xf32>
    %reduce_min3A_1205 = vector.multi_reduction <minimumf>, %sub3A_1203, %reduce_min3A_1204 [1] : vector<256x256xf32> to vector<256xf32>
    %broadcast_in_dim3A_1206 = vector.shape_cast %reduce_min3A_1205 : vector<256xf32> to vector<256x1xf32>
    %eq3A_1207 = vector.broadcast %broadcast_in_dim3A_1206 : vector<256x1xf32> to vector<256x256xf32>
    %eq3A_1208 = arith.cmpf oeq, %sub3A_1203, %eq3A_1207 : vector<256x256xf32>
    %jit3A_1209 = arith.constant 8.192000e+03 : f32
    %broadcast_in_dim3A_1210 = vector.broadcast %jit3A_1209 : f32 to vector<256x256xf32>
    %select_n3A_1211 = arith.select %eq3A_1208, %convert_element_type3A_471, %broadcast_in_dim3A_1210 : vector<256x256xi1>, vector<256x256xf32>
    %reduce_min3A_1212 = arith.constant dense<0x7F800000> : vector<256xf32>
    %reduce_min3A_1213 = vector.multi_reduction <minimumf>, %select_n3A_1211, %reduce_min3A_1212 [1] : vector<256x256xf32> to vector<256xf32>
    %broadcast_in_dim3A_1214 = vector.shape_cast %reduce_min3A_1213 : vector<256xf32> to vector<256x1xf32>
    %add3A_1215 = arith.constant 6.144000e+03 : f32
    %add3A_1216 = vector.broadcast %add3A_1215 : f32 to vector<256x1xf32>
    %add3A_1217 = arith.addf %broadcast_in_dim3A_1214, %add3A_1216 : vector<256x1xf32>
    %lt3A_1218 = arith.cmpf olt, %broadcast_in_dim3A_1206, %select_n3A_1190 : vector<256x1xf32>
    %select_n3A_1219 = arith.select %lt3A_1218, %add3A_1217, %select_n3A_1189 : vector<256x1xi1>, vector<256x1xf32>
    %select_n3A_1220 = arith.select %lt3A_1218, %broadcast_in_dim3A_1206, %select_n3A_1190 : vector<256x1xi1>, vector<256x1xf32>
    %get3A_1221 = arith.constant 6400 : index
    %get3A_1222 = arith.constant 0 : index
    %get3A_1223 = vector.load %arg23[%get3A_1221, %get3A_1222] : memref<8192x256xbf16, #tpu.memory_space<vmem>>, vector<256x256xbf16>
    %dot_general3A_1224 = arith.constant dense<0.000000e+00> : vector<256x256xf32>
    %dot_general3A_1225 = tpu.matmul %convert_element_type3A_466, %get3A_1223, %dot_general3A_1224 {dimension_numbers = #tpu.dot_dimension_numbers<[1], [1], [0], [0], [0, 0, 1, 0], [], []>, transpose_lhs_hint = false} : vector<256x256xbf16>, vector<256x256xbf16>, vector<256x256xf32> -> vector<256x256xf32>
    %mul3A_1226 = arith.mulf %get3A_1223, %get3A_1223 : vector<256x256xbf16>
    %dot_general3A_1227 = arith.constant dense<0.000000e+00> : vector<1x256xf32>
    %dot_general3A_1228 = tpu.matmul %convert_element_type3A_474, %mul3A_1226, %dot_general3A_1227 {dimension_numbers = #tpu.dot_dimension_numbers<[1], [1], [0], [0], [0, 0, 1, 0], [], []>, transpose_lhs_hint = false} : vector<1x256xbf16>, vector<256x256xbf16>, vector<1x256xf32> -> vector<1x256xf32>
    %mul3A_1229 = arith.constant 2.000000e+00 : f32
    %mul3A_1230 = vector.broadcast %mul3A_1229 : f32 to vector<256x256xf32>
    %mul3A_1231 = arith.mulf %mul3A_1230, %dot_general3A_1225 : vector<256x256xf32>
    %sub3A_1232 = vector.broadcast %dot_general3A_1228 : vector<1x256xf32> to vector<256x256xf32>
    %sub3A_1233 = arith.subf %sub3A_1232, %mul3A_1231 : vector<256x256xf32>
    %reduce_min3A_1234 = arith.constant dense<0x7F800000> : vector<256xf32>
    %reduce_min3A_1235 = vector.multi_reduction <minimumf>, %sub3A_1233, %reduce_min3A_1234 [1] : vector<256x256xf32> to vector<256xf32>
    %broadcast_in_dim3A_1236 = vector.shape_cast %reduce_min3A_1235 : vector<256xf32> to vector<256x1xf32>
    %eq3A_1237 = vector.broadcast %broadcast_in_dim3A_1236 : vector<256x1xf32> to vector<256x256xf32>
    %eq3A_1238 = arith.cmpf oeq, %sub3A_1233, %eq3A_1237 : vector<256x256xf32>
    %jit3A_1239 = arith.constant 8.192000e+03 : f32
    %broadcast_in_dim3A_1240 = vector.broadcast %jit3A_1239 : f32 to vector<256x256xf32>
    %select_n3A_1241 = arith.select %eq3A_1238, %convert_element_type3A_471, %broadcast_in_dim3A_1240 : vector<256x256xi1>, vector<256x256xf32>
    %reduce_min3A_1242 = arith.constant dense<0x7F800000> : vector<256xf32>
    %reduce_min3A_1243 = vector.multi_reduction <minimumf>, %select_n3A_1241, %reduce_min3A_1242 [1] : vector<256x256xf32> to vector<256xf32>
    %broadcast_in_dim3A_1244 = vector.shape_cast %reduce_min3A_1243 : vector<256xf32> to vector<256x1xf32>
    %add3A_1245 = arith.constant 6.400000e+03 : f32
    %add3A_1246 = vector.broadcast %add3A_1245 : f32 to vector<256x1xf32>
    %add3A_1247 = arith.addf %broadcast_in_dim3A_1244, %add3A_1246 : vector<256x1xf32>
    %lt3A_1248 = arith.cmpf olt, %broadcast_in_dim3A_1236, %select_n3A_1220 : vector<256x1xf32>
    %select_n3A_1249 = arith.select %lt3A_1248, %add3A_1247, %select_n3A_1219 : vector<256x1xi1>, vector<256x1xf32>
    %select_n3A_1250 = arith.select %lt3A_1248, %broadcast_in_dim3A_1236, %select_n3A_1220 : vector<256x1xi1>, vector<256x1xf32>
    %get3A_1251 = arith.constant 6656 : index
    %get3A_1252 = arith.constant 0 : index
    %get3A_1253 = vector.load %arg23[%get3A_1251, %get3A_1252] : memref<8192x256xbf16, #tpu.memory_space<vmem>>, vector<256x256xbf16>
    %dot_general3A_1254 = arith.constant dense<0.000000e+00> : vector<256x256xf32>
    %dot_general3A_1255 = tpu.matmul %convert_element_type3A_466, %get3A_1253, %dot_general3A_1254 {dimension_numbers = #tpu.dot_dimension_numbers<[1], [1], [0], [0], [0, 0, 1, 0], [], []>, transpose_lhs_hint = false} : vector<256x256xbf16>, vector<256x256xbf16>, vector<256x256xf32> -> vector<256x256xf32>
    %mul3A_1256 = arith.mulf %get3A_1253, %get3A_1253 : vector<256x256xbf16>
    %dot_general3A_1257 = arith.constant dense<0.000000e+00> : vector<1x256xf32>
    %dot_general3A_1258 = tpu.matmul %convert_element_type3A_474, %mul3A_1256, %dot_general3A_1257 {dimension_numbers = #tpu.dot_dimension_numbers<[1], [1], [0], [0], [0, 0, 1, 0], [], []>, transpose_lhs_hint = false} : vector<1x256xbf16>, vector<256x256xbf16>, vector<1x256xf32> -> vector<1x256xf32>
    %mul3A_1259 = arith.constant 2.000000e+00 : f32
    %mul3A_1260 = vector.broadcast %mul3A_1259 : f32 to vector<256x256xf32>
    %mul3A_1261 = arith.mulf %mul3A_1260, %dot_general3A_1255 : vector<256x256xf32>
    %sub3A_1262 = vector.broadcast %dot_general3A_1258 : vector<1x256xf32> to vector<256x256xf32>
    %sub3A_1263 = arith.subf %sub3A_1262, %mul3A_1261 : vector<256x256xf32>
    %reduce_min3A_1264 = arith.constant dense<0x7F800000> : vector<256xf32>
    %reduce_min3A_1265 = vector.multi_reduction <minimumf>, %sub3A_1263, %reduce_min3A_1264 [1] : vector<256x256xf32> to vector<256xf32>
    %broadcast_in_dim3A_1266 = vector.shape_cast %reduce_min3A_1265 : vector<256xf32> to vector<256x1xf32>
    %eq3A_1267 = vector.broadcast %broadcast_in_dim3A_1266 : vector<256x1xf32> to vector<256x256xf32>
    %eq3A_1268 = arith.cmpf oeq, %sub3A_1263, %eq3A_1267 : vector<256x256xf32>
    %jit3A_1269 = arith.constant 8.192000e+03 : f32
    %broadcast_in_dim3A_1270 = vector.broadcast %jit3A_1269 : f32 to vector<256x256xf32>
    %select_n3A_1271 = arith.select %eq3A_1268, %convert_element_type3A_471, %broadcast_in_dim3A_1270 : vector<256x256xi1>, vector<256x256xf32>
    %reduce_min3A_1272 = arith.constant dense<0x7F800000> : vector<256xf32>
    %reduce_min3A_1273 = vector.multi_reduction <minimumf>, %select_n3A_1271, %reduce_min3A_1272 [1] : vector<256x256xf32> to vector<256xf32>
    %broadcast_in_dim3A_1274 = vector.shape_cast %reduce_min3A_1273 : vector<256xf32> to vector<256x1xf32>
    %add3A_1275 = arith.constant 6.656000e+03 : f32
    %add3A_1276 = vector.broadcast %add3A_1275 : f32 to vector<256x1xf32>
    %add3A_1277 = arith.addf %broadcast_in_dim3A_1274, %add3A_1276 : vector<256x1xf32>
    %lt3A_1278 = arith.cmpf olt, %broadcast_in_dim3A_1266, %select_n3A_1250 : vector<256x1xf32>
    %select_n3A_1279 = arith.select %lt3A_1278, %add3A_1277, %select_n3A_1249 : vector<256x1xi1>, vector<256x1xf32>
    %select_n3A_1280 = arith.select %lt3A_1278, %broadcast_in_dim3A_1266, %select_n3A_1250 : vector<256x1xi1>, vector<256x1xf32>
    %get3A_1281 = arith.constant 6912 : index
    %get3A_1282 = arith.constant 0 : index
    %get3A_1283 = vector.load %arg23[%get3A_1281, %get3A_1282] : memref<8192x256xbf16, #tpu.memory_space<vmem>>, vector<256x256xbf16>
    %dot_general3A_1284 = arith.constant dense<0.000000e+00> : vector<256x256xf32>
    %dot_general3A_1285 = tpu.matmul %convert_element_type3A_466, %get3A_1283, %dot_general3A_1284 {dimension_numbers = #tpu.dot_dimension_numbers<[1], [1], [0], [0], [0, 0, 1, 0], [], []>, transpose_lhs_hint = false} : vector<256x256xbf16>, vector<256x256xbf16>, vector<256x256xf32> -> vector<256x256xf32>
    %mul3A_1286 = arith.mulf %get3A_1283, %get3A_1283 : vector<256x256xbf16>
    %dot_general3A_1287 = arith.constant dense<0.000000e+00> : vector<1x256xf32>
    %dot_general3A_1288 = tpu.matmul %convert_element_type3A_474, %mul3A_1286, %dot_general3A_1287 {dimension_numbers = #tpu.dot_dimension_numbers<[1], [1], [0], [0], [0, 0, 1, 0], [], []>, transpose_lhs_hint = false} : vector<1x256xbf16>, vector<256x256xbf16>, vector<1x256xf32> -> vector<1x256xf32>
    %mul3A_1289 = arith.constant 2.000000e+00 : f32
    %mul3A_1290 = vector.broadcast %mul3A_1289 : f32 to vector<256x256xf32>
    %mul3A_1291 = arith.mulf %mul3A_1290, %dot_general3A_1285 : vector<256x256xf32>
    %sub3A_1292 = vector.broadcast %dot_general3A_1288 : vector<1x256xf32> to vector<256x256xf32>
    %sub3A_1293 = arith.subf %sub3A_1292, %mul3A_1291 : vector<256x256xf32>
    %reduce_min3A_1294 = arith.constant dense<0x7F800000> : vector<256xf32>
    %reduce_min3A_1295 = vector.multi_reduction <minimumf>, %sub3A_1293, %reduce_min3A_1294 [1] : vector<256x256xf32> to vector<256xf32>
    %broadcast_in_dim3A_1296 = vector.shape_cast %reduce_min3A_1295 : vector<256xf32> to vector<256x1xf32>
    %eq3A_1297 = vector.broadcast %broadcast_in_dim3A_1296 : vector<256x1xf32> to vector<256x256xf32>
    %eq3A_1298 = arith.cmpf oeq, %sub3A_1293, %eq3A_1297 : vector<256x256xf32>
    %jit3A_1299 = arith.constant 8.192000e+03 : f32
    %broadcast_in_dim3A_1300 = vector.broadcast %jit3A_1299 : f32 to vector<256x256xf32>
    %select_n3A_1301 = arith.select %eq3A_1298, %convert_element_type3A_471, %broadcast_in_dim3A_1300 : vector<256x256xi1>, vector<256x256xf32>
    %reduce_min3A_1302 = arith.constant dense<0x7F800000> : vector<256xf32>
    %reduce_min3A_1303 = vector.multi_reduction <minimumf>, %select_n3A_1301, %reduce_min3A_1302 [1] : vector<256x256xf32> to vector<256xf32>
    %broadcast_in_dim3A_1304 = vector.shape_cast %reduce_min3A_1303 : vector<256xf32> to vector<256x1xf32>
    %add3A_1305 = arith.constant 6.912000e+03 : f32
    %add3A_1306 = vector.broadcast %add3A_1305 : f32 to vector<256x1xf32>
    %add3A_1307 = arith.addf %broadcast_in_dim3A_1304, %add3A_1306 : vector<256x1xf32>
    %lt3A_1308 = arith.cmpf olt, %broadcast_in_dim3A_1296, %select_n3A_1280 : vector<256x1xf32>
    %select_n3A_1309 = arith.select %lt3A_1308, %add3A_1307, %select_n3A_1279 : vector<256x1xi1>, vector<256x1xf32>
    %select_n3A_1310 = arith.select %lt3A_1308, %broadcast_in_dim3A_1296, %select_n3A_1280 : vector<256x1xi1>, vector<256x1xf32>
    %get3A_1311 = arith.constant 7168 : index
    %get3A_1312 = arith.constant 0 : index
    %get3A_1313 = vector.load %arg23[%get3A_1311, %get3A_1312] : memref<8192x256xbf16, #tpu.memory_space<vmem>>, vector<256x256xbf16>
    %dot_general3A_1314 = arith.constant dense<0.000000e+00> : vector<256x256xf32>
    %dot_general3A_1315 = tpu.matmul %convert_element_type3A_466, %get3A_1313, %dot_general3A_1314 {dimension_numbers = #tpu.dot_dimension_numbers<[1], [1], [0], [0], [0, 0, 1, 0], [], []>, transpose_lhs_hint = false} : vector<256x256xbf16>, vector<256x256xbf16>, vector<256x256xf32> -> vector<256x256xf32>
    %mul3A_1316 = arith.mulf %get3A_1313, %get3A_1313 : vector<256x256xbf16>
    %dot_general3A_1317 = arith.constant dense<0.000000e+00> : vector<1x256xf32>
    %dot_general3A_1318 = tpu.matmul %convert_element_type3A_474, %mul3A_1316, %dot_general3A_1317 {dimension_numbers = #tpu.dot_dimension_numbers<[1], [1], [0], [0], [0, 0, 1, 0], [], []>, transpose_lhs_hint = false} : vector<1x256xbf16>, vector<256x256xbf16>, vector<1x256xf32> -> vector<1x256xf32>
    %mul3A_1319 = arith.constant 2.000000e+00 : f32
    %mul3A_1320 = vector.broadcast %mul3A_1319 : f32 to vector<256x256xf32>
    %mul3A_1321 = arith.mulf %mul3A_1320, %dot_general3A_1315 : vector<256x256xf32>
    %sub3A_1322 = vector.broadcast %dot_general3A_1318 : vector<1x256xf32> to vector<256x256xf32>
    %sub3A_1323 = arith.subf %sub3A_1322, %mul3A_1321 : vector<256x256xf32>
    %reduce_min3A_1324 = arith.constant dense<0x7F800000> : vector<256xf32>
    %reduce_min3A_1325 = vector.multi_reduction <minimumf>, %sub3A_1323, %reduce_min3A_1324 [1] : vector<256x256xf32> to vector<256xf32>
    %broadcast_in_dim3A_1326 = vector.shape_cast %reduce_min3A_1325 : vector<256xf32> to vector<256x1xf32>
    %eq3A_1327 = vector.broadcast %broadcast_in_dim3A_1326 : vector<256x1xf32> to vector<256x256xf32>
    %eq3A_1328 = arith.cmpf oeq, %sub3A_1323, %eq3A_1327 : vector<256x256xf32>
    %jit3A_1329 = arith.constant 8.192000e+03 : f32
    %broadcast_in_dim3A_1330 = vector.broadcast %jit3A_1329 : f32 to vector<256x256xf32>
    %select_n3A_1331 = arith.select %eq3A_1328, %convert_element_type3A_471, %broadcast_in_dim3A_1330 : vector<256x256xi1>, vector<256x256xf32>
    %reduce_min3A_1332 = arith.constant dense<0x7F800000> : vector<256xf32>
    %reduce_min3A_1333 = vector.multi_reduction <minimumf>, %select_n3A_1331, %reduce_min3A_1332 [1] : vector<256x256xf32> to vector<256xf32>
    %broadcast_in_dim3A_1334 = vector.shape_cast %reduce_min3A_1333 : vector<256xf32> to vector<256x1xf32>
    %add3A_1335 = arith.constant 7.168000e+03 : f32
    %add3A_1336 = vector.broadcast %add3A_1335 : f32 to vector<256x1xf32>
    %add3A_1337 = arith.addf %broadcast_in_dim3A_1334, %add3A_1336 : vector<256x1xf32>
    %lt3A_1338 = arith.cmpf olt, %broadcast_in_dim3A_1326, %select_n3A_1310 : vector<256x1xf32>
    %select_n3A_1339 = arith.select %lt3A_1338, %add3A_1337, %select_n3A_1309 : vector<256x1xi1>, vector<256x1xf32>
    %select_n3A_1340 = arith.select %lt3A_1338, %broadcast_in_dim3A_1326, %select_n3A_1310 : vector<256x1xi1>, vector<256x1xf32>
    %get3A_1341 = arith.constant 7424 : index
    %get3A_1342 = arith.constant 0 : index
    %get3A_1343 = vector.load %arg23[%get3A_1341, %get3A_1342] : memref<8192x256xbf16, #tpu.memory_space<vmem>>, vector<256x256xbf16>
    %dot_general3A_1344 = arith.constant dense<0.000000e+00> : vector<256x256xf32>
    %dot_general3A_1345 = tpu.matmul %convert_element_type3A_466, %get3A_1343, %dot_general3A_1344 {dimension_numbers = #tpu.dot_dimension_numbers<[1], [1], [0], [0], [0, 0, 1, 0], [], []>, transpose_lhs_hint = false} : vector<256x256xbf16>, vector<256x256xbf16>, vector<256x256xf32> -> vector<256x256xf32>
    %mul3A_1346 = arith.mulf %get3A_1343, %get3A_1343 : vector<256x256xbf16>
    %dot_general3A_1347 = arith.constant dense<0.000000e+00> : vector<1x256xf32>
    %dot_general3A_1348 = tpu.matmul %convert_element_type3A_474, %mul3A_1346, %dot_general3A_1347 {dimension_numbers = #tpu.dot_dimension_numbers<[1], [1], [0], [0], [0, 0, 1, 0], [], []>, transpose_lhs_hint = false} : vector<1x256xbf16>, vector<256x256xbf16>, vector<1x256xf32> -> vector<1x256xf32>
    %mul3A_1349 = arith.constant 2.000000e+00 : f32
    %mul3A_1350 = vector.broadcast %mul3A_1349 : f32 to vector<256x256xf32>
    %mul3A_1351 = arith.mulf %mul3A_1350, %dot_general3A_1345 : vector<256x256xf32>
    %sub3A_1352 = vector.broadcast %dot_general3A_1348 : vector<1x256xf32> to vector<256x256xf32>
    %sub3A_1353 = arith.subf %sub3A_1352, %mul3A_1351 : vector<256x256xf32>
    %reduce_min3A_1354 = arith.constant dense<0x7F800000> : vector<256xf32>
    %reduce_min3A_1355 = vector.multi_reduction <minimumf>, %sub3A_1353, %reduce_min3A_1354 [1] : vector<256x256xf32> to vector<256xf32>
    %broadcast_in_dim3A_1356 = vector.shape_cast %reduce_min3A_1355 : vector<256xf32> to vector<256x1xf32>
    %eq3A_1357 = vector.broadcast %broadcast_in_dim3A_1356 : vector<256x1xf32> to vector<256x256xf32>
    %eq3A_1358 = arith.cmpf oeq, %sub3A_1353, %eq3A_1357 : vector<256x256xf32>
    %jit3A_1359 = arith.constant 8.192000e+03 : f32
    %broadcast_in_dim3A_1360 = vector.broadcast %jit3A_1359 : f32 to vector<256x256xf32>
    %select_n3A_1361 = arith.select %eq3A_1358, %convert_element_type3A_471, %broadcast_in_dim3A_1360 : vector<256x256xi1>, vector<256x256xf32>
    %reduce_min3A_1362 = arith.constant dense<0x7F800000> : vector<256xf32>
    %reduce_min3A_1363 = vector.multi_reduction <minimumf>, %select_n3A_1361, %reduce_min3A_1362 [1] : vector<256x256xf32> to vector<256xf32>
    %broadcast_in_dim3A_1364 = vector.shape_cast %reduce_min3A_1363 : vector<256xf32> to vector<256x1xf32>
    %add3A_1365 = arith.constant 7.424000e+03 : f32
    %add3A_1366 = vector.broadcast %add3A_1365 : f32 to vector<256x1xf32>
    %add3A_1367 = arith.addf %broadcast_in_dim3A_1364, %add3A_1366 : vector<256x1xf32>
    %lt3A_1368 = arith.cmpf olt, %broadcast_in_dim3A_1356, %select_n3A_1340 : vector<256x1xf32>
    %select_n3A_1369 = arith.select %lt3A_1368, %add3A_1367, %select_n3A_1339 : vector<256x1xi1>, vector<256x1xf32>
    %select_n3A_1370 = arith.select %lt3A_1368, %broadcast_in_dim3A_1356, %select_n3A_1340 : vector<256x1xi1>, vector<256x1xf32>
    %get3A_1371 = arith.constant 7680 : index
    %get3A_1372 = arith.constant 0 : index
    %get3A_1373 = vector.load %arg23[%get3A_1371, %get3A_1372] : memref<8192x256xbf16, #tpu.memory_space<vmem>>, vector<256x256xbf16>
    %dot_general3A_1374 = arith.constant dense<0.000000e+00> : vector<256x256xf32>
    %dot_general3A_1375 = tpu.matmul %convert_element_type3A_466, %get3A_1373, %dot_general3A_1374 {dimension_numbers = #tpu.dot_dimension_numbers<[1], [1], [0], [0], [0, 0, 1, 0], [], []>, transpose_lhs_hint = false} : vector<256x256xbf16>, vector<256x256xbf16>, vector<256x256xf32> -> vector<256x256xf32>
    %mul3A_1376 = arith.mulf %get3A_1373, %get3A_1373 : vector<256x256xbf16>
    %dot_general3A_1377 = arith.constant dense<0.000000e+00> : vector<1x256xf32>
    %dot_general3A_1378 = tpu.matmul %convert_element_type3A_474, %mul3A_1376, %dot_general3A_1377 {dimension_numbers = #tpu.dot_dimension_numbers<[1], [1], [0], [0], [0, 0, 1, 0], [], []>, transpose_lhs_hint = false} : vector<1x256xbf16>, vector<256x256xbf16>, vector<1x256xf32> -> vector<1x256xf32>
    %mul3A_1379 = arith.constant 2.000000e+00 : f32
    %mul3A_1380 = vector.broadcast %mul3A_1379 : f32 to vector<256x256xf32>
    %mul3A_1381 = arith.mulf %mul3A_1380, %dot_general3A_1375 : vector<256x256xf32>
    %sub3A_1382 = vector.broadcast %dot_general3A_1378 : vector<1x256xf32> to vector<256x256xf32>
    %sub3A_1383 = arith.subf %sub3A_1382, %mul3A_1381 : vector<256x256xf32>
    %reduce_min3A_1384 = arith.constant dense<0x7F800000> : vector<256xf32>
    %reduce_min3A_1385 = vector.multi_reduction <minimumf>, %sub3A_1383, %reduce_min3A_1384 [1] : vector<256x256xf32> to vector<256xf32>
    %broadcast_in_dim3A_1386 = vector.shape_cast %reduce_min3A_1385 : vector<256xf32> to vector<256x1xf32>
    %eq3A_1387 = vector.broadcast %broadcast_in_dim3A_1386 : vector<256x1xf32> to vector<256x256xf32>
    %eq3A_1388 = arith.cmpf oeq, %sub3A_1383, %eq3A_1387 : vector<256x256xf32>
    %jit3A_1389 = arith.constant 8.192000e+03 : f32
    %broadcast_in_dim3A_1390 = vector.broadcast %jit3A_1389 : f32 to vector<256x256xf32>
    %select_n3A_1391 = arith.select %eq3A_1388, %convert_element_type3A_471, %broadcast_in_dim3A_1390 : vector<256x256xi1>, vector<256x256xf32>
    %reduce_min3A_1392 = arith.constant dense<0x7F800000> : vector<256xf32>
    %reduce_min3A_1393 = vector.multi_reduction <minimumf>, %select_n3A_1391, %reduce_min3A_1392 [1] : vector<256x256xf32> to vector<256xf32>
    %broadcast_in_dim3A_1394 = vector.shape_cast %reduce_min3A_1393 : vector<256xf32> to vector<256x1xf32>
    %add3A_1395 = arith.constant 7.680000e+03 : f32
    %add3A_1396 = vector.broadcast %add3A_1395 : f32 to vector<256x1xf32>
    %add3A_1397 = arith.addf %broadcast_in_dim3A_1394, %add3A_1396 : vector<256x1xf32>
    %lt3A_1398 = arith.cmpf olt, %broadcast_in_dim3A_1386, %select_n3A_1370 : vector<256x1xf32>
    %select_n3A_1399 = arith.select %lt3A_1398, %add3A_1397, %select_n3A_1369 : vector<256x1xi1>, vector<256x1xf32>
    %select_n3A_1400 = arith.select %lt3A_1398, %broadcast_in_dim3A_1386, %select_n3A_1370 : vector<256x1xi1>, vector<256x1xf32>
    %get3A_1401 = arith.constant 7936 : index
    %get3A_1402 = arith.constant 0 : index
    %get3A_1403 = vector.load %arg23[%get3A_1401, %get3A_1402] : memref<8192x256xbf16, #tpu.memory_space<vmem>>, vector<256x256xbf16>
    %dot_general3A_1404 = arith.constant dense<0.000000e+00> : vector<256x256xf32>
    %dot_general3A_1405 = tpu.matmul %convert_element_type3A_466, %get3A_1403, %dot_general3A_1404 {dimension_numbers = #tpu.dot_dimension_numbers<[1], [1], [0], [0], [0, 0, 1, 0], [], []>, transpose_lhs_hint = false} : vector<256x256xbf16>, vector<256x256xbf16>, vector<256x256xf32> -> vector<256x256xf32>
    %mul3A_1406 = arith.mulf %get3A_1403, %get3A_1403 : vector<256x256xbf16>
    %dot_general3A_1407 = arith.constant dense<0.000000e+00> : vector<1x256xf32>
    %dot_general3A_1408 = tpu.matmul %convert_element_type3A_474, %mul3A_1406, %dot_general3A_1407 {dimension_numbers = #tpu.dot_dimension_numbers<[1], [1], [0], [0], [0, 0, 1, 0], [], []>, transpose_lhs_hint = false} : vector<1x256xbf16>, vector<256x256xbf16>, vector<1x256xf32> -> vector<1x256xf32>
    %mul3A_1409 = arith.constant 2.000000e+00 : f32
    %mul3A_1410 = vector.broadcast %mul3A_1409 : f32 to vector<256x256xf32>
    %mul3A_1411 = arith.mulf %mul3A_1410, %dot_general3A_1405 : vector<256x256xf32>
    %sub3A_1412 = vector.broadcast %dot_general3A_1408 : vector<1x256xf32> to vector<256x256xf32>
    %sub3A_1413 = arith.subf %sub3A_1412, %mul3A_1411 : vector<256x256xf32>
    %reduce_min3A_1414 = arith.constant dense<0x7F800000> : vector<256xf32>
    %reduce_min3A_1415 = vector.multi_reduction <minimumf>, %sub3A_1413, %reduce_min3A_1414 [1] : vector<256x256xf32> to vector<256xf32>
    %broadcast_in_dim3A_1416 = vector.shape_cast %reduce_min3A_1415 : vector<256xf32> to vector<256x1xf32>
    %eq3A_1417 = vector.broadcast %broadcast_in_dim3A_1416 : vector<256x1xf32> to vector<256x256xf32>
    %eq3A_1418 = arith.cmpf oeq, %sub3A_1413, %eq3A_1417 : vector<256x256xf32>
    %jit3A_1419 = arith.constant 8.192000e+03 : f32
    %broadcast_in_dim3A_1420 = vector.broadcast %jit3A_1419 : f32 to vector<256x256xf32>
    %select_n3A_1421 = arith.select %eq3A_1418, %convert_element_type3A_471, %broadcast_in_dim3A_1420 : vector<256x256xi1>, vector<256x256xf32>
    %reduce_min3A_1422 = arith.constant dense<0x7F800000> : vector<256xf32>
    %reduce_min3A_1423 = vector.multi_reduction <minimumf>, %select_n3A_1421, %reduce_min3A_1422 [1] : vector<256x256xf32> to vector<256xf32>
    %broadcast_in_dim3A_1424 = vector.shape_cast %reduce_min3A_1423 : vector<256xf32> to vector<256x1xf32>
    %add3A_1425 = arith.constant 7.936000e+03 : f32
    %add3A_1426 = vector.broadcast %add3A_1425 : f32 to vector<256x1xf32>
    %add3A_1427 = arith.addf %broadcast_in_dim3A_1424, %add3A_1426 : vector<256x1xf32>
    %lt3A_1428 = arith.cmpf olt, %broadcast_in_dim3A_1416, %select_n3A_1400 : vector<256x1xf32>
    %select_n3A_1429 = arith.select %lt3A_1428, %add3A_1427, %select_n3A_1399 : vector<256x1xi1>, vector<256x1xf32>
    %convert_element_type3A_1430 = arith.fptosi %select_n3A_1429 : vector<256x1xf32> to vector<256x1xi32>
    %swap3A_1431 = arith.constant 0 : index
    %swap3A_1432 = arith.constant 0 : index
    %swap3A_1433 = vector.load %arg22[%swap3A_1431, %swap3A_1432] : memref<256x1xi32, #tpu.memory_space<vmem>>, vector<256x1xi32>
    tpu.vector_store %arg22[%swap3A_1431, %swap3A_1432], %convert_element_type3A_1430 {strides = array<i32>} : memref<256x1xi32, #tpu.memory_space<vmem>>, vector<256x1xi32>,
    return
  }
  func.func @transform_0(%arg0: i32) -> (i32, i32) {
    %c0_i32 = arith.constant 0 : i32
    %c0_i32_0 = arith.constant 0 : i32
    return %arg0, %c0_i32 : i32, i32
  }
  func.func @transform_1(%arg0: i32) -> (i32, i32) {
    %c0_i32 = arith.constant 0 : i32
    %c0_i32_0 = arith.constant 0 : i32
    %c0_i32_1 = arith.constant 0 : i32
    return %c0_i32, %c0_i32_0 : i32, i32
  }
  func.func @transform_2(%arg0: i32) -> (i32, i32) {
    %c0_i32 = arith.constant 0 : i32
    %c0_i32_0 = arith.constant 0 : i32
    %c0_i32_1 = arith.constant 0 : i32
    return %c0_i32, %c0_i32_0 : i32, i32
  }
  func.func @transform_3(%arg0: i32) -> (i32, i32) {
    %c0_i32 = arith.constant 0 : i32
    %c0_i32_0 = arith.constant 0 : i32
    %c0_i32_1 = arith.constant 0 : i32
    return %c0_i32, %c0_i32_0 : i32, i32
  }
  func.func @transform_4(%arg0: i32) -> (i32, i32) {
    %c0_i32 = arith.constant 0 : i32
    %c0_i32_0 = arith.constant 0 : i32
    %c0_i32_1 = arith.constant 0 : i32
    return %c0_i32, %c0_i32_0 : i32, i32
  }
  func.func @transform_5(%arg0: i32) -> (i32, i32) {
    %c0_i32 = arith.constant 0 : i32
    %c0_i32_0 = arith.constant 0 : i32
    %c0_i32_1 = arith.constant 0 : i32
    return %c0_i32, %c0_i32_0 : i32, i32
  }
  func.func @transform_6(%arg0: i32) -> (i32, i32) {
    %c0_i32 = arith.constant 0 : i32
    %c0_i32_0 = arith.constant 0 : i32
    %c0_i32_1 = arith.constant 0 : i32
    return %c0_i32, %c0_i32_0 : i32, i32
  }
  func.func @transform_7(%arg0: i32) -> (i32, i32) {
    %c0_i32 = arith.constant 0 : i32
    %c0_i32_0 = arith.constant 0 : i32
    %c0_i32_1 = arith.constant 0 : i32
    return %c0_i32, %c0_i32_0 : i32, i32
  }
  func.func @transform_8(%arg0: i32) -> (i32, i32) {
    %c0_i32 = arith.constant 0 : i32
    %c0_i32_0 = arith.constant 0 : i32
    %c0_i32_1 = arith.constant 0 : i32
    return %c0_i32, %c0_i32_0 : i32, i32
  }
  func.func @transform_9(%arg0: i32) -> (i32, i32) {
    %c0_i32 = arith.constant 0 : i32
    %c0_i32_0 = arith.constant 0 : i32
    %c0_i32_1 = arith.constant 0 : i32
    return %c0_i32, %c0_i32_0 : i32, i32
  }
  func.func @transform_10(%arg0: i32) -> (i32, i32) {
    %c0_i32 = arith.constant 0 : i32
    %c0_i32_0 = arith.constant 0 : i32
    %c0_i32_1 = arith.constant 0 : i32
    return %c0_i32, %c0_i32_0 : i32, i32
  }
  func.func @transform_11(%arg0: i32) -> (i32, i32) {
    %c0_i32 = arith.constant 0 : i32
    %c0_i32_0 = arith.constant 0 : i32
    %c0_i32_1 = arith.constant 0 : i32
    return %c0_i32, %c0_i32_0 : i32, i32
  }
  func.func @transform_12(%arg0: i32) -> (i32, i32) {
    %c0_i32 = arith.constant 0 : i32
    %c0_i32_0 = arith.constant 0 : i32
    %c0_i32_1 = arith.constant 0 : i32
    return %c0_i32, %c0_i32_0 : i32, i32
  }
  func.func @transform_13(%arg0: i32) -> (i32, i32) {
    %c0_i32 = arith.constant 0 : i32
    %c0_i32_0 = arith.constant 0 : i32
    %c0_i32_1 = arith.constant 0 : i32
    return %c0_i32, %c0_i32_0 : i32, i32
  }
  func.func @transform_14(%arg0: i32) -> (i32, i32) {
    %c0_i32 = arith.constant 0 : i32
    %c0_i32_0 = arith.constant 0 : i32
    %c0_i32_1 = arith.constant 0 : i32
    return %c0_i32, %c0_i32_0 : i32, i32
  }
  func.func @transform_15(%arg0: i32) -> (i32, i32) {
    %c0_i32 = arith.constant 0 : i32
    %c0_i32_0 = arith.constant 0 : i32
    %c0_i32_1 = arith.constant 0 : i32
    return %c0_i32, %c0_i32_0 : i32, i32
  }
  func.func @transform_16(%arg0: i32) -> (i32, i32) {
    %c0_i32 = arith.constant 0 : i32
    %c0_i32_0 = arith.constant 0 : i32
    %c0_i32_1 = arith.constant 0 : i32
    return %c0_i32, %c0_i32_0 : i32, i32
  }
  func.func @transform_17(%arg0: i32) -> (i32, i32) {
    %c0_i32 = arith.constant 0 : i32
    %c0_i32_0 = arith.constant 0 : i32
    %c0_i32_1 = arith.constant 0 : i32
    return %c0_i32, %c0_i32_0 : i32, i32
  }
  func.func @transform_18(%arg0: i32) -> (i32, i32) {
    %c0_i32 = arith.constant 0 : i32
    %c0_i32_0 = arith.constant 0 : i32
    %c0_i32_1 = arith.constant 0 : i32
    return %c0_i32, %c0_i32_0 : i32, i32
  }
  func.func @transform_19(%arg0: i32) -> (i32, i32) {
    %c0_i32 = arith.constant 0 : i32
    %c0_i32_0 = arith.constant 0 : i32
    %c0_i32_1 = arith.constant 0 : i32
    return %c0_i32, %c0_i32_0 : i32, i32
  }
  func.func @transform_20(%arg0: i32) -> (i32, i32) {
    %c0_i32 = arith.constant 0 : i32
    %c0_i32_0 = arith.constant 0 : i32
    return %arg0, %c0_i32 : i32, i32
  }
  func.func @transform_21(%arg0: i32) -> (i32, i32) {
    %c0_i32 = arith.constant 0 : i32
    %c0_i32_0 = arith.constant 0 : i32
    return %arg0, %c0_i32 : i32, i32
  }
}

module attributes {stable_mosaic.version = 14 : i64} {
  func.func @body(%arg0: i32, %arg1: memref<256x256xf32, #tpu.memory_space<vmem>>, %arg2: memref<256x768xbf16, #tpu.memory_space<vmem>>, %arg3: memref<1x768xf32, #tpu.memory_space<vmem>>, %arg4: memref<1x768xf32, #tpu.memory_space<vmem>>, %arg5: memref<1x768xf32, #tpu.memory_space<vmem>>, %arg6: memref<768x2304xbf16, #tpu.memory_space<vmem>>, %arg7: memref<1x2304xf32, #tpu.memory_space<vmem>>, %arg8: memref<768x768xbf16, #tpu.memory_space<vmem>>, %arg9: memref<1x768xf32, #tpu.memory_space<vmem>>, %arg10: memref<1x768xf32, #tpu.memory_space<vmem>>, %arg11: memref<1x768xf32, #tpu.memory_space<vmem>>, %arg12: memref<768x3072xbf16, #tpu.memory_space<vmem>>, %arg13: memref<1x3072xf32, #tpu.memory_space<vmem>>, %arg14: memref<3072x768xbf16, #tpu.memory_space<vmem>>, %arg15: memref<1x768xf32, #tpu.memory_space<vmem>>, %arg16: memref<768x768xf32, #tpu.memory_space<vmem>>, %arg17: memref<1x768xf32, #tpu.memory_space<vmem>>, %arg18: memref<768x800xf32, #tpu.memory_space<vmem>>, %arg19: memref<1x800xf32, #tpu.memory_space<vmem>>, %arg20: memref<256x800xf32, #tpu.memory_space<vmem>>, %arg21: memref<256x256xf32, #tpu.memory_space<vmem>>, %arg22: memref<1x1xf32, #tpu.memory_space<vmem>>) attributes {dimension_semantics = [#tpu.dimension_semantics<arbitrary>], iteration_bounds = array<i64: 16>, scalar_prefetch = 0 : i64, scratch_operands = 0 : i64, tpu.core_type = #tpu.core_type<tc>, window_params = [{transform_indices = @transform_0, window_bounds = array<i64: 256, 256>}, {pipeline_mode = #tpu.pipeline_mode<synchronous>, transform_indices = @transform_1, window_bounds = array<i64: 256, 768>}, {pipeline_mode = #tpu.pipeline_mode<synchronous>, transform_indices = @transform_2, window_bounds = array<i64: 1, 768>}, {pipeline_mode = #tpu.pipeline_mode<synchronous>, transform_indices = @transform_3, window_bounds = array<i64: 1, 768>}, {pipeline_mode = #tpu.pipeline_mode<synchronous>, transform_indices = @transform_4, window_bounds = array<i64: 1, 768>}, {pipeline_mode = #tpu.pipeline_mode<synchronous>, transform_indices = @transform_5, window_bounds = array<i64: 768, 2304>}, {pipeline_mode = #tpu.pipeline_mode<synchronous>, transform_indices = @transform_6, window_bounds = array<i64: 1, 2304>}, {pipeline_mode = #tpu.pipeline_mode<synchronous>, transform_indices = @transform_7, window_bounds = array<i64: 768, 768>}, {pipeline_mode = #tpu.pipeline_mode<synchronous>, transform_indices = @transform_8, window_bounds = array<i64: 1, 768>}, {pipeline_mode = #tpu.pipeline_mode<synchronous>, transform_indices = @transform_9, window_bounds = array<i64: 1, 768>}, {pipeline_mode = #tpu.pipeline_mode<synchronous>, transform_indices = @transform_10, window_bounds = array<i64: 1, 768>}, {pipeline_mode = #tpu.pipeline_mode<synchronous>, transform_indices = @transform_11, window_bounds = array<i64: 768, 3072>}, {pipeline_mode = #tpu.pipeline_mode<synchronous>, transform_indices = @transform_12, window_bounds = array<i64: 1, 3072>}, {pipeline_mode = #tpu.pipeline_mode<synchronous>, transform_indices = @transform_13, window_bounds = array<i64: 3072, 768>}, {pipeline_mode = #tpu.pipeline_mode<synchronous>, transform_indices = @transform_14, window_bounds = array<i64: 1, 768>}, {pipeline_mode = #tpu.pipeline_mode<synchronous>, transform_indices = @transform_15, window_bounds = array<i64: 768, 768>}, {pipeline_mode = #tpu.pipeline_mode<synchronous>, transform_indices = @transform_16, window_bounds = array<i64: 1, 768>}, {pipeline_mode = #tpu.pipeline_mode<synchronous>, transform_indices = @transform_17, window_bounds = array<i64: 768, 800>}, {pipeline_mode = #tpu.pipeline_mode<synchronous>, transform_indices = @transform_18, window_bounds = array<i64: 1, 800>}, {transform_indices = @transform_19, window_bounds = array<i64: 256, 800>}, {transform_indices = @transform_20, window_bounds = array<i64: 256, 256>}, {pipeline_mode = #tpu.pipeline_mode<synchronous>, transform_indices = @transform_21, window_bounds = array<i64: 1, 1>}]} {
    %eq3A = arith.constant 0 : i32
    %eq3A_0 = arith.cmpi eq, %arg0, %eq3A : i32
    %convert_element_type3A = arith.extui %eq3A_0 : i1 to i32
    %cond3A = arith.constant 0 : i32
    %cond3A_1 = arith.cmpi ne, %convert_element_type3A, %cond3A : i32
    scf.if %cond3A_1 {
      %broadcast_in_dim3A_495 = arith.constant 0.000000e+00 : f32
      %broadcast_in_dim3A_496 = vector.broadcast %broadcast_in_dim3A_495 : f32 to vector<1x1xf32>
      %swap3A_497 = arith.constant 0 : index
      %swap3A_498 = arith.constant 0 : index
      %swap3A_499 = vector.load %arg22[%swap3A_497, %swap3A_498] : memref<1x1xf32, #tpu.memory_space<vmem>>, vector<1x1xf32>
      tpu.vector_store %arg22[%swap3A_497, %swap3A_498], %broadcast_in_dim3A_496 {strides = array<i32>} : memref<1x1xf32, #tpu.memory_space<vmem>>, vector<1x1xf32>,
    } else {
    }
    %get3A = arith.constant 0 : index
    %get3A_2 = arith.constant 0 : index
    %get3A_3 = vector.load %arg1[%get3A, %get3A_2] : memref<256x256xf32, #tpu.memory_space<vmem>>, vector<256x256xf32>
    %mul3A = arith.mulf %get3A_3, %get3A_3 : vector<256x256xf32>
    %reduce_sum3A = arith.constant dense<0.000000e+00> : vector<256xf32>
    %reduce_sum3A_4 = vector.multi_reduction <add>, %mul3A, %reduce_sum3A [1] : vector<256x256xf32> to vector<256xf32>
    %broadcast_in_dim3A = vector.shape_cast %reduce_sum3A_4 : vector<256xf32> to vector<256x1xf32>
    %sqrt3A = math.sqrt %broadcast_in_dim3A : vector<256x1xf32>
    %max3A = arith.constant 9.99999996E-13 : f32
    %max3A_5 = vector.broadcast %max3A : f32 to vector<256x1xf32>
    %max3A_6 = arith.maximumf %sqrt3A, %max3A_5 : vector<256x1xf32>
    %div3A = vector.broadcast %max3A_6 : vector<256x1xf32> to vector<256x256xf32>
    %div3A_7 = arith.divf %get3A_3, %div3A : vector<256x256xf32>
    %get3A_8 = arith.constant 0 : index
    %get3A_9 = arith.constant 0 : index
    %get3A_10 = vector.load %arg21[%get3A_8, %get3A_9] : memref<256x256xf32, #tpu.memory_space<vmem>>, vector<256x256xf32>
    %sub3A = arith.subf %get3A_10, %div3A_7 : vector<256x256xf32>
    %mul3A_11 = arith.mulf %sub3A, %sub3A : vector<256x256xf32>
    %reduce_sum3A_12 = vector.shape_cast %mul3A_11 : vector<256x256xf32> to vector<1x256x256xf32>
    %reduce_sum3A_13 = arith.constant dense<0.000000e+00> : vector<1xf32>
    %reduce_sum3A_14 = vector.multi_reduction <add>, %reduce_sum3A_12, %reduce_sum3A_13 [1, 2] : vector<1x256x256xf32> to vector<1xf32>
    %reduce_sum3A_15 = vector.shape_cast %reduce_sum3A_14 : vector<1xf32> to vector<1x1x1xf32>
    %reduce_sum3A_16 = vector.extract %reduce_sum3A_15[0, 0, 0] : f32 from vector<1x1x1xf32>
    %get3A_17 = arith.constant 0 : index
    %get3A_18 = arith.constant 0 : index
    %get3A_19 = vector.load %arg2[%get3A_17, %get3A_18] : memref<256x768xbf16, #tpu.memory_space<vmem>>, vector<256x768xbf16>
    %get3A_20 = arith.constant 0 : index
    %get3A_21 = arith.constant 0 : index
    %get3A_22 = vector.load %arg3[%get3A_20, %get3A_21] : memref<1x768xf32, #tpu.memory_space<vmem>>, vector<1x768xf32>
    %get3A_23 = arith.constant 0 : index
    %get3A_24 = arith.constant 0 : index
    %get3A_25 = vector.load %arg4[%get3A_23, %get3A_24] : memref<1x768xf32, #tpu.memory_space<vmem>>, vector<1x768xf32>
    %get3A_26 = arith.constant 0 : index
    %get3A_27 = arith.constant 0 : index
    %get3A_28 = vector.load %arg5[%get3A_26, %get3A_27] : memref<1x768xf32, #tpu.memory_space<vmem>>, vector<1x768xf32>
    %get3A_29 = arith.constant 0 : index
    %get3A_30 = arith.constant 0 : index
    %get3A_31 = vector.load %arg6[%get3A_29, %get3A_30] : memref<768x2304xbf16, #tpu.memory_space<vmem>>, vector<768x2304xbf16>
    %get3A_32 = arith.constant 0 : index
    %get3A_33 = arith.constant 0 : index
    %get3A_34 = vector.load %arg7[%get3A_32, %get3A_33] : memref<1x2304xf32, #tpu.memory_space<vmem>>, vector<1x2304xf32>
    %get3A_35 = arith.constant 0 : index
    %get3A_36 = arith.constant 0 : index
    %get3A_37 = vector.load %arg8[%get3A_35, %get3A_36] : memref<768x768xbf16, #tpu.memory_space<vmem>>, vector<768x768xbf16>
    %get3A_38 = arith.constant 0 : index
    %get3A_39 = arith.constant 0 : index
    %get3A_40 = vector.load %arg9[%get3A_38, %get3A_39] : memref<1x768xf32, #tpu.memory_space<vmem>>, vector<1x768xf32>
    %get3A_41 = arith.constant 0 : index
    %get3A_42 = arith.constant 0 : index
    %get3A_43 = vector.load %arg10[%get3A_41, %get3A_42] : memref<1x768xf32, #tpu.memory_space<vmem>>, vector<1x768xf32>
    %get3A_44 = arith.constant 0 : index
    %get3A_45 = arith.constant 0 : index
    %get3A_46 = vector.load %arg11[%get3A_44, %get3A_45] : memref<1x768xf32, #tpu.memory_space<vmem>>, vector<1x768xf32>
    %get3A_47 = arith.constant 0 : index
    %get3A_48 = arith.constant 0 : index
    %get3A_49 = vector.load %arg12[%get3A_47, %get3A_48] : memref<768x3072xbf16, #tpu.memory_space<vmem>>, vector<768x3072xbf16>
    %get3A_50 = arith.constant 0 : index
    %get3A_51 = arith.constant 0 : index
    %get3A_52 = vector.load %arg13[%get3A_50, %get3A_51] : memref<1x3072xf32, #tpu.memory_space<vmem>>, vector<1x3072xf32>
    %get3A_53 = arith.constant 0 : index
    %get3A_54 = arith.constant 0 : index
    %get3A_55 = vector.load %arg14[%get3A_53, %get3A_54] : memref<3072x768xbf16, #tpu.memory_space<vmem>>, vector<3072x768xbf16>
    %get3A_56 = arith.constant 0 : index
    %get3A_57 = arith.constant 0 : index
    %get3A_58 = vector.load %arg15[%get3A_56, %get3A_57] : memref<1x768xf32, #tpu.memory_space<vmem>>, vector<1x768xf32>
    %convert_element_type3A_59 = arith.truncf %get3A_3 : vector<256x256xf32> to vector<256x256xbf16>
    %dot_general3A = arith.constant dense<0.000000e+00> : vector<256x768xf32>
    %dot_general3A_60 = tpu.matmul %convert_element_type3A_59, %get3A_19, %dot_general3A {dimension_numbers = #tpu.dot_dimension_numbers<[1], [0], [0], [1], [0, 0, 1, 1], [], []>, transpose_lhs_hint = false} : vector<256x256xbf16>, vector<256x768xbf16>, vector<256x768xf32> -> vector<256x768xf32>
    %add3A = vector.broadcast %get3A_22 : vector<1x768xf32> to vector<256x768xf32>
    %add3A_61 = arith.addf %dot_general3A_60, %add3A : vector<256x768xf32>
    %reduce_sum3A_62 = arith.constant dense<0.000000e+00> : vector<256xf32>
    %reduce_sum3A_63 = vector.multi_reduction <add>, %add3A_61, %reduce_sum3A_62 [1] : vector<256x768xf32> to vector<256xf32>
    %broadcast_in_dim3A_64 = vector.shape_cast %reduce_sum3A_63 : vector<256xf32> to vector<256x1xf32>
    %div3A_65 = arith.constant 7.680000e+02 : f32
    %div3A_66 = vector.broadcast %div3A_65 : f32 to vector<256x1xf32>
    %div3A_67 = arith.divf %broadcast_in_dim3A_64, %div3A_66 : vector<256x1xf32>
    %sub3A_68 = vector.broadcast %div3A_67 : vector<256x1xf32> to vector<256x768xf32>
    %sub3A_69 = arith.subf %add3A_61, %sub3A_68 : vector<256x768xf32>
    %integer_pow3A = arith.mulf %sub3A_69, %sub3A_69 : vector<256x768xf32>
    %reduce_sum3A_70 = arith.constant dense<0.000000e+00> : vector<256xf32>
    %reduce_sum3A_71 = vector.multi_reduction <add>, %integer_pow3A, %reduce_sum3A_70 [1] : vector<256x768xf32> to vector<256xf32>
    %broadcast_in_dim3A_72 = vector.shape_cast %reduce_sum3A_71 : vector<256xf32> to vector<256x1xf32>
    %div3A_73 = arith.constant 7.680000e+02 : f32
    %div3A_74 = vector.broadcast %div3A_73 : f32 to vector<256x1xf32>
    %div3A_75 = arith.divf %broadcast_in_dim3A_72, %div3A_74 : vector<256x1xf32>
    %sub3A_76 = vector.broadcast %div3A_67 : vector<256x1xf32> to vector<256x768xf32>
    %sub3A_77 = arith.subf %add3A_61, %sub3A_76 : vector<256x768xf32>
    %mul3A_78 = vector.broadcast %get3A_25 : vector<1x768xf32> to vector<256x768xf32>
    %mul3A_79 = arith.mulf %mul3A_78, %sub3A_77 : vector<256x768xf32>
    %add3A_80 = arith.constant 9.99999974E-6 : f32
    %add3A_81 = vector.broadcast %add3A_80 : f32 to vector<256x1xf32>
    %add3A_82 = arith.addf %div3A_75, %add3A_81 : vector<256x1xf32>
    %sqrt3A_83 = math.sqrt %add3A_82 : vector<256x1xf32>
    %div3A_84 = vector.broadcast %sqrt3A_83 : vector<256x1xf32> to vector<256x768xf32>
    %div3A_85 = arith.divf %mul3A_79, %div3A_84 : vector<256x768xf32>
    %add3A_86 = vector.broadcast %get3A_28 : vector<1x768xf32> to vector<256x768xf32>
    %add3A_87 = arith.addf %div3A_85, %add3A_86 : vector<256x768xf32>
    %convert_element_type3A_88 = arith.truncf %add3A_87 : vector<256x768xf32> to vector<256x768xbf16>
    %dot_general3A_89 = arith.constant dense<0.000000e+00> : vector<256x2304xf32>
    %dot_general3A_90 = tpu.matmul %convert_element_type3A_88, %get3A_31, %dot_general3A_89 {dimension_numbers = #tpu.dot_dimension_numbers<[1], [0], [0], [1], [0, 0, 1, 1], [], []>, transpose_lhs_hint = false} : vector<256x768xbf16>, vector<768x2304xbf16>, vector<256x2304xf32> -> vector<256x2304xf32>
    %add3A_91 = vector.broadcast %get3A_34 : vector<1x2304xf32> to vector<256x2304xf32>
    %add3A_92 = arith.addf %dot_general3A_90, %add3A_91 : vector<256x2304xf32>
    %convert_element_type3A_93 = arith.truncf %add3A_92 : vector<256x2304xf32> to vector<256x2304xbf16>
    %slice3A = vector.extract_strided_slice %convert_element_type3A_93 {offsets = [0, 0], sizes = [256, 64], strides = [1, 1]} : vector<256x2304xbf16> to vector<256x64xbf16>
    %slice3A_94 = vector.extract_strided_slice %convert_element_type3A_93 {offsets = [0, 768], sizes = [256, 64], strides = [1, 1]} : vector<256x2304xbf16> to vector<256x64xbf16>
    %slice3A_95 = vector.extract_strided_slice %convert_element_type3A_93 {offsets = [0, 1536], sizes = [256, 64], strides = [1, 1]} : vector<256x2304xbf16> to vector<256x64xbf16>
    %dot_general3A_96 = arith.constant dense<0.000000e+00> : vector<256x256xf32>
    %dot_general3A_97 = tpu.matmul %slice3A, %slice3A_94, %dot_general3A_96 {dimension_numbers = #tpu.dot_dimension_numbers<[1], [1], [0], [0], [0, 0, 1, 0], [], []>, transpose_lhs_hint = false} : vector<256x64xbf16>, vector<256x64xbf16>, vector<256x256xf32> -> vector<256x256xf32>
    %mul3A_98 = arith.constant 1.250000e-01 : f32
    %mul3A_99 = vector.broadcast %mul3A_98 : f32 to vector<256x256xf32>
    %mul3A_100 = arith.mulf %dot_general3A_97, %mul3A_99 : vector<256x256xf32>
    %reduce_max3A = arith.constant dense<0xFF800000> : vector<256xf32>
    %reduce_max3A_101 = vector.multi_reduction <maximumf>, %mul3A_100, %reduce_max3A [1] : vector<256x256xf32> to vector<256xf32>
    %broadcast_in_dim3A_102 = vector.shape_cast %reduce_max3A_101 : vector<256xf32> to vector<256x1xf32>
    %sub3A_103 = vector.broadcast %broadcast_in_dim3A_102 : vector<256x1xf32> to vector<256x256xf32>
    %sub3A_104 = arith.subf %mul3A_100, %sub3A_103 : vector<256x256xf32>
    %exp3A = math.exp %sub3A_104 : vector<256x256xf32>
    %reduce_sum3A_105 = arith.constant dense<0.000000e+00> : vector<256xf32>
    %reduce_sum3A_106 = vector.multi_reduction <add>, %exp3A, %reduce_sum3A_105 [1] : vector<256x256xf32> to vector<256xf32>
    %broadcast_in_dim3A_107 = vector.shape_cast %reduce_sum3A_106 : vector<256xf32> to vector<256x1xf32>
    %div3A_108 = arith.constant 1.000000e+00 : f32
    %div3A_109 = vector.broadcast %div3A_108 : f32 to vector<256x1xf32>
    %div3A_110 = arith.divf %div3A_109, %broadcast_in_dim3A_107 : vector<256x1xf32>
    %convert_element_type3A_111 = arith.truncf %exp3A : vector<256x256xf32> to vector<256x256xbf16>
    %dot_general3A_112 = arith.constant dense<0.000000e+00> : vector<256x64xf32>
    %dot_general3A_113 = tpu.matmul %convert_element_type3A_111, %slice3A_95, %dot_general3A_112 {dimension_numbers = #tpu.dot_dimension_numbers<[1], [0], [0], [1], [0, 0, 1, 1], [], []>, transpose_lhs_hint = false} : vector<256x256xbf16>, vector<256x64xbf16>, vector<256x64xf32> -> vector<256x64xf32>
    %mul3A_114 = vector.broadcast %div3A_110 : vector<256x1xf32> to vector<256x64xf32>
    %mul3A_115 = arith.mulf %dot_general3A_113, %mul3A_114 : vector<256x64xf32>
    %slice3A_116 = vector.extract_strided_slice %convert_element_type3A_93 {offsets = [0, 64], sizes = [256, 64], strides = [1, 1]} : vector<256x2304xbf16> to vector<256x64xbf16>
    %slice3A_117 = vector.extract_strided_slice %convert_element_type3A_93 {offsets = [0, 832], sizes = [256, 64], strides = [1, 1]} : vector<256x2304xbf16> to vector<256x64xbf16>
    %slice3A_118 = vector.extract_strided_slice %convert_element_type3A_93 {offsets = [0, 1600], sizes = [256, 64], strides = [1, 1]} : vector<256x2304xbf16> to vector<256x64xbf16>
    %dot_general3A_119 = arith.constant dense<0.000000e+00> : vector<256x256xf32>
    %dot_general3A_120 = tpu.matmul %slice3A_116, %slice3A_117, %dot_general3A_119 {dimension_numbers = #tpu.dot_dimension_numbers<[1], [1], [0], [0], [0, 0, 1, 0], [], []>, transpose_lhs_hint = false} : vector<256x64xbf16>, vector<256x64xbf16>, vector<256x256xf32> -> vector<256x256xf32>
    %mul3A_121 = arith.constant 1.250000e-01 : f32
    %mul3A_122 = vector.broadcast %mul3A_121 : f32 to vector<256x256xf32>
    %mul3A_123 = arith.mulf %dot_general3A_120, %mul3A_122 : vector<256x256xf32>
    %reduce_max3A_124 = arith.constant dense<0xFF800000> : vector<256xf32>
    %reduce_max3A_125 = vector.multi_reduction <maximumf>, %mul3A_123, %reduce_max3A_124 [1] : vector<256x256xf32> to vector<256xf32>
    %broadcast_in_dim3A_126 = vector.shape_cast %reduce_max3A_125 : vector<256xf32> to vector<256x1xf32>
    %sub3A_127 = vector.broadcast %broadcast_in_dim3A_126 : vector<256x1xf32> to vector<256x256xf32>
    %sub3A_128 = arith.subf %mul3A_123, %sub3A_127 : vector<256x256xf32>
    %exp3A_129 = math.exp %sub3A_128 : vector<256x256xf32>
    %reduce_sum3A_130 = arith.constant dense<0.000000e+00> : vector<256xf32>
    %reduce_sum3A_131 = vector.multi_reduction <add>, %exp3A_129, %reduce_sum3A_130 [1] : vector<256x256xf32> to vector<256xf32>
    %broadcast_in_dim3A_132 = vector.shape_cast %reduce_sum3A_131 : vector<256xf32> to vector<256x1xf32>
    %div3A_133 = arith.constant 1.000000e+00 : f32
    %div3A_134 = vector.broadcast %div3A_133 : f32 to vector<256x1xf32>
    %div3A_135 = arith.divf %div3A_134, %broadcast_in_dim3A_132 : vector<256x1xf32>
    %convert_element_type3A_136 = arith.truncf %exp3A_129 : vector<256x256xf32> to vector<256x256xbf16>
    %dot_general3A_137 = arith.constant dense<0.000000e+00> : vector<256x64xf32>
    %dot_general3A_138 = tpu.matmul %convert_element_type3A_136, %slice3A_118, %dot_general3A_137 {dimension_numbers = #tpu.dot_dimension_numbers<[1], [0], [0], [1], [0, 0, 1, 1], [], []>, transpose_lhs_hint = false} : vector<256x256xbf16>, vector<256x64xbf16>, vector<256x64xf32> -> vector<256x64xf32>
    %mul3A_139 = vector.broadcast %div3A_135 : vector<256x1xf32> to vector<256x64xf32>
    %mul3A_140 = arith.mulf %dot_general3A_138, %mul3A_139 : vector<256x64xf32>
    %slice3A_141 = vector.extract_strided_slice %convert_element_type3A_93 {offsets = [0, 128], sizes = [256, 64], strides = [1, 1]} : vector<256x2304xbf16> to vector<256x64xbf16>
    %slice3A_142 = vector.extract_strided_slice %convert_element_type3A_93 {offsets = [0, 896], sizes = [256, 64], strides = [1, 1]} : vector<256x2304xbf16> to vector<256x64xbf16>
    %slice3A_143 = vector.extract_strided_slice %convert_element_type3A_93 {offsets = [0, 1664], sizes = [256, 64], strides = [1, 1]} : vector<256x2304xbf16> to vector<256x64xbf16>
    %dot_general3A_144 = arith.constant dense<0.000000e+00> : vector<256x256xf32>
    %dot_general3A_145 = tpu.matmul %slice3A_141, %slice3A_142, %dot_general3A_144 {dimension_numbers = #tpu.dot_dimension_numbers<[1], [1], [0], [0], [0, 0, 1, 0], [], []>, transpose_lhs_hint = false} : vector<256x64xbf16>, vector<256x64xbf16>, vector<256x256xf32> -> vector<256x256xf32>
    %mul3A_146 = arith.constant 1.250000e-01 : f32
    %mul3A_147 = vector.broadcast %mul3A_146 : f32 to vector<256x256xf32>
    %mul3A_148 = arith.mulf %dot_general3A_145, %mul3A_147 : vector<256x256xf32>
    %reduce_max3A_149 = arith.constant dense<0xFF800000> : vector<256xf32>
    %reduce_max3A_150 = vector.multi_reduction <maximumf>, %mul3A_148, %reduce_max3A_149 [1] : vector<256x256xf32> to vector<256xf32>
    %broadcast_in_dim3A_151 = vector.shape_cast %reduce_max3A_150 : vector<256xf32> to vector<256x1xf32>
    %sub3A_152 = vector.broadcast %broadcast_in_dim3A_151 : vector<256x1xf32> to vector<256x256xf32>
    %sub3A_153 = arith.subf %mul3A_148, %sub3A_152 : vector<256x256xf32>
    %exp3A_154 = math.exp %sub3A_153 : vector<256x256xf32>
    %reduce_sum3A_155 = arith.constant dense<0.000000e+00> : vector<256xf32>
    %reduce_sum3A_156 = vector.multi_reduction <add>, %exp3A_154, %reduce_sum3A_155 [1] : vector<256x256xf32> to vector<256xf32>
    %broadcast_in_dim3A_157 = vector.shape_cast %reduce_sum3A_156 : vector<256xf32> to vector<256x1xf32>
    %div3A_158 = arith.constant 1.000000e+00 : f32
    %div3A_159 = vector.broadcast %div3A_158 : f32 to vector<256x1xf32>
    %div3A_160 = arith.divf %div3A_159, %broadcast_in_dim3A_157 : vector<256x1xf32>
    %convert_element_type3A_161 = arith.truncf %exp3A_154 : vector<256x256xf32> to vector<256x256xbf16>
    %dot_general3A_162 = arith.constant dense<0.000000e+00> : vector<256x64xf32>
    %dot_general3A_163 = tpu.matmul %convert_element_type3A_161, %slice3A_143, %dot_general3A_162 {dimension_numbers = #tpu.dot_dimension_numbers<[1], [0], [0], [1], [0, 0, 1, 1], [], []>, transpose_lhs_hint = false} : vector<256x256xbf16>, vector<256x64xbf16>, vector<256x64xf32> -> vector<256x64xf32>
    %mul3A_164 = vector.broadcast %div3A_160 : vector<256x1xf32> to vector<256x64xf32>
    %mul3A_165 = arith.mulf %dot_general3A_163, %mul3A_164 : vector<256x64xf32>
    %slice3A_166 = vector.extract_strided_slice %convert_element_type3A_93 {offsets = [0, 192], sizes = [256, 64], strides = [1, 1]} : vector<256x2304xbf16> to vector<256x64xbf16>
    %slice3A_167 = vector.extract_strided_slice %convert_element_type3A_93 {offsets = [0, 960], sizes = [256, 64], strides = [1, 1]} : vector<256x2304xbf16> to vector<256x64xbf16>
    %slice3A_168 = vector.extract_strided_slice %convert_element_type3A_93 {offsets = [0, 1728], sizes = [256, 64], strides = [1, 1]} : vector<256x2304xbf16> to vector<256x64xbf16>
    %dot_general3A_169 = arith.constant dense<0.000000e+00> : vector<256x256xf32>
    %dot_general3A_170 = tpu.matmul %slice3A_166, %slice3A_167, %dot_general3A_169 {dimension_numbers = #tpu.dot_dimension_numbers<[1], [1], [0], [0], [0, 0, 1, 0], [], []>, transpose_lhs_hint = false} : vector<256x64xbf16>, vector<256x64xbf16>, vector<256x256xf32> -> vector<256x256xf32>
    %mul3A_171 = arith.constant 1.250000e-01 : f32
    %mul3A_172 = vector.broadcast %mul3A_171 : f32 to vector<256x256xf32>
    %mul3A_173 = arith.mulf %dot_general3A_170, %mul3A_172 : vector<256x256xf32>
    %reduce_max3A_174 = arith.constant dense<0xFF800000> : vector<256xf32>
    %reduce_max3A_175 = vector.multi_reduction <maximumf>, %mul3A_173, %reduce_max3A_174 [1] : vector<256x256xf32> to vector<256xf32>
    %broadcast_in_dim3A_176 = vector.shape_cast %reduce_max3A_175 : vector<256xf32> to vector<256x1xf32>
    %sub3A_177 = vector.broadcast %broadcast_in_dim3A_176 : vector<256x1xf32> to vector<256x256xf32>
    %sub3A_178 = arith.subf %mul3A_173, %sub3A_177 : vector<256x256xf32>
    %exp3A_179 = math.exp %sub3A_178 : vector<256x256xf32>
    %reduce_sum3A_180 = arith.constant dense<0.000000e+00> : vector<256xf32>
    %reduce_sum3A_181 = vector.multi_reduction <add>, %exp3A_179, %reduce_sum3A_180 [1] : vector<256x256xf32> to vector<256xf32>
    %broadcast_in_dim3A_182 = vector.shape_cast %reduce_sum3A_181 : vector<256xf32> to vector<256x1xf32>
    %div3A_183 = arith.constant 1.000000e+00 : f32
    %div3A_184 = vector.broadcast %div3A_183 : f32 to vector<256x1xf32>
    %div3A_185 = arith.divf %div3A_184, %broadcast_in_dim3A_182 : vector<256x1xf32>
    %convert_element_type3A_186 = arith.truncf %exp3A_179 : vector<256x256xf32> to vector<256x256xbf16>
    %dot_general3A_187 = arith.constant dense<0.000000e+00> : vector<256x64xf32>
    %dot_general3A_188 = tpu.matmul %convert_element_type3A_186, %slice3A_168, %dot_general3A_187 {dimension_numbers = #tpu.dot_dimension_numbers<[1], [0], [0], [1], [0, 0, 1, 1], [], []>, transpose_lhs_hint = false} : vector<256x256xbf16>, vector<256x64xbf16>, vector<256x64xf32> -> vector<256x64xf32>
    %mul3A_189 = vector.broadcast %div3A_185 : vector<256x1xf32> to vector<256x64xf32>
    %mul3A_190 = arith.mulf %dot_general3A_188, %mul3A_189 : vector<256x64xf32>
    %slice3A_191 = vector.extract_strided_slice %convert_element_type3A_93 {offsets = [0, 256], sizes = [256, 64], strides = [1, 1]} : vector<256x2304xbf16> to vector<256x64xbf16>
    %slice3A_192 = vector.extract_strided_slice %convert_element_type3A_93 {offsets = [0, 1024], sizes = [256, 64], strides = [1, 1]} : vector<256x2304xbf16> to vector<256x64xbf16>
    %slice3A_193 = vector.extract_strided_slice %convert_element_type3A_93 {offsets = [0, 1792], sizes = [256, 64], strides = [1, 1]} : vector<256x2304xbf16> to vector<256x64xbf16>
    %dot_general3A_194 = arith.constant dense<0.000000e+00> : vector<256x256xf32>
    %dot_general3A_195 = tpu.matmul %slice3A_191, %slice3A_192, %dot_general3A_194 {dimension_numbers = #tpu.dot_dimension_numbers<[1], [1], [0], [0], [0, 0, 1, 0], [], []>, transpose_lhs_hint = false} : vector<256x64xbf16>, vector<256x64xbf16>, vector<256x256xf32> -> vector<256x256xf32>
    %mul3A_196 = arith.constant 1.250000e-01 : f32
    %mul3A_197 = vector.broadcast %mul3A_196 : f32 to vector<256x256xf32>
    %mul3A_198 = arith.mulf %dot_general3A_195, %mul3A_197 : vector<256x256xf32>
    %reduce_max3A_199 = arith.constant dense<0xFF800000> : vector<256xf32>
    %reduce_max3A_200 = vector.multi_reduction <maximumf>, %mul3A_198, %reduce_max3A_199 [1] : vector<256x256xf32> to vector<256xf32>
    %broadcast_in_dim3A_201 = vector.shape_cast %reduce_max3A_200 : vector<256xf32> to vector<256x1xf32>
    %sub3A_202 = vector.broadcast %broadcast_in_dim3A_201 : vector<256x1xf32> to vector<256x256xf32>
    %sub3A_203 = arith.subf %mul3A_198, %sub3A_202 : vector<256x256xf32>
    %exp3A_204 = math.exp %sub3A_203 : vector<256x256xf32>
    %reduce_sum3A_205 = arith.constant dense<0.000000e+00> : vector<256xf32>
    %reduce_sum3A_206 = vector.multi_reduction <add>, %exp3A_204, %reduce_sum3A_205 [1] : vector<256x256xf32> to vector<256xf32>
    %broadcast_in_dim3A_207 = vector.shape_cast %reduce_sum3A_206 : vector<256xf32> to vector<256x1xf32>
    %div3A_208 = arith.constant 1.000000e+00 : f32
    %div3A_209 = vector.broadcast %div3A_208 : f32 to vector<256x1xf32>
    %div3A_210 = arith.divf %div3A_209, %broadcast_in_dim3A_207 : vector<256x1xf32>
    %convert_element_type3A_211 = arith.truncf %exp3A_204 : vector<256x256xf32> to vector<256x256xbf16>
    %dot_general3A_212 = arith.constant dense<0.000000e+00> : vector<256x64xf32>
    %dot_general3A_213 = tpu.matmul %convert_element_type3A_211, %slice3A_193, %dot_general3A_212 {dimension_numbers = #tpu.dot_dimension_numbers<[1], [0], [0], [1], [0, 0, 1, 1], [], []>, transpose_lhs_hint = false} : vector<256x256xbf16>, vector<256x64xbf16>, vector<256x64xf32> -> vector<256x64xf32>
    %mul3A_214 = vector.broadcast %div3A_210 : vector<256x1xf32> to vector<256x64xf32>
    %mul3A_215 = arith.mulf %dot_general3A_213, %mul3A_214 : vector<256x64xf32>
    %slice3A_216 = vector.extract_strided_slice %convert_element_type3A_93 {offsets = [0, 320], sizes = [256, 64], strides = [1, 1]} : vector<256x2304xbf16> to vector<256x64xbf16>
    %slice3A_217 = vector.extract_strided_slice %convert_element_type3A_93 {offsets = [0, 1088], sizes = [256, 64], strides = [1, 1]} : vector<256x2304xbf16> to vector<256x64xbf16>
    %slice3A_218 = vector.extract_strided_slice %convert_element_type3A_93 {offsets = [0, 1856], sizes = [256, 64], strides = [1, 1]} : vector<256x2304xbf16> to vector<256x64xbf16>
    %dot_general3A_219 = arith.constant dense<0.000000e+00> : vector<256x256xf32>
    %dot_general3A_220 = tpu.matmul %slice3A_216, %slice3A_217, %dot_general3A_219 {dimension_numbers = #tpu.dot_dimension_numbers<[1], [1], [0], [0], [0, 0, 1, 0], [], []>, transpose_lhs_hint = false} : vector<256x64xbf16>, vector<256x64xbf16>, vector<256x256xf32> -> vector<256x256xf32>
    %mul3A_221 = arith.constant 1.250000e-01 : f32
    %mul3A_222 = vector.broadcast %mul3A_221 : f32 to vector<256x256xf32>
    %mul3A_223 = arith.mulf %dot_general3A_220, %mul3A_222 : vector<256x256xf32>
    %reduce_max3A_224 = arith.constant dense<0xFF800000> : vector<256xf32>
    %reduce_max3A_225 = vector.multi_reduction <maximumf>, %mul3A_223, %reduce_max3A_224 [1] : vector<256x256xf32> to vector<256xf32>
    %broadcast_in_dim3A_226 = vector.shape_cast %reduce_max3A_225 : vector<256xf32> to vector<256x1xf32>
    %sub3A_227 = vector.broadcast %broadcast_in_dim3A_226 : vector<256x1xf32> to vector<256x256xf32>
    %sub3A_228 = arith.subf %mul3A_223, %sub3A_227 : vector<256x256xf32>
    %exp3A_229 = math.exp %sub3A_228 : vector<256x256xf32>
    %reduce_sum3A_230 = arith.constant dense<0.000000e+00> : vector<256xf32>
    %reduce_sum3A_231 = vector.multi_reduction <add>, %exp3A_229, %reduce_sum3A_230 [1] : vector<256x256xf32> to vector<256xf32>
    %broadcast_in_dim3A_232 = vector.shape_cast %reduce_sum3A_231 : vector<256xf32> to vector<256x1xf32>
    %div3A_233 = arith.constant 1.000000e+00 : f32
    %div3A_234 = vector.broadcast %div3A_233 : f32 to vector<256x1xf32>
    %div3A_235 = arith.divf %div3A_234, %broadcast_in_dim3A_232 : vector<256x1xf32>
    %convert_element_type3A_236 = arith.truncf %exp3A_229 : vector<256x256xf32> to vector<256x256xbf16>
    %dot_general3A_237 = arith.constant dense<0.000000e+00> : vector<256x64xf32>
    %dot_general3A_238 = tpu.matmul %convert_element_type3A_236, %slice3A_218, %dot_general3A_237 {dimension_numbers = #tpu.dot_dimension_numbers<[1], [0], [0], [1], [0, 0, 1, 1], [], []>, transpose_lhs_hint = false} : vector<256x256xbf16>, vector<256x64xbf16>, vector<256x64xf32> -> vector<256x64xf32>
    %mul3A_239 = vector.broadcast %div3A_235 : vector<256x1xf32> to vector<256x64xf32>
    %mul3A_240 = arith.mulf %dot_general3A_238, %mul3A_239 : vector<256x64xf32>
    %slice3A_241 = vector.extract_strided_slice %convert_element_type3A_93 {offsets = [0, 384], sizes = [256, 64], strides = [1, 1]} : vector<256x2304xbf16> to vector<256x64xbf16>
    %slice3A_242 = vector.extract_strided_slice %convert_element_type3A_93 {offsets = [0, 1152], sizes = [256, 64], strides = [1, 1]} : vector<256x2304xbf16> to vector<256x64xbf16>
    %slice3A_243 = vector.extract_strided_slice %convert_element_type3A_93 {offsets = [0, 1920], sizes = [256, 64], strides = [1, 1]} : vector<256x2304xbf16> to vector<256x64xbf16>
    %dot_general3A_244 = arith.constant dense<0.000000e+00> : vector<256x256xf32>
    %dot_general3A_245 = tpu.matmul %slice3A_241, %slice3A_242, %dot_general3A_244 {dimension_numbers = #tpu.dot_dimension_numbers<[1], [1], [0], [0], [0, 0, 1, 0], [], []>, transpose_lhs_hint = false} : vector<256x64xbf16>, vector<256x64xbf16>, vector<256x256xf32> -> vector<256x256xf32>
    %mul3A_246 = arith.constant 1.250000e-01 : f32
    %mul3A_247 = vector.broadcast %mul3A_246 : f32 to vector<256x256xf32>
    %mul3A_248 = arith.mulf %dot_general3A_245, %mul3A_247 : vector<256x256xf32>
    %reduce_max3A_249 = arith.constant dense<0xFF800000> : vector<256xf32>
    %reduce_max3A_250 = vector.multi_reduction <maximumf>, %mul3A_248, %reduce_max3A_249 [1] : vector<256x256xf32> to vector<256xf32>
    %broadcast_in_dim3A_251 = vector.shape_cast %reduce_max3A_250 : vector<256xf32> to vector<256x1xf32>
    %sub3A_252 = vector.broadcast %broadcast_in_dim3A_251 : vector<256x1xf32> to vector<256x256xf32>
    %sub3A_253 = arith.subf %mul3A_248, %sub3A_252 : vector<256x256xf32>
    %exp3A_254 = math.exp %sub3A_253 : vector<256x256xf32>
    %reduce_sum3A_255 = arith.constant dense<0.000000e+00> : vector<256xf32>
    %reduce_sum3A_256 = vector.multi_reduction <add>, %exp3A_254, %reduce_sum3A_255 [1] : vector<256x256xf32> to vector<256xf32>
    %broadcast_in_dim3A_257 = vector.shape_cast %reduce_sum3A_256 : vector<256xf32> to vector<256x1xf32>
    %div3A_258 = arith.constant 1.000000e+00 : f32
    %div3A_259 = vector.broadcast %div3A_258 : f32 to vector<256x1xf32>
    %div3A_260 = arith.divf %div3A_259, %broadcast_in_dim3A_257 : vector<256x1xf32>
    %convert_element_type3A_261 = arith.truncf %exp3A_254 : vector<256x256xf32> to vector<256x256xbf16>
    %dot_general3A_262 = arith.constant dense<0.000000e+00> : vector<256x64xf32>
    %dot_general3A_263 = tpu.matmul %convert_element_type3A_261, %slice3A_243, %dot_general3A_262 {dimension_numbers = #tpu.dot_dimension_numbers<[1], [0], [0], [1], [0, 0, 1, 1], [], []>, transpose_lhs_hint = false} : vector<256x256xbf16>, vector<256x64xbf16>, vector<256x64xf32> -> vector<256x64xf32>
    %mul3A_264 = vector.broadcast %div3A_260 : vector<256x1xf32> to vector<256x64xf32>
    %mul3A_265 = arith.mulf %dot_general3A_263, %mul3A_264 : vector<256x64xf32>
    %slice3A_266 = vector.extract_strided_slice %convert_element_type3A_93 {offsets = [0, 448], sizes = [256, 64], strides = [1, 1]} : vector<256x2304xbf16> to vector<256x64xbf16>
    %slice3A_267 = vector.extract_strided_slice %convert_element_type3A_93 {offsets = [0, 1216], sizes = [256, 64], strides = [1, 1]} : vector<256x2304xbf16> to vector<256x64xbf16>
    %slice3A_268 = vector.extract_strided_slice %convert_element_type3A_93 {offsets = [0, 1984], sizes = [256, 64], strides = [1, 1]} : vector<256x2304xbf16> to vector<256x64xbf16>
    %dot_general3A_269 = arith.constant dense<0.000000e+00> : vector<256x256xf32>
    %dot_general3A_270 = tpu.matmul %slice3A_266, %slice3A_267, %dot_general3A_269 {dimension_numbers = #tpu.dot_dimension_numbers<[1], [1], [0], [0], [0, 0, 1, 0], [], []>, transpose_lhs_hint = false} : vector<256x64xbf16>, vector<256x64xbf16>, vector<256x256xf32> -> vector<256x256xf32>
    %mul3A_271 = arith.constant 1.250000e-01 : f32
    %mul3A_272 = vector.broadcast %mul3A_271 : f32 to vector<256x256xf32>
    %mul3A_273 = arith.mulf %dot_general3A_270, %mul3A_272 : vector<256x256xf32>
    %reduce_max3A_274 = arith.constant dense<0xFF800000> : vector<256xf32>
    %reduce_max3A_275 = vector.multi_reduction <maximumf>, %mul3A_273, %reduce_max3A_274 [1] : vector<256x256xf32> to vector<256xf32>
    %broadcast_in_dim3A_276 = vector.shape_cast %reduce_max3A_275 : vector<256xf32> to vector<256x1xf32>
    %sub3A_277 = vector.broadcast %broadcast_in_dim3A_276 : vector<256x1xf32> to vector<256x256xf32>
    %sub3A_278 = arith.subf %mul3A_273, %sub3A_277 : vector<256x256xf32>
    %exp3A_279 = math.exp %sub3A_278 : vector<256x256xf32>
    %reduce_sum3A_280 = arith.constant dense<0.000000e+00> : vector<256xf32>
    %reduce_sum3A_281 = vector.multi_reduction <add>, %exp3A_279, %reduce_sum3A_280 [1] : vector<256x256xf32> to vector<256xf32>
    %broadcast_in_dim3A_282 = vector.shape_cast %reduce_sum3A_281 : vector<256xf32> to vector<256x1xf32>
    %div3A_283 = arith.constant 1.000000e+00 : f32
    %div3A_284 = vector.broadcast %div3A_283 : f32 to vector<256x1xf32>
    %div3A_285 = arith.divf %div3A_284, %broadcast_in_dim3A_282 : vector<256x1xf32>
    %convert_element_type3A_286 = arith.truncf %exp3A_279 : vector<256x256xf32> to vector<256x256xbf16>
    %dot_general3A_287 = arith.constant dense<0.000000e+00> : vector<256x64xf32>
    %dot_general3A_288 = tpu.matmul %convert_element_type3A_286, %slice3A_268, %dot_general3A_287 {dimension_numbers = #tpu.dot_dimension_numbers<[1], [0], [0], [1], [0, 0, 1, 1], [], []>, transpose_lhs_hint = false} : vector<256x256xbf16>, vector<256x64xbf16>, vector<256x64xf32> -> vector<256x64xf32>
    %mul3A_289 = vector.broadcast %div3A_285 : vector<256x1xf32> to vector<256x64xf32>
    %mul3A_290 = arith.mulf %dot_general3A_288, %mul3A_289 : vector<256x64xf32>
    %slice3A_291 = vector.extract_strided_slice %convert_element_type3A_93 {offsets = [0, 512], sizes = [256, 64], strides = [1, 1]} : vector<256x2304xbf16> to vector<256x64xbf16>
    %slice3A_292 = vector.extract_strided_slice %convert_element_type3A_93 {offsets = [0, 1280], sizes = [256, 64], strides = [1, 1]} : vector<256x2304xbf16> to vector<256x64xbf16>
    %slice3A_293 = vector.extract_strided_slice %convert_element_type3A_93 {offsets = [0, 2048], sizes = [256, 64], strides = [1, 1]} : vector<256x2304xbf16> to vector<256x64xbf16>
    %dot_general3A_294 = arith.constant dense<0.000000e+00> : vector<256x256xf32>
    %dot_general3A_295 = tpu.matmul %slice3A_291, %slice3A_292, %dot_general3A_294 {dimension_numbers = #tpu.dot_dimension_numbers<[1], [1], [0], [0], [0, 0, 1, 0], [], []>, transpose_lhs_hint = false} : vector<256x64xbf16>, vector<256x64xbf16>, vector<256x256xf32> -> vector<256x256xf32>
    %mul3A_296 = arith.constant 1.250000e-01 : f32
    %mul3A_297 = vector.broadcast %mul3A_296 : f32 to vector<256x256xf32>
    %mul3A_298 = arith.mulf %dot_general3A_295, %mul3A_297 : vector<256x256xf32>
    %reduce_max3A_299 = arith.constant dense<0xFF800000> : vector<256xf32>
    %reduce_max3A_300 = vector.multi_reduction <maximumf>, %mul3A_298, %reduce_max3A_299 [1] : vector<256x256xf32> to vector<256xf32>
    %broadcast_in_dim3A_301 = vector.shape_cast %reduce_max3A_300 : vector<256xf32> to vector<256x1xf32>
    %sub3A_302 = vector.broadcast %broadcast_in_dim3A_301 : vector<256x1xf32> to vector<256x256xf32>
    %sub3A_303 = arith.subf %mul3A_298, %sub3A_302 : vector<256x256xf32>
    %exp3A_304 = math.exp %sub3A_303 : vector<256x256xf32>
    %reduce_sum3A_305 = arith.constant dense<0.000000e+00> : vector<256xf32>
    %reduce_sum3A_306 = vector.multi_reduction <add>, %exp3A_304, %reduce_sum3A_305 [1] : vector<256x256xf32> to vector<256xf32>
    %broadcast_in_dim3A_307 = vector.shape_cast %reduce_sum3A_306 : vector<256xf32> to vector<256x1xf32>
    %div3A_308 = arith.constant 1.000000e+00 : f32
    %div3A_309 = vector.broadcast %div3A_308 : f32 to vector<256x1xf32>
    %div3A_310 = arith.divf %div3A_309, %broadcast_in_dim3A_307 : vector<256x1xf32>
    %convert_element_type3A_311 = arith.truncf %exp3A_304 : vector<256x256xf32> to vector<256x256xbf16>
    %dot_general3A_312 = arith.constant dense<0.000000e+00> : vector<256x64xf32>
    %dot_general3A_313 = tpu.matmul %convert_element_type3A_311, %slice3A_293, %dot_general3A_312 {dimension_numbers = #tpu.dot_dimension_numbers<[1], [0], [0], [1], [0, 0, 1, 1], [], []>, transpose_lhs_hint = false} : vector<256x256xbf16>, vector<256x64xbf16>, vector<256x64xf32> -> vector<256x64xf32>
    %mul3A_314 = vector.broadcast %div3A_310 : vector<256x1xf32> to vector<256x64xf32>
    %mul3A_315 = arith.mulf %dot_general3A_313, %mul3A_314 : vector<256x64xf32>
    %slice3A_316 = vector.extract_strided_slice %convert_element_type3A_93 {offsets = [0, 576], sizes = [256, 64], strides = [1, 1]} : vector<256x2304xbf16> to vector<256x64xbf16>
    %slice3A_317 = vector.extract_strided_slice %convert_element_type3A_93 {offsets = [0, 1344], sizes = [256, 64], strides = [1, 1]} : vector<256x2304xbf16> to vector<256x64xbf16>
    %slice3A_318 = vector.extract_strided_slice %convert_element_type3A_93 {offsets = [0, 2112], sizes = [256, 64], strides = [1, 1]} : vector<256x2304xbf16> to vector<256x64xbf16>
    %dot_general3A_319 = arith.constant dense<0.000000e+00> : vector<256x256xf32>
    %dot_general3A_320 = tpu.matmul %slice3A_316, %slice3A_317, %dot_general3A_319 {dimension_numbers = #tpu.dot_dimension_numbers<[1], [1], [0], [0], [0, 0, 1, 0], [], []>, transpose_lhs_hint = false} : vector<256x64xbf16>, vector<256x64xbf16>, vector<256x256xf32> -> vector<256x256xf32>
    %mul3A_321 = arith.constant 1.250000e-01 : f32
    %mul3A_322 = vector.broadcast %mul3A_321 : f32 to vector<256x256xf32>
    %mul3A_323 = arith.mulf %dot_general3A_320, %mul3A_322 : vector<256x256xf32>
    %reduce_max3A_324 = arith.constant dense<0xFF800000> : vector<256xf32>
    %reduce_max3A_325 = vector.multi_reduction <maximumf>, %mul3A_323, %reduce_max3A_324 [1] : vector<256x256xf32> to vector<256xf32>
    %broadcast_in_dim3A_326 = vector.shape_cast %reduce_max3A_325 : vector<256xf32> to vector<256x1xf32>
    %sub3A_327 = vector.broadcast %broadcast_in_dim3A_326 : vector<256x1xf32> to vector<256x256xf32>
    %sub3A_328 = arith.subf %mul3A_323, %sub3A_327 : vector<256x256xf32>
    %exp3A_329 = math.exp %sub3A_328 : vector<256x256xf32>
    %reduce_sum3A_330 = arith.constant dense<0.000000e+00> : vector<256xf32>
    %reduce_sum3A_331 = vector.multi_reduction <add>, %exp3A_329, %reduce_sum3A_330 [1] : vector<256x256xf32> to vector<256xf32>
    %broadcast_in_dim3A_332 = vector.shape_cast %reduce_sum3A_331 : vector<256xf32> to vector<256x1xf32>
    %div3A_333 = arith.constant 1.000000e+00 : f32
    %div3A_334 = vector.broadcast %div3A_333 : f32 to vector<256x1xf32>
    %div3A_335 = arith.divf %div3A_334, %broadcast_in_dim3A_332 : vector<256x1xf32>
    %convert_element_type3A_336 = arith.truncf %exp3A_329 : vector<256x256xf32> to vector<256x256xbf16>
    %dot_general3A_337 = arith.constant dense<0.000000e+00> : vector<256x64xf32>
    %dot_general3A_338 = tpu.matmul %convert_element_type3A_336, %slice3A_318, %dot_general3A_337 {dimension_numbers = #tpu.dot_dimension_numbers<[1], [0], [0], [1], [0, 0, 1, 1], [], []>, transpose_lhs_hint = false} : vector<256x256xbf16>, vector<256x64xbf16>, vector<256x64xf32> -> vector<256x64xf32>
    %mul3A_339 = vector.broadcast %div3A_335 : vector<256x1xf32> to vector<256x64xf32>
    %mul3A_340 = arith.mulf %dot_general3A_338, %mul3A_339 : vector<256x64xf32>
    %slice3A_341 = vector.extract_strided_slice %convert_element_type3A_93 {offsets = [0, 640], sizes = [256, 64], strides = [1, 1]} : vector<256x2304xbf16> to vector<256x64xbf16>
    %slice3A_342 = vector.extract_strided_slice %convert_element_type3A_93 {offsets = [0, 1408], sizes = [256, 64], strides = [1, 1]} : vector<256x2304xbf16> to vector<256x64xbf16>
    %slice3A_343 = vector.extract_strided_slice %convert_element_type3A_93 {offsets = [0, 2176], sizes = [256, 64], strides = [1, 1]} : vector<256x2304xbf16> to vector<256x64xbf16>
    %dot_general3A_344 = arith.constant dense<0.000000e+00> : vector<256x256xf32>
    %dot_general3A_345 = tpu.matmul %slice3A_341, %slice3A_342, %dot_general3A_344 {dimension_numbers = #tpu.dot_dimension_numbers<[1], [1], [0], [0], [0, 0, 1, 0], [], []>, transpose_lhs_hint = false} : vector<256x64xbf16>, vector<256x64xbf16>, vector<256x256xf32> -> vector<256x256xf32>
    %mul3A_346 = arith.constant 1.250000e-01 : f32
    %mul3A_347 = vector.broadcast %mul3A_346 : f32 to vector<256x256xf32>
    %mul3A_348 = arith.mulf %dot_general3A_345, %mul3A_347 : vector<256x256xf32>
    %reduce_max3A_349 = arith.constant dense<0xFF800000> : vector<256xf32>
    %reduce_max3A_350 = vector.multi_reduction <maximumf>, %mul3A_348, %reduce_max3A_349 [1] : vector<256x256xf32> to vector<256xf32>
    %broadcast_in_dim3A_351 = vector.shape_cast %reduce_max3A_350 : vector<256xf32> to vector<256x1xf32>
    %sub3A_352 = vector.broadcast %broadcast_in_dim3A_351 : vector<256x1xf32> to vector<256x256xf32>
    %sub3A_353 = arith.subf %mul3A_348, %sub3A_352 : vector<256x256xf32>
    %exp3A_354 = math.exp %sub3A_353 : vector<256x256xf32>
    %reduce_sum3A_355 = arith.constant dense<0.000000e+00> : vector<256xf32>
    %reduce_sum3A_356 = vector.multi_reduction <add>, %exp3A_354, %reduce_sum3A_355 [1] : vector<256x256xf32> to vector<256xf32>
    %broadcast_in_dim3A_357 = vector.shape_cast %reduce_sum3A_356 : vector<256xf32> to vector<256x1xf32>
    %div3A_358 = arith.constant 1.000000e+00 : f32
    %div3A_359 = vector.broadcast %div3A_358 : f32 to vector<256x1xf32>
    %div3A_360 = arith.divf %div3A_359, %broadcast_in_dim3A_357 : vector<256x1xf32>
    %convert_element_type3A_361 = arith.truncf %exp3A_354 : vector<256x256xf32> to vector<256x256xbf16>
    %dot_general3A_362 = arith.constant dense<0.000000e+00> : vector<256x64xf32>
    %dot_general3A_363 = tpu.matmul %convert_element_type3A_361, %slice3A_343, %dot_general3A_362 {dimension_numbers = #tpu.dot_dimension_numbers<[1], [0], [0], [1], [0, 0, 1, 1], [], []>, transpose_lhs_hint = false} : vector<256x256xbf16>, vector<256x64xbf16>, vector<256x64xf32> -> vector<256x64xf32>
    %mul3A_364 = vector.broadcast %div3A_360 : vector<256x1xf32> to vector<256x64xf32>
    %mul3A_365 = arith.mulf %dot_general3A_363, %mul3A_364 : vector<256x64xf32>
    %slice3A_366 = vector.extract_strided_slice %convert_element_type3A_93 {offsets = [0, 704], sizes = [256, 64], strides = [1, 1]} : vector<256x2304xbf16> to vector<256x64xbf16>
    %slice3A_367 = vector.extract_strided_slice %convert_element_type3A_93 {offsets = [0, 1472], sizes = [256, 64], strides = [1, 1]} : vector<256x2304xbf16> to vector<256x64xbf16>
    %slice3A_368 = vector.extract_strided_slice %convert_element_type3A_93 {offsets = [0, 2240], sizes = [256, 64], strides = [1, 1]} : vector<256x2304xbf16> to vector<256x64xbf16>
    %dot_general3A_369 = arith.constant dense<0.000000e+00> : vector<256x256xf32>
    %dot_general3A_370 = tpu.matmul %slice3A_366, %slice3A_367, %dot_general3A_369 {dimension_numbers = #tpu.dot_dimension_numbers<[1], [1], [0], [0], [0, 0, 1, 0], [], []>, transpose_lhs_hint = false} : vector<256x64xbf16>, vector<256x64xbf16>, vector<256x256xf32> -> vector<256x256xf32>
    %mul3A_371 = arith.constant 1.250000e-01 : f32
    %mul3A_372 = vector.broadcast %mul3A_371 : f32 to vector<256x256xf32>
    %mul3A_373 = arith.mulf %dot_general3A_370, %mul3A_372 : vector<256x256xf32>
    %reduce_max3A_374 = arith.constant dense<0xFF800000> : vector<256xf32>
    %reduce_max3A_375 = vector.multi_reduction <maximumf>, %mul3A_373, %reduce_max3A_374 [1] : vector<256x256xf32> to vector<256xf32>
    %broadcast_in_dim3A_376 = vector.shape_cast %reduce_max3A_375 : vector<256xf32> to vector<256x1xf32>
    %sub3A_377 = vector.broadcast %broadcast_in_dim3A_376 : vector<256x1xf32> to vector<256x256xf32>
    %sub3A_378 = arith.subf %mul3A_373, %sub3A_377 : vector<256x256xf32>
    %exp3A_379 = math.exp %sub3A_378 : vector<256x256xf32>
    %reduce_sum3A_380 = arith.constant dense<0.000000e+00> : vector<256xf32>
    %reduce_sum3A_381 = vector.multi_reduction <add>, %exp3A_379, %reduce_sum3A_380 [1] : vector<256x256xf32> to vector<256xf32>
    %broadcast_in_dim3A_382 = vector.shape_cast %reduce_sum3A_381 : vector<256xf32> to vector<256x1xf32>
    %div3A_383 = arith.constant 1.000000e+00 : f32
    %div3A_384 = vector.broadcast %div3A_383 : f32 to vector<256x1xf32>
    %div3A_385 = arith.divf %div3A_384, %broadcast_in_dim3A_382 : vector<256x1xf32>
    %convert_element_type3A_386 = arith.truncf %exp3A_379 : vector<256x256xf32> to vector<256x256xbf16>
    %dot_general3A_387 = arith.constant dense<0.000000e+00> : vector<256x64xf32>
    %dot_general3A_388 = tpu.matmul %convert_element_type3A_386, %slice3A_368, %dot_general3A_387 {dimension_numbers = #tpu.dot_dimension_numbers<[1], [0], [0], [1], [0, 0, 1, 1], [], []>, transpose_lhs_hint = false} : vector<256x256xbf16>, vector<256x64xbf16>, vector<256x64xf32> -> vector<256x64xf32>
    %mul3A_389 = vector.broadcast %div3A_385 : vector<256x1xf32> to vector<256x64xf32>
    %mul3A_390 = arith.mulf %dot_general3A_388, %mul3A_389 : vector<256x64xf32>
    %concatenate3A = tpu.concatenate %mul3A_115, %mul3A_140, %mul3A_165, %mul3A_190, %mul3A_215, %mul3A_240, %mul3A_265, %mul3A_290, %mul3A_315, %mul3A_340, %mul3A_365, %mul3A_390 in 1 : vector<256x64xf32>, vector<256x64xf32>, vector<256x64xf32>, vector<256x64xf32>, vector<256x64xf32>, vector<256x64xf32>, vector<256x64xf32>, vector<256x64xf32>, vector<256x64xf32>, vector<256x64xf32>, vector<256x64xf32>, vector<256x64xf32> -> vector<256x768xf32>
    %convert_element_type3A_391 = arith.truncf %concatenate3A : vector<256x768xf32> to vector<256x768xbf16>
    %dot_general3A_392 = arith.constant dense<0.000000e+00> : vector<256x768xf32>
    %dot_general3A_393 = tpu.matmul %convert_element_type3A_391, %get3A_37, %dot_general3A_392 {dimension_numbers = #tpu.dot_dimension_numbers<[1], [0], [0], [1], [0, 0, 1, 1], [], []>, transpose_lhs_hint = false} : vector<256x768xbf16>, vector<768x768xbf16>, vector<256x768xf32> -> vector<256x768xf32>
    %add3A_394 = arith.addf %add3A_61, %dot_general3A_393 : vector<256x768xf32>
    %add3A_395 = vector.broadcast %get3A_40 : vector<1x768xf32> to vector<256x768xf32>
    %add3A_396 = arith.addf %add3A_394, %add3A_395 : vector<256x768xf32>
    %reduce_sum3A_397 = arith.constant dense<0.000000e+00> : vector<256xf32>
    %reduce_sum3A_398 = vector.multi_reduction <add>, %add3A_396, %reduce_sum3A_397 [1] : vector<256x768xf32> to vector<256xf32>
    %broadcast_in_dim3A_399 = vector.shape_cast %reduce_sum3A_398 : vector<256xf32> to vector<256x1xf32>
    %div3A_400 = arith.constant 7.680000e+02 : f32
    %div3A_401 = vector.broadcast %div3A_400 : f32 to vector<256x1xf32>
    %div3A_402 = arith.divf %broadcast_in_dim3A_399, %div3A_401 : vector<256x1xf32>
    %sub3A_403 = vector.broadcast %div3A_402 : vector<256x1xf32> to vector<256x768xf32>
    %sub3A_404 = arith.subf %add3A_396, %sub3A_403 : vector<256x768xf32>
    %integer_pow3A_405 = arith.mulf %sub3A_404, %sub3A_404 : vector<256x768xf32>
    %reduce_sum3A_406 = arith.constant dense<0.000000e+00> : vector<256xf32>
    %reduce_sum3A_407 = vector.multi_reduction <add>, %integer_pow3A_405, %reduce_sum3A_406 [1] : vector<256x768xf32> to vector<256xf32>
    %broadcast_in_dim3A_408 = vector.shape_cast %reduce_sum3A_407 : vector<256xf32> to vector<256x1xf32>
    %div3A_409 = arith.constant 7.680000e+02 : f32
    %div3A_410 = vector.broadcast %div3A_409 : f32 to vector<256x1xf32>
    %div3A_411 = arith.divf %broadcast_in_dim3A_408, %div3A_410 : vector<256x1xf32>
    %sub3A_412 = vector.broadcast %div3A_402 : vector<256x1xf32> to vector<256x768xf32>
    %sub3A_413 = arith.subf %add3A_396, %sub3A_412 : vector<256x768xf32>
    %mul3A_414 = vector.broadcast %get3A_43 : vector<1x768xf32> to vector<256x768xf32>
    %mul3A_415 = arith.mulf %mul3A_414, %sub3A_413 : vector<256x768xf32>
    %add3A_416 = arith.constant 9.99999974E-6 : f32
    %add3A_417 = vector.broadcast %add3A_416 : f32 to vector<256x1xf32>
    %add3A_418 = arith.addf %div3A_411, %add3A_417 : vector<256x1xf32>
    %sqrt3A_419 = math.sqrt %add3A_418 : vector<256x1xf32>
    %div3A_420 = vector.broadcast %sqrt3A_419 : vector<256x1xf32> to vector<256x768xf32>
    %div3A_421 = arith.divf %mul3A_415, %div3A_420 : vector<256x768xf32>
    %add3A_422 = vector.broadcast %get3A_46 : vector<1x768xf32> to vector<256x768xf32>
    %add3A_423 = arith.addf %div3A_421, %add3A_422 : vector<256x768xf32>
    %convert_element_type3A_424 = arith.truncf %add3A_423 : vector<256x768xf32> to vector<256x768xbf16>
    %dot_general3A_425 = arith.constant dense<0.000000e+00> : vector<256x3072xf32>
    %dot_general3A_426 = tpu.matmul %convert_element_type3A_424, %get3A_49, %dot_general3A_425 {dimension_numbers = #tpu.dot_dimension_numbers<[1], [0], [0], [1], [0, 0, 1, 1], [], []>, transpose_lhs_hint = false} : vector<256x768xbf16>, vector<768x3072xbf16>, vector<256x3072xf32> -> vector<256x3072xf32>
    %add3A_427 = vector.broadcast %get3A_52 : vector<1x3072xf32> to vector<256x3072xf32>
    %add3A_428 = arith.addf %dot_general3A_426, %add3A_427 : vector<256x3072xf32>
    %convert_element_type3A_429 = arith.truncf %add3A_428 : vector<256x3072xf32> to vector<256x3072xbf16>
    %integer_pow3A_430 = arith.mulf %convert_element_type3A_429, %convert_element_type3A_429 : vector<256x3072xbf16>
    %integer_pow3A_431 = arith.mulf %convert_element_type3A_429, %integer_pow3A_430 : vector<256x3072xbf16>
    %mul3A_432 = arith.constant 4.467770e-02 : bf16
    %mul3A_433 = vector.broadcast %mul3A_432 : bf16 to vector<256x3072xbf16>
    %mul3A_434 = arith.mulf %mul3A_433, %integer_pow3A_431 : vector<256x3072xbf16>
    %add3A_435 = arith.addf %convert_element_type3A_429, %mul3A_434 : vector<256x3072xbf16>
    %mul3A_436 = arith.constant 7.968750e-01 : bf16
    %mul3A_437 = vector.broadcast %mul3A_436 : bf16 to vector<256x3072xbf16>
    %mul3A_438 = arith.mulf %mul3A_437, %add3A_435 : vector<256x3072xbf16>
    %tanh3A = math.tanh %mul3A_438 : vector<256x3072xbf16>
    %add3A_439 = arith.constant 1.000000e+00 : bf16
    %add3A_440 = vector.broadcast %add3A_439 : bf16 to vector<256x3072xbf16>
    %add3A_441 = arith.addf %add3A_440, %tanh3A : vector<256x3072xbf16>
    %mul3A_442 = arith.constant 5.000000e-01 : bf16
    %mul3A_443 = vector.broadcast %mul3A_442 : bf16 to vector<256x3072xbf16>
    %mul3A_444 = arith.mulf %mul3A_443, %add3A_441 : vector<256x3072xbf16>
    %mul3A_445 = arith.mulf %convert_element_type3A_429, %mul3A_444 : vector<256x3072xbf16>
    %dot_general3A_446 = arith.constant dense<0.000000e+00> : vector<256x768xf32>
    %dot_general3A_447 = tpu.matmul %mul3A_445, %get3A_55, %dot_general3A_446 {dimension_numbers = #tpu.dot_dimension_numbers<[1], [0], [0], [1], [0, 0, 1, 1], [], []>, transpose_lhs_hint = false} : vector<256x3072xbf16>, vector<3072x768xbf16>, vector<256x768xf32> -> vector<256x768xf32>
    %add3A_448 = arith.addf %add3A_396, %dot_general3A_447 : vector<256x768xf32>
    %add3A_449 = vector.broadcast %get3A_58 : vector<1x768xf32> to vector<256x768xf32>
    %add3A_450 = arith.addf %add3A_448, %add3A_449 : vector<256x768xf32>
    %get3A_451 = arith.constant 0 : index
    %get3A_452 = arith.constant 0 : index
    %get3A_453 = vector.load %arg16[%get3A_451, %get3A_452] : memref<768x768xf32, #tpu.memory_space<vmem>>, vector<768x768xf32>
    %get3A_454 = arith.constant 0 : index
    %get3A_455 = arith.constant 0 : index
    %get3A_456 = vector.load %arg17[%get3A_454, %get3A_455] : memref<1x768xf32, #tpu.memory_space<vmem>>, vector<1x768xf32>
    %get3A_457 = arith.constant 0 : index
    %get3A_458 = arith.constant 0 : index
    %get3A_459 = vector.load %arg18[%get3A_457, %get3A_458] : memref<768x800xf32, #tpu.memory_space<vmem>>, vector<768x800xf32>
    %get3A_460 = arith.constant 0 : index
    %get3A_461 = arith.constant 0 : index
    %get3A_462 = vector.load %arg19[%get3A_460, %get3A_461] : memref<1x800xf32, #tpu.memory_space<vmem>>, vector<1x800xf32>
    %convert_element_type3A_463 = arith.truncf %add3A_450 : vector<256x768xf32> to vector<256x768xbf16>
    %dot_general3A_464 = arith.constant dense<0.000000e+00> : vector<256x768xf32>
    %dot_general3A_465 = tpu.matmul %convert_element_type3A_463, %get3A_453, %dot_general3A_464 {dimension_numbers = #tpu.dot_dimension_numbers<[1], [0], [0], [1], [0, 0, 1, 1], [], []>, transpose_lhs_hint = false} : vector<256x768xbf16>, vector<768x768xf32>, vector<256x768xf32> -> vector<256x768xf32>
    %add3A_466 = vector.broadcast %get3A_456 : vector<1x768xf32> to vector<256x768xf32>
    %add3A_467 = arith.addf %dot_general3A_465, %add3A_466 : vector<256x768xf32>
    %convert_element_type3A_468 = arith.truncf %add3A_467 : vector<256x768xf32> to vector<256x768xbf16>
    %tanh3A_469 = math.tanh %convert_element_type3A_468 : vector<256x768xbf16>
    %dot_general3A_470 = arith.constant dense<0.000000e+00> : vector<256x800xf32>
    %dot_general3A_471 = tpu.matmul %tanh3A_469, %get3A_459, %dot_general3A_470 {dimension_numbers = #tpu.dot_dimension_numbers<[1], [0], [0], [1], [0, 0, 1, 1], [], []>, transpose_lhs_hint = false} : vector<256x768xbf16>, vector<768x800xf32>, vector<256x800xf32> -> vector<256x800xf32>
    %add3A_472 = vector.broadcast %get3A_462 : vector<1x800xf32> to vector<256x800xf32>
    %add3A_473 = arith.addf %dot_general3A_471, %add3A_472 : vector<256x800xf32>
    %get3A_474 = arith.constant 0 : index
    %get3A_475 = arith.constant 0 : index
    %get3A_476 = vector.load %arg20[%get3A_474, %get3A_475] : memref<256x800xf32, #tpu.memory_space<vmem>>, vector<256x800xf32>
    %sub3A_477 = arith.subf %add3A_473, %get3A_476 : vector<256x800xf32>
    %mul3A_478 = arith.mulf %sub3A_477, %sub3A_477 : vector<256x800xf32>
    %reduce_sum3A_479 = vector.shape_cast %mul3A_478 : vector<256x800xf32> to vector<1x256x800xf32>
    %reduce_sum3A_480 = arith.constant dense<0.000000e+00> : vector<1xf32>
    %reduce_sum3A_481 = vector.multi_reduction <add>, %reduce_sum3A_479, %reduce_sum3A_480 [1, 2] : vector<1x256x800xf32> to vector<1xf32>
    %reduce_sum3A_482 = vector.shape_cast %reduce_sum3A_481 : vector<1xf32> to vector<1x1x1xf32>
    %reduce_sum3A_483 = vector.extract %reduce_sum3A_482[0, 0, 0] : f32 from vector<1x1x1xf32>
    %get3A_484 = arith.constant 0 : index
    %get3A_485 = arith.constant 0 : index
    %get3A_486 = vector.load %arg22[%get3A_484, %get3A_485] : memref<1x1xf32, #tpu.memory_space<vmem>>, vector<1x1xf32>
    %mul3A_487 = arith.constant 3.05175774E-7 : f32
    %mul3A_488 = arith.mulf %reduce_sum3A_483, %mul3A_487 : f32
    %mul3A_489 = arith.constant 1.1920929E-6 : f32
    %mul3A_490 = arith.mulf %reduce_sum3A_16, %mul3A_489 : f32
    %add3A_491 = arith.addf %mul3A_488, %mul3A_490 : f32
    %reshape3A = vector.broadcast %add3A_491 : f32 to vector<1x1xf32>
    %add3A_492 = arith.addf %get3A_486, %reshape3A : vector<1x1xf32>
    %swap3A = arith.constant 0 : index
    %swap3A_493 = arith.constant 0 : index
    %swap3A_494 = vector.load %arg22[%swap3A, %swap3A_493] : memref<1x1xf32, #tpu.memory_space<vmem>>, vector<1x1xf32>
    tpu.vector_store %arg22[%swap3A, %swap3A_493], %add3A_492 {strides = array<i32>} : memref<1x1xf32, #tpu.memory_space<vmem>>, vector<1x1xf32>,
    return
  }
  func.func @transform_0(%arg0: i32) -> (i32, i32) {
    %c0_i32 = arith.constant 0 : i32
    %c0_i32_0 = arith.constant 0 : i32
    return %arg0, %c0_i32 : i32, i32
  }
  func.func @transform_1(%arg0: i32) -> (i32, i32) {
    %c0_i32 = arith.constant 0 : i32
    %c0_i32_0 = arith.constant 0 : i32
    %c0_i32_1 = arith.constant 0 : i32
    return %c0_i32, %c0_i32_0 : i32, i32
  }
  func.func @transform_2(%arg0: i32) -> (i32, i32) {
    %c0_i32 = arith.constant 0 : i32
    %c0_i32_0 = arith.constant 0 : i32
    %c0_i32_1 = arith.constant 0 : i32
    return %c0_i32, %c0_i32_0 : i32, i32
  }
  func.func @transform_3(%arg0: i32) -> (i32, i32) {
    %c0_i32 = arith.constant 0 : i32
    %c0_i32_0 = arith.constant 0 : i32
    %c0_i32_1 = arith.constant 0 : i32
    return %c0_i32, %c0_i32_0 : i32, i32
  }
  func.func @transform_4(%arg0: i32) -> (i32, i32) {
    %c0_i32 = arith.constant 0 : i32
    %c0_i32_0 = arith.constant 0 : i32
    %c0_i32_1 = arith.constant 0 : i32
    return %c0_i32, %c0_i32_0 : i32, i32
  }
  func.func @transform_5(%arg0: i32) -> (i32, i32) {
    %c0_i32 = arith.constant 0 : i32
    %c0_i32_0 = arith.constant 0 : i32
    %c0_i32_1 = arith.constant 0 : i32
    return %c0_i32, %c0_i32_0 : i32, i32
  }
  func.func @transform_6(%arg0: i32) -> (i32, i32) {
    %c0_i32 = arith.constant 0 : i32
    %c0_i32_0 = arith.constant 0 : i32
    %c0_i32_1 = arith.constant 0 : i32
    return %c0_i32, %c0_i32_0 : i32, i32
  }
  func.func @transform_7(%arg0: i32) -> (i32, i32) {
    %c0_i32 = arith.constant 0 : i32
    %c0_i32_0 = arith.constant 0 : i32
    %c0_i32_1 = arith.constant 0 : i32
    return %c0_i32, %c0_i32_0 : i32, i32
  }
  func.func @transform_8(%arg0: i32) -> (i32, i32) {
    %c0_i32 = arith.constant 0 : i32
    %c0_i32_0 = arith.constant 0 : i32
    %c0_i32_1 = arith.constant 0 : i32
    return %c0_i32, %c0_i32_0 : i32, i32
  }
  func.func @transform_9(%arg0: i32) -> (i32, i32) {
    %c0_i32 = arith.constant 0 : i32
    %c0_i32_0 = arith.constant 0 : i32
    %c0_i32_1 = arith.constant 0 : i32
    return %c0_i32, %c0_i32_0 : i32, i32
  }
  func.func @transform_10(%arg0: i32) -> (i32, i32) {
    %c0_i32 = arith.constant 0 : i32
    %c0_i32_0 = arith.constant 0 : i32
    %c0_i32_1 = arith.constant 0 : i32
    return %c0_i32, %c0_i32_0 : i32, i32
  }
  func.func @transform_11(%arg0: i32) -> (i32, i32) {
    %c0_i32 = arith.constant 0 : i32
    %c0_i32_0 = arith.constant 0 : i32
    %c0_i32_1 = arith.constant 0 : i32
    return %c0_i32, %c0_i32_0 : i32, i32
  }
  func.func @transform_12(%arg0: i32) -> (i32, i32) {
    %c0_i32 = arith.constant 0 : i32
    %c0_i32_0 = arith.constant 0 : i32
    %c0_i32_1 = arith.constant 0 : i32
    return %c0_i32, %c0_i32_0 : i32, i32
  }
  func.func @transform_13(%arg0: i32) -> (i32, i32) {
    %c0_i32 = arith.constant 0 : i32
    %c0_i32_0 = arith.constant 0 : i32
    %c0_i32_1 = arith.constant 0 : i32
    return %c0_i32, %c0_i32_0 : i32, i32
  }
  func.func @transform_14(%arg0: i32) -> (i32, i32) {
    %c0_i32 = arith.constant 0 : i32
    %c0_i32_0 = arith.constant 0 : i32
    %c0_i32_1 = arith.constant 0 : i32
    return %c0_i32, %c0_i32_0 : i32, i32
  }
  func.func @transform_15(%arg0: i32) -> (i32, i32) {
    %c0_i32 = arith.constant 0 : i32
    %c0_i32_0 = arith.constant 0 : i32
    %c0_i32_1 = arith.constant 0 : i32
    return %c0_i32, %c0_i32_0 : i32, i32
  }
  func.func @transform_16(%arg0: i32) -> (i32, i32) {
    %c0_i32 = arith.constant 0 : i32
    %c0_i32_0 = arith.constant 0 : i32
    %c0_i32_1 = arith.constant 0 : i32
    return %c0_i32, %c0_i32_0 : i32, i32
  }
  func.func @transform_17(%arg0: i32) -> (i32, i32) {
    %c0_i32 = arith.constant 0 : i32
    %c0_i32_0 = arith.constant 0 : i32
    %c0_i32_1 = arith.constant 0 : i32
    return %c0_i32, %c0_i32_0 : i32, i32
  }
  func.func @transform_18(%arg0: i32) -> (i32, i32) {
    %c0_i32 = arith.constant 0 : i32
    %c0_i32_0 = arith.constant 0 : i32
    %c0_i32_1 = arith.constant 0 : i32
    return %c0_i32, %c0_i32_0 : i32, i32
  }
  func.func @transform_19(%arg0: i32) -> (i32, i32) {
    %c0_i32 = arith.constant 0 : i32
    %c0_i32_0 = arith.constant 0 : i32
    return %arg0, %c0_i32 : i32, i32
  }
  func.func @transform_20(%arg0: i32) -> (i32, i32) {
    %c0_i32 = arith.constant 0 : i32
    %c0_i32_0 = arith.constant 0 : i32
    return %arg0, %c0_i32 : i32, i32
  }
  func.func @transform_21(%arg0: i32) -> (i32, i32) {
    %c0_i32 = arith.constant 0 : i32
    %c0_i32_0 = arith.constant 0 : i32
    %c0_i32_1 = arith.constant 0 : i32
    return %c0_i32, %c0_i32_0 : i32, i32
  }
}

</mosaic_0001>

<sc_bundles>
// kernel: kernel.5.cloned.1.call-start
scs
__scs_entry_jumppad:
0x0: {  	(pc) =	sbr.rel $0x88, $3  }
0x1: {  	(tag) =	ssettag $0x0;
	lr =	simm.s32 $0x1  }
0x2: {  	[smem:$0x3F7B] =	sst lr;
	_ =	strace $0xD0000000  }
0x3: {  	_ = 	snop  }
0x4: {  	_ = 	snop  }
0x5: {  	_ = 	snop  }
0x6: {  	_ = 	snop  }
0x7: {  	_ = 	snop  }
__scs_overlays_trampoline_lowered:
0x8: {  	[smem:$0x3F8A] =	sst s0  }
0x9: {  	[smem:$0x3F8B] =	sst s1  }
0xa: {  	[smem:$0x3F8C] =	sst s2  }
0xb: {  	[smem:$0x3F8D] =	sst s3  }
0xc: {  	[smem:$0x3F8E] =	sst s4  }
0xd: {  	[smem:$0x3F8F] =	sst s5  }
0xe: {  	[smem:$0x3F90] =	sst s6  }
0xf: {  	[smem:$0x3F91] =	sst s7  }
0x10: {  	[smem:$0x3F92] =	sst s8  }
0x11: {  	[smem:$0x3F93] =	sst s9;
	s0 =	simm.s32 @!p0 $0x0  }
0x12: {  	s1 =	sld [smem:$0x3F79];
	s0 =	simm.s32 @p0 $0x1  }
0x13: {  	[smem:$0x3F94] =	sst s0;
	s0 =	simm.s32 @!p1 $0x0  }
0x14: {  	s2 =	sld [smem:$0x3F78];
	s0 =	simm.s32 @p1 $0x1  }
0x15: {  	[smem:$0x3F95] =	sst s0;
	s0 =	simm.s32 @!p2 $0x0  }
0x16: {  	s3 =	sld [smem:$0x3FDB];
	s0 =	simm.s32 @p2 $0x1  }
0x17: {  	s4 =	simm.s32 $0x1BF5;
	[smem:$0x3F97] =	sst s0  }
0x18: {  	s0 =	sld [smem:$0x3F7A];
	_ =	swait.ge [sflag:s4], $0x0  }
0x19: {  	s7 =	sld [smem:$0x3F7B]  }
0x1a: {  	s8 =	sadd.s32 $0xFFFFE003, lr  }
0x1b: {  	s9 =	sadd.s32 $0xFFFFFEF7, lr;
	s5 =	simm.s32 $0xFFFFFFFF;
	p2 =	slt.u32 s8, $0xFFFFF086  }
0x1c: {  	p1 =	slt.u32 s9, $0xF7A;
	s5 =	simm.s32 @!p2 $0x0  }
0x1d: {  	s5 =	simm.s32 @p1 $0x1;
	p0 =	seq.s32 s7, s2  }
0x1e: {  	s7 =	smul.u32 @!p0 $0xF7A, s2;
	p2 =	seq.s32 @!p0 s5, $0x0  }
0x1f: {  	s9 =	smul.u32 $0xF7A, s1;
	s8 =	simm.s32 @!p0 $0x1BF5;
	p2 =	por !p2, p0  }
0x20: {  	[sflag:s8] =	ssyncset.s32 @!p0 $0xFFFFF086;
	s6 =	sadd.s32 @!p0 s3, s7;
	s7 =	simm.s32 @!p0 $0x108  }
0x21: {  	s3 =	sadd.s32 s3, s9;
	s6 =	sadd.s32 @!p0 $0x88, s6;
	s7 =	simm.s32 @p2 $0x1082  }
0x22: {  	[simem:s7], [sflag:s8] =	dma.local @!p0 [hbm:s6], $0xF7A  }
0x23: {  	s9 =	sor.u32 $0xD0000000, s2;
	s6 =	simm.s32 $0x108;
	_ =	swait.ge @!p0 [sflag:s8], $0x0  }
0x24: {  	s3 =	sadd.s32 $0x88, s3;
	s6 =	simm.s32 @!p1 $0x1082;
	[sflag:s4] =	ssyncset.s32 $0xFFFFF086  }
0x25: {  	[simem:s6], [sflag:s4] =	dma.local [hbm:s3], $0xF7A  }
0x26: {  	[smem:$0x3F7B] =	sst s1;
	(tag) =	ssettag s2;
	_ =	strace s9  }
0x27: {  	s1 =	sld [smem:$0x3F8B]  }
0x28: {  	s2 =	sld [smem:$0x3F8C]  }
0x29: {  	s4 =	sld [smem:$0x3F8E]  }
0x2a: {  	p0 =	seq.s32 s5, $0x0;
	s5 =	sld [smem:$0x3F8F]  }
0x2b: {  	s6 =	sld [smem:$0x3F90]  }
0x2c: {  	s7 =	sld [smem:$0x3F91]  }
0x2d: {  	s3 =	simm.s32 $0x108;
	s8 =	sld [smem:$0x3F92]  }
0x2e: {  	s3 =	simm.s32 @!p0 $0x1082;
	s9 =	sld [smem:$0x3F93]  }
0x2f: {  	lr =	sadd.s32 s0, s3;
	s0 =	sld [smem:$0x3F8A]  }
0x30: {  	s3 =	sld [smem:$0x3F8D]  }
0x31: {  	[smem:$0x3F96] =	sst s10  }
0x32: {  	s10 =	sld [smem:$0x3F94];
	_ =	sdelay $0x3  }
0x33: {  	p0 =	seq.s32 s10, $0x1;
	s10 =	sld [smem:$0x3F96];
	_ =	sdelay $0x3  }
0x34: {  	[smem:$0x3F96] =	sst s10  }
0x35: {  	s10 =	sld [smem:$0x3F95];
	_ =	sdelay $0x3  }
0x36: {  	p1 =	seq.s32 s10, $0x1;
	s10 =	sld [smem:$0x3F96];
	_ =	sdelay $0x3  }
0x37: {  	[smem:$0x3F96] =	sst s10  }
0x38: {  	s10 =	sld [smem:$0x3F97]  }
0x39: {  	_ = 	snop;
	(pc) =	sbr.ind lr, $3  }
0x3a: {  	_ = 	snop  }
0x3b: {  	_ = 	snop  }
0x3c: {  	p2 =	seq.s32 s10, $0x1;
	s10 =	sld [smem:$0x3F96]  }
0x3d: {  	_ =	shalt  }
0x3e: {  	_ =	shalt  }
0x3f: {  	_ =	shalt  }
0x40: {  	_ =	shalt  }
0x41: {  	_ =	shalt  }
0x42: {  	_ =	shalt  }
0x43: {  	_ =	shalt  }
0x44: {  	_ =	shalt  }
0x45: {  	_ =	shalt  }
0x46: {  	_ =	shalt  }
0x47: {  	_ =	shalt  }
0x48: {  	_ =	shalt  }
0x49: {  	_ =	shalt  }
0x4a: {  	_ =	shalt  }
0x4b: {  	_ =	shalt  }
0x4c: {  	_ =	shalt  }
0x4d: {  	_ =	shalt  }
0x4e: {  	_ =	shalt  }
0x4f: {  	_ =	shalt  }
0x50: {  	_ =	shalt  }
0x51: {  	_ =	shalt  }
0x52: {  	_ =	shalt  }
0x53: {  	_ =	shalt  }
0x54: {  	_ =	shalt  }
0x55: {  	_ =	shalt  }
0x56: {  	_ =	shalt  }
0x57: {  	_ =	shalt  }
0x58: {  	_ =	shalt  }
0x59: {  	_ =	shalt  }
0x5a: {  	_ =	shalt  }
0x5b: {  	_ =	shalt  }
0x5c: {  	_ =	shalt  }
0x5d: {  	_ =	shalt  }
0x5e: {  	_ =	shalt  }
0x5f: {  	_ =	shalt  }
0x60: {  	_ =	shalt  }
0x61: {  	_ =	shalt  }
0x62: {  	_ =	shalt  }
0x63: {  	_ =	shalt  }
0x64: {  	_ =	shalt  }
0x65: {  	_ =	shalt  }
0x66: {  	_ =	shalt  }
0x67: {  	_ =	shalt  }
0x68: {  	_ =	shalt  }
0x69: {  	_ =	shalt  }
0x6a: {  	_ =	shalt  }
0x6b: {  	_ =	shalt  }
0x6c: {  	_ =	shalt  }
0x6d: {  	_ =	shalt  }
0x6e: {  	_ =	shalt  }
0x6f: {  	_ =	shalt  }
0x70: {  	_ =	shalt  }
0x71: {  	_ =	shalt  }
0x72: {  	_ =	shalt  }
0x73: {  	_ =	shalt  }
0x74: {  	_ =	shalt  }
0x75: {  	_ =	shalt  }
0x76: {  	_ =	shalt  }
0x77: {  	_ =	shalt  }
0x78: {  	_ =	shalt  }
0x79: {  	_ =	shalt  }
0x7a: {  	_ =	shalt  }
0x7b: {  	_ =	shalt  }
0x7c: {  	_ =	shalt  }
0x7d: {  	_ =	shalt  }
0x7e: {  	_ =	shalt  }
0x7f: {  	_ =	shalt  }
0x80: {  	_ =	shalt  }
0x81: {  	_ =	shalt  }
0x82: {  	_ =	shalt  }
0x83: {  	_ =	shalt  }
0x84: {  	_ =	shalt  }
0x85: {  	_ =	shalt  }
0x86: {  	_ =	shalt  }
0x87: {  	_ =	shalt  }
.Lfunc_end0:
.L_simem_size_0:
called_computation_lowered:
.L_overlay_start_0:
0x88: {  	s2 =	sld [smem:$0x3FD9]  }
0x89: {  	s3 =	sld [smem:$0x3FFE];
	_ =	sdelay $0x1  }
0x8a: {  	s1 =	srdreg.scid  }
0x8b: {  	s0 =	sand.u32 $0x1, s1  }
0x8c: {  	s17 =	sshll.u32 s0, $0xA;
	s2 =	sadd.s32 s3, s2  }
0x8d: {  	s2 =	sadd.s32 s2, s17  }
0x8e: {  	[smem:$0x3FA2] =	sst s2  }
0x8f: {  	_ = 	snop  }
0x90: {  	s2 =	sld [smem:$0x3FB6];
	(tm) =	ssettm $0x1  }
0x91: {  	s18 =	sld [smem:$0x3FFB];
	_ =	sdelay $0x3  }
0x92: {  	_ =	strace s18  }
0x93: {  	s3 =	sld [smem:$0x3FFC];
	_ =	sdelay $0x3  }
0x94: {  	_ =	strace s3  }
0x95: {  	s3 =	sld [smem:$0x3FFD];
	_ =	sdelay $0x3  }
0x96: {  	_ =	strace s3  }
0x97: {  	_ =	strace $0x8FFFFFFF  }
0x98: {  	s19 =	sld [smem:$0x3FDB];
	_ =	sdelay $0x1  }
0x99: {  	s4 =	simm.s32 $_scs_section_size  }
0x9a: {  	s5 =	simm.s32 $_size__tile_overlayer_lowered;
	s6 =	simm.s32 $_tile_overlayer_lowered  }
0x9b: {  	s22 =	simm.s32 $0x1BFF;
	s21 =	sshll.u32 s6, $0x1;
	s3 =	sadd.s32 s4, s19  }
0x9c: {  	s7 =	simm.s32 $0x0;
	s20 =	sshll.u32 s5, $0x1;
	s5 =	sadd.s32 s21, s3  }
0x9d: {  	[timem:s7], [sflag:s22] =	dma.local [hbm:s5], s20  }
0x9e: {  	_ =	swait.ge [sflag:s22], s20  }
0x9f: {  	s4 =	ssub.s32 $0x0, s20;
	[sflag:s22] =	ssyncset.done $0x0  }
0xa0: {  	[sflag:s22] =	ssyncadd.s32 s4;
	_ =	sdelay $0x1  }
0xa1: {  	s23 =	simm.s32 $0x1B8B  }
0xa2: {  	_ =	swait.ge [sflag:s23], $0x1  }
0xa3: {  	[sflag:s23] =	ssyncset.done $0x0  }
0xa4: {  	s25 =	simm.s32 $0x1B8E;
	s24 =	sld [smem:$0x3FFE];
	[sflag:s23] =	ssyncadd.s32 $0xFFFFFFFF  }
0xa5: {  	s26 =	simm.s32 $execute0_lowered;
	[smem:$0x3FD2] =	sst s25  }
0xa6: {  	s5 =	sshll.u32 s26, $0x1;
	_ =	strace $0x80000046;
	[dreg:$0x1] =	wrdreg $0xFFFFFFFF  }
0xa7: {  	s28 =	simm.s32 $_size_execute0_lowered;
	s3 =	sadd.s32 s3, s5;
	[dreg:$0x0] =	wrdreg $0x0  }
0xa8: {  	s5 =	sshll.u32 s28, $0x1;
	[dreg:$0x2] =	wrdreg s3  }
0xa9: {  	[dreg:$0x3] =	wrdreg s5  }
0xaa: {  	[dreg:$0x4] =	wrdreg $0xC0  }
0xab: {  	_ =	task [dreg:s7], $0x5FFFF  }
0xac: {  	[dreg:$0x1] =	wrdreg $0xFFFFFFFF  }
0xad: {  	[dreg:$0x0] =	wrdreg $0x60  }
0xae: {  	[dreg:$0x2] =	wrdreg s2  }
0xaf: {  	[dreg:$0x3] =	wrdreg s24  }
0xb0: {  	[dreg:$0x4] =	wrdreg $0x9  }
0xb1: {  	_ =	task.clear_ibuf [dreg:s7], $0x5FFFF;
	_ =	strace $0x90000046  }
0xb2: {  	s29 =	simm.s32 $0x9;
	_ =	strace $0x80000048  }
0xb3: {  	_ =	swait.ge [sflag:s29], $0x1  }
0xb4: {  	[sflag:s29] =	ssyncadd.s32 $0xFFFFFFFF  }
0xb5: {  	_ =	strace $0x90000048  }
0xb6: {  	_ =	sfence  }
0xb7: {  	s30 =	sld [smem:$0x0];
	_ =	sdelay $0x2  }
0xb8: {  	s31 =	sshll.u32 s1, $0xD;
	s1 =	sshrl.u32 s1, $0x2  }
0xb9: {  	s3 =	sand.u32 $0x4000, s31;
	s1 =	sadd.s32 s1, s30  }
0xba: {  	s0 =	sor.u32 s3, s0;
	s1 =	sshll.u32 s1, $0x11  }
0xbb: {  	s0 =	sor.u32 s1, s0  }
0xbc: {  	s0 =	sadd.s32 $0x8F2B, s0  }
0xbd: {  	[sflag:s0] =	ssyncadd.remote.s32 $0x1  }
0xbe: {  	_ =	sfence.sel $0xFFFF  }
0xbf: {  	[dreg:$0x0] =	wrdreg $0xFFFFFFFF;
	(pc) =	sbr.abs _section_cstart, $3  }
0xc0: {  	[dreg:$0x1] =	wrdreg $0xFFFFFFFF  }
0xc1: {  	_ =	task.clear_ibuf [dreg:s7], $0x2FFFF;
	_ =	strace $0x9FFFFFFF  }
0xc2: {  	(tm) =	ssettm $0x7FFFFFFF  }
0xc3: {  	_ =	shalt  }
tec
execute0_lowered:
.L_overlay_start_1:
0x0: {  	(tag) =	ssettag $0x1  }
0x1: {  	s1 =	rddreg [dreg:$0x0]  }
0x2: {  	s4 =	rddreg [dreg:$0x1]  }
0x3: {  	s0 =	rddreg [dreg:$0x2];
	s5 =	srdreg.scid  }
0x4: {  	s3 =	simm.s32 $0x0;
	s2 =	stileid.u32;
	s9 =	simm.s32 $0x880  }
0x5: {  	s10 =	simm.s32 $0x1080;
	s11 =	simm.s32 $0x1880;
	s12 =	simm.s32 $0x2080  }
0x6: {  	s13 =	simm.s32 $0x2880;
	s14 =	simm.s32 $0x3080;
	s15 =	simm.s32 $0x3880  }
0x7: {  	s16 =	simm.s32 $0x4080;
	s17 =	simm.s32 $0x4880;
	s18 =	simm.s32 $0x5080  }
0x8: {  	s19 =	simm.s32 $0x5880;
	s20 =	simm.s32 $0x6080;
	s21 =	simm.s32 $0x6880  }
0x9: {  	s22 =	simm.s32 $0x7080;
	s23 =	simm.s32 $0x7880;
	s5 =	sand.u32 $0x1, s5  }
0xa: {  	[smem:$0x7FF] =	sst s3;
	s6 =	sshll.u32 s2, $0x8;
	s7 =	sshll.u32 s5, $0x7  }
0xb: {  	s24 =	simm.s32 $0x1;
	_ =	strace $0x80000047;
	s6 =	sor.u32 s7, s6  }
0xc: {  	s5 =	ssub.s32 $0x2, s5;
	s7 =	sshrl.u32 s6, $0x3;
	s6 =	sshll.u32 s6, $0x5  }
0xd: {  	v2 =	vlaneseq.u32;
	s8 =	sshrl.u32 s5, $0x1;
	s7 =	sadd.s32 s7, s4;
	s6 =	sadd.s32 s6, s4  }
0xe: {  	vm0 =	vmmov $0xffff;
	v1 =	vshrl.u32 v2, $0x3;
	s8 =	ssub.s32 s5, s8;
	s4 =	sadd.s32 $0x77600, s7;
	s5 =	sadd.s32 $0x77800, s6  }
0xf: {  	v0 =	vand.u32 $0x7, v2;
	v2 =	vor.u32 $0x8, v2;
	v1 =	vmul.u32 $0x8, v1;
	s6 =	smax.u32 s8, $0x1;
	s7 =	simm.s32 $0x2;
	s8 =	simm.s32 $0x80  }
.LBB2_1:
0x10: {  	[tilespmem:s3], [sflag:$0x2] =	stream.linear.gather [hbm4b:s4+s3], $0x80, $0x38;
	[tilespmem:$0x8080] =	vst v63  }
0x11: {  	_ =	swait.ge [sflag:s7], $0x80  }
0x12: {  	[sflag:s7] =	ssyncset.done $0x0  }
0x13: {  	[sflag:s7] =	ssyncadd.s32 $0xFFFFFF80  }
0x14: {  	v3 =	vld [tilespmem:$0x0];
	_ =	sdelay $0x4  }
0x15: {  	v4 =	vshll.u32 v3, $0x1  }
0x16: {  	v3 =	vand.u32 $0x7, v3;
	v4 =	vand.u32 $0xFFFFFFF0, v4  }
0x17: {  	v3 =	vor.u32 v3, v4  }
0x18: {  	v4 =	vperm.xlane v3, v0;
	_ =	sdelay $0x1  }
0x19: {  	v3 =	vperm.xlane v3, v2;
	v4 =	vadd.s32 v1, v4;
	_ =	sdelay $0x1  }
0x1a: {  	v3 =	vadd.s32 v1, v3;
	_ =	sdelay $0x2  }
0x1b: {  	[tilespmem:s8], [sflag:$0x1] =	stream.indirect_vreg.gather [hbm4b:s1+s3], $0x80, v4, vm0, $0xb8;
	[tilespmem:$0x8080] =	vst v63  }
0x1c: {  	_ = 	snop  }
0x1d: {  	[tilespmem:s9], [sflag:$0x1] =	stream.indirect_vreg.gather [hbm4b:s1+s3], $0x80, v3, vm0, $0xb8;
	[tilespmem:$0x8080] =	vst v63  }
0x1e: {  	v3 =	vld [tilespmem:$0x10];
	_ =	sdelay $0x4  }
0x1f: {  	v57 =	vshll.u32 v3, $0x1  }
0x20: {  	v3 =	vand.u32 $0x7, v3;
	v4 =	vand.u32 $0xFFFFFFF0, v57  }
0x21: {  	v3 =	vor.u32 v3, v4  }
0x22: {  	v4 =	vperm.xlane v3, v0;
	_ =	sdelay $0x1  }
0x23: {  	v3 =	vperm.xlane v3, v2;
	v4 =	vadd.s32 v1, v4;
	_ =	sdelay $0x1  }
0x24: {  	v3 =	vadd.s32 v1, v3;
	_ =	sdelay $0x2  }
0x25: {  	[tilespmem:s10], [sflag:$0x1] =	stream.indirect_vreg.gather [hbm4b:s1+s3], $0x80, v4, vm0, $0xb8;
	[tilespmem:$0x8080] =	vst v63  }
0x26: {  	_ = 	snop  }
0x27: {  	[tilespmem:s11], [sflag:$0x1] =	stream.indirect_vreg.gather [hbm4b:s1+s3], $0x80, v3, vm0, $0xb8;
	[tilespmem:$0x8080] =	vst v63  }
0x28: {  	v3 =	vld [tilespmem:$0x20];
	_ =	sdelay $0x4  }
0x29: {  	v58 =	vshll.u32 v3, $0x1  }
0x2a: {  	v3 =	vand.u32 $0x7, v3;
	v4 =	vand.u32 $0xFFFFFFF0, v58  }
0x2b: {  	v3 =	vor.u32 v3, v4  }
0x2c: {  	v4 =	vperm.xlane v3, v0;
	_ =	sdelay $0x1  }
0x2d: {  	v3 =	vperm.xlane v3, v2;
	v4 =	vadd.s32 v1, v4;
	_ =	sdelay $0x1  }
0x2e: {  	v3 =	vadd.s32 v1, v3;
	_ =	sdelay $0x2  }
0x2f: {  	[tilespmem:s12], [sflag:$0x1] =	stream.indirect_vreg.gather [hbm4b:s1+s3], $0x80, v4, vm0, $0xb8;
	[tilespmem:$0x8080] =	vst v63  }
0x30: {  	_ = 	snop  }
0x31: {  	[tilespmem:s13], [sflag:$0x1] =	stream.indirect_vreg.gather [hbm4b:s1+s3], $0x80, v3, vm0, $0xb8;
	[tilespmem:$0x8080] =	vst v63  }
0x32: {  	v3 =	vld [tilespmem:$0x30];
	_ =	sdelay $0x4  }
0x33: {  	v59 =	vshll.u32 v3, $0x1  }
0x34: {  	v3 =	vand.u32 $0x7, v3;
	v4 =	vand.u32 $0xFFFFFFF0, v59  }
0x35: {  	v3 =	vor.u32 v3, v4  }
0x36: {  	v4 =	vperm.xlane v3, v0;
	_ =	sdelay $0x1  }
0x37: {  	v3 =	vperm.xlane v3, v2;
	v4 =	vadd.s32 v1, v4;
	_ =	sdelay $0x1  }
0x38: {  	v3 =	vadd.s32 v1, v3;
	_ =	sdelay $0x2  }
0x39: {  	[tilespmem:s14], [sflag:$0x1] =	stream.indirect_vreg.gather [hbm4b:s1+s3], $0x80, v4, vm0, $0xb8;
	[tilespmem:$0x8080] =	vst v63  }
0x3a: {  	_ = 	snop  }
0x3b: {  	[tilespmem:s15], [sflag:$0x1] =	stream.indirect_vreg.gather [hbm4b:s1+s3], $0x80, v3, vm0, $0xb8;
	[tilespmem:$0x8080] =	vst v63  }
0x3c: {  	v3 =	vld [tilespmem:$0x40];
	_ =	sdelay $0x4  }
0x3d: {  	v60 =	vshll.u32 v3, $0x1  }
0x3e: {  	v3 =	vand.u32 $0x7, v3;
	v4 =	vand.u32 $0xFFFFFFF0, v60  }
0x3f: {  	v3 =	vor.u32 v3, v4  }
0x40: {  	v4 =	vperm.xlane v3, v0;
	_ =	sdelay $0x1  }
0x41: {  	v3 =	vperm.xlane v3, v2;
	v4 =	vadd.s32 v1, v4;
	_ =	sdelay $0x1  }
0x42: {  	v3 =	vadd.s32 v1, v3;
	_ =	sdelay $0x2  }
0x43: {  	[tilespmem:s16], [sflag:$0x1] =	stream.indirect_vreg.gather [hbm4b:s1+s3], $0x80, v4, vm0, $0xb8;
	[tilespmem:$0x8080] =	vst v63  }
0x44: {  	_ = 	snop  }
0x45: {  	[tilespmem:s17], [sflag:$0x1] =	stream.indirect_vreg.gather [hbm4b:s1+s3], $0x80, v3, vm0, $0xb8;
	[tilespmem:$0x8080] =	vst v63  }
0x46: {  	v3 =	vld [tilespmem:$0x50];
	_ =	sdelay $0x4  }
0x47: {  	v61 =	vshll.u32 v3, $0x1  }
0x48: {  	v3 =	vand.u32 $0x7, v3;
	v4 =	vand.u32 $0xFFFFFFF0, v61  }
0x49: {  	v3 =	vor.u32 v3, v4  }
0x4a: {  	v4 =	vperm.xlane v3, v0;
	_ =	sdelay $0x1  }
0x4b: {  	v3 =	vperm.xlane v3, v2;
	v4 =	vadd.s32 v1, v4;
	_ =	sdelay $0x1  }
0x4c: {  	v3 =	vadd.s32 v1, v3;
	_ =	sdelay $0x2  }
0x4d: {  	[tilespmem:s18], [sflag:$0x1] =	stream.indirect_vreg.gather [hbm4b:s1+s3], $0x80, v4, vm0, $0xb8;
	[tilespmem:$0x8080] =	vst v63  }
0x4e: {  	_ = 	snop  }
0x4f: {  	[tilespmem:s19], [sflag:$0x1] =	stream.indirect_vreg.gather [hbm4b:s1+s3], $0x80, v3, vm0, $0xb8;
	[tilespmem:$0x8080] =	vst v63  }
0x50: {  	v3 =	vld [tilespmem:$0x60];
	_ =	sdelay $0x4  }
0x51: {  	v62 =	vshll.u32 v3, $0x1  }
0x52: {  	v3 =	vand.u32 $0x7, v3;
	v4 =	vand.u32 $0xFFFFFFF0, v62  }
0x53: {  	v3 =	vor.u32 v3, v4  }
0x54: {  	v4 =	vperm.xlane v3, v0;
	_ =	sdelay $0x1  }
0x55: {  	v3 =	vperm.xlane v3, v2;
	v4 =	vadd.s32 v1, v4;
	_ =	sdelay $0x1  }
0x56: {  	v3 =	vadd.s32 v1, v3;
	_ =	sdelay $0x2  }
0x57: {  	[tilespmem:s20], [sflag:$0x1] =	stream.indirect_vreg.gather [hbm4b:s1+s3], $0x80, v4, vm0, $0xb8;
	[tilespmem:$0x8080] =	vst v63  }
0x58: {  	_ = 	snop  }
0x59: {  	[tilespmem:s21], [sflag:$0x1] =	stream.indirect_vreg.gather [hbm4b:s1+s3], $0x80, v3, vm0, $0xb8;
	[tilespmem:$0x8080] =	vst v63  }
0x5a: {  	v3 =	vld [tilespmem:$0x70];
	_ =	sdelay $0x4  }
0x5b: {  	v63 =	vshll.u32 v3, $0x1  }
0x5c: {  	v3 =	vand.u32 $0x7, v3;
	v4 =	vand.u32 $0xFFFFFFF0, v63  }
0x5d: {  	v3 =	vor.u32 v3, v4  }
0x5e: {  	v4 =	vperm.xlane v3, v0;
	_ =	sdelay $0x1  }
0x5f: {  	v3 =	vperm.xlane v3, v2;
	v4 =	vadd.s32 v1, v4;
	_ =	sdelay $0x1  }
0x60: {  	v3 =	vadd.s32 v1, v3;
	_ =	sdelay $0x2  }
0x61: {  	[tilespmem:s22], [sflag:$0x1] =	stream.indirect_vreg.gather [hbm4b:s1+s3], $0x80, v4, vm0, $0xb8;
	[tilespmem:$0x8080] =	vst v63  }
0x62: {  	_ = 	snop  }
0x63: {  	[tilespmem:s23], [sflag:$0x1] =	stream.indirect_vreg.gather [hbm4b:s1+s3], $0x80, v3, vm0, $0xb8;
	[tilespmem:$0x8080] =	vst v63  }
0x64: {  	_ =	swait.ge [sflag:s24], $0x8000  }
0x65: {  	p0 =	sne.s32 s6, $0x1;
	[sflag:s24] =	ssyncset.done $0x0  }
.Ltmp0:
0x66: {  	[sflag:s24] =	ssyncadd.s32 $0xFFFF8000;
	(pc) =	sbr.rel @p0 .LBB2_1-.Ltmp0, $4  }
0x67: {  	[hbm4b:s5+s3] =	stream.linear.scatter [tilespmem:s8], [sflag:$0x2], $0x8000, $0x38;
	[tilespmem:$0x8080] =	vst v63  }
0x68: {  	_ =	swait.ge [sflag:s7], $0x8000  }
0x69: {  	[sflag:s7] =	ssyncset.done $0x0  }
0x6a: {  	s6 =	sadd.s32 $0xFFFFFFFF, s6;
	[sflag:s7] =	ssyncadd.s32 $0xFFFF8000  }
0x6b: {  	_ =	sfence.sel $0x180000  }
0x6c: {  	[bflag:$0x0] =	sbarrier.arrive $0xFFFF  }
0x6d: {  	p0 =	sne.s32 s2, $0x0;
	_ =	strace $0x90000047  }
0x6e: {  	s0 =	sadd.s32 @!p0 $0x100000, s0;
	[bflag:$0x2] =	sbarrier.arrive $0xFFFF  }
0x6f: {  	[sflag:s0] =	ssyncadd.tile.s32 @!p0 $0x1;
	_ =	shalt  }
.Lfunc_end2:
_tile_overlayer_lowered:
.L_overlay_start_2:
0x70: {  	(tag) =	ssettag $0x2  }
0x71: {  	s0 =	rddreg [dreg:$0x0];
	s2 =	stileid.u32  }
0x72: {  	s1 =	rddreg [dreg:$0x1];
	p0 =	sne.s32 s2, $0x0  }
0x73: {  	s3 =	rddreg [dreg:$0x2];
	[bflag:$0x3] =	sbarrier.arrive $0xFFFF;
	s2 =	simm.s32 @!p0 $0x1C02  }
0x74: {  	[timem:s3], [sflag:s2] =	dma.local @!p0 [hbm:s0], s1  }
0x75: {  	s0 =	simm.s32 @!p0 $0x2  }
0x76: {  	_ =	swait.ge @!p0 [sflag:s0], s1  }
0x77: {  	s1 =	ssub.s32 @!p0 $0x0, s1;
	[sflag:s0] =	ssyncset.done @!p0 $0x0  }
0x78: {  	[sflag:s0] =	ssyncadd.s32 @!p0 s1  }
0x79: {  	[bflag:$0x3] =	sbarrier.arrive $0xFFFF  }
0x7a: {  	_ =	shalt  }

</sc_bundles>
